<compile_context>
chip_gen: v7x
topology: tpu7x:2x2x1
jax: 0.10.2.dev20260603
libtpu: 0.0.44.dev20260713+nightly
codegen_flags: <defaults>
</compile_context>

<pallas_src>
import functools

import jax
import jax.numpy as jnp
from jax import lax
from jax.experimental import pallas as pl
from jax.experimental.pallas import tpu as pltpu
from jax.experimental.pallas import tpu_sc as plsc

N = 10000
E = 320000
D = 128
BN_EPS = 1e-5

S = 1
EPS = E // S
NC, NS, L = 2, 16, 16
NW = NC * NS
EPW = EPS // NW
B = 40
C = EPW // B
NP = 10240
RPT = NP // NS


_BE = 6400


def _rne_bf16_bits(w):
    return w + jnp.int32(0x7FFF) + ((w >> 16) & jnp.int32(1))


def _proj_body(a_ref, w_ref, b_ref, o_ref):
    y = (
        jnp.dot(a_ref[...], w_ref[...], preferred_element_type=jnp.float32)
        + b_ref[...]
    )
    w1 = _rne_bf16_bits(lax.bitcast_convert_type(y[:, : D // 2], jnp.int32))
    w2 = _rne_bf16_bits(lax.bitcast_convert_type(y[:, D // 2 :], jnp.int32))
    o_ref[...] = ((w1 >> 16) & jnp.int32(0xFFFF)) | (w2 & jnp.int32(-65536))


def _make_proj(s):
    nb = EPS // _BE
    return pl.pallas_call(
        _proj_body,
        grid=(nb,),
        in_specs=[
            pl.BlockSpec((_BE, D), lambda i: (i + s * nb, 0)),
            pl.BlockSpec((D, D), lambda i: (0, 0)),
            pl.BlockSpec((1, D), lambda i: (0, 0)),
        ],
        out_specs=pl.BlockSpec((_BE, D // 2), lambda i: (i, 0)),
        out_shape=jax.ShapeDtypeStruct((EPS, D // 2), jnp.int32),
    )


def _sc_body(s, x_hbm, e_hbm, src_hbm, dst_hbm, out_hbm,
             sidx, didx, xg_v, em_v, msg_v, agg_sh,
             gsem0, gsem1, esem0, esem1, ss0, ss1, ds0, ds1, cs0, cs1):
    cid = lax.axis_index("c")
    sid = lax.axis_index("s")
    wid = cid * NS + sid
    gsems = (gsem0, gsem1)
    esems = (esem0, esem1)
    ssems = (ss0, ss1)
    dsems = (ds0, ds1)
    csems = (cs0, cs1)

    def zrow(r, c2):
        for k in range(D // L):
            msg_v[0, r, pl.ds(k * L, L)] = jnp.zeros((L,), jnp.float32)
        return c2

    lax.fori_loop(0, B, zrow, 0)
    def zcopy(i, c2):
        pltpu.sync_copy(msg_v.at[0],
                        agg_sh.at[pl.ds(sid * RPT + i * B, B)])
        return c2

    lax.fori_loop(0, RPT // B, zcopy, 0)
    plsc.subcore_barrier()

    ibase = s * EPS + wid * EPW
    ebase = wid * EPW

    def sidx_desc(ci, b):
        return pltpu.make_async_copy(src_hbm.at[pl.ds(ibase + ci * B, B)],
                                     sidx.at[b], ssems[b])

    def didx_desc(ci, b):
        return pltpu.make_async_copy(dst_hbm.at[pl.ds(ibase + ci * B, B)],
                                     didx.at[b], dsems[b])

    def scat_desc(b):
        return pltpu.make_async_copy(msg_v.at[b], agg_sh.at[didx.at[b]],
                                     csems[b])

    def gather_desc(ci, b):
        return (
            pltpu.make_async_copy(x_hbm.at[sidx.at[b]], xg_v.at[b], gsems[b]),
            pltpu.make_async_copy(e_hbm.at[pl.ds(ebase + ci * B, B)],
                                  em_v.at[b], esems[b]),
        )

    def start(descs):
        for d_ in descs:
            d_.start()

    def wait(descs):
        for d_ in descs:
            d_.wait()

    def chunk_step(ci, b):
        nb = 1 - b

        @pl.when(ci + 1 < C)
        def _():
            sidx_desc(ci + 1, nb).wait()
            start(gather_desc(ci + 1, nb))

        @pl.when(ci >= 2)
        def _():
            scat_desc(b).wait()

        wait(gather_desc(ci, b))

        @pl.when(ci + 2 < C)
        def _():
            sidx_desc(ci + 2, b).start()
            didx_desc(ci + 2, b).start()

        def rows(ri, c2):
            m = jnp.int32(-65536)
            for dr in range(4):
                r = 4 * ri + dr
                for k in range(D // (2 * L)):
                    ks = pl.ds(k * L, L)
                    hs = pl.ds(D // 2 + k * L, L)
                    ew = em_v[b, r, ks]
                    lo = lax.bitcast_convert_type(ew << 16, jnp.float32)
                    hi = lax.bitcast_convert_type(ew & m, jnp.float32)
                    msg_v[b, r, ks] = jnp.maximum(xg_v[b, r, ks] + lo, 0.0)
                    msg_v[b, r, hs] = jnp.maximum(xg_v[b, r, hs] + hi, 0.0)
            return c2

        lax.fori_loop(0, B // 4, rows, 0)
        didx_desc(ci, b).wait()
        pltpu.async_copy(msg_v.at[b], agg_sh.at[didx.at[b]], csems[b],
                         add=True)

    sidx_desc(0, 0).start()
    didx_desc(0, 0).start()
    sidx_desc(0, 0).wait()
    start(gather_desc(0, 0))
    sidx_desc(1, 1).start()
    didx_desc(1, 1).start()

    def pair(g, carry):
        chunk_step(2 * g, 0)
        chunk_step(2 * g + 1, 1)
        return carry

    lax.fori_loop(0, C // 2, pair, 0)
    if C % 2:
        chunk_step(C - 1, 0)
    scat_desc((C - 2) % 2).wait()
    scat_desc((C - 1) % 2).wait()
    plsc.subcore_barrier()

    pltpu.sync_copy(agg_sh.at[pl.ds(sid * RPT, RPT)],
                    out_hbm.at[cid, pl.ds(sid * RPT, RPT)])


def _make_sc(s):
    return pl.kernel(
        functools.partial(_sc_body, s),
        out_type=jax.ShapeDtypeStruct((NC, NP, D), jnp.float32),
        mesh=plsc.VectorSubcoreMesh(core_axis_name="c", subcore_axis_name="s"),
        scratch_types=[
            pltpu.VMEM((2, B), jnp.int32),
            pltpu.VMEM((2, B), jnp.int32),
            pltpu.VMEM((2, B, D), jnp.float32),
            pltpu.VMEM((2, B, D // 2), jnp.int32),
            pltpu.VMEM((2, B, D), jnp.float32),
            pltpu.VMEM_SHARED((NP, D), jnp.float32),
        ] + [pltpu.SemaphoreType.DMA] * 10,
    )


def _mlp_body(x_ref, p_ref, w1_ref, b1_ref, g_ref, bt_ref, w2_ref,
              b2_ref, eps_ref, o_ref):
    xv = x_ref[...]
    agg = p_ref[0, :N, :] + p_ref[1, :N, :]
    h = (1.0 + eps_ref[...]) * xv + agg
    h1 = jnp.dot(h, w1_ref[...], preferred_element_type=jnp.float32) + b1_ref[...]
    mean = jnp.mean(h1, axis=0, keepdims=True)
    ctr = h1 - mean
    var = jnp.mean(ctr * ctr, axis=0, keepdims=True)
    hn = ctr * lax.rsqrt(var + BN_EPS) * g_ref[...] + bt_ref[...]
    h2 = jnp.maximum(hn, 0.0)
    o_ref[...] = (
        xv + jnp.dot(h2, w2_ref[...], preferred_element_type=jnp.float32)
        + b2_ref[...]
    )


_mlp = pl.pallas_call(
    _mlp_body,
    out_shape=jax.ShapeDtypeStruct((N, D), jnp.float32),
)

_projs = [_make_proj(s) for s in range(S)]
_scs = [_make_sc(s) for s in range(S)]


def kernel(x, edge_index, edge_attr, We, be, W1, b1, gamma, beta, W2, b2, eps):
    src = edge_index[0]
    dst = edge_index[1]
    WeT = We.T
    be1 = be.reshape(1, D)
    e0 = _projs[0](edge_attr, WeT, be1)
    parts = _scs[0](x, e0, src, dst)
    out = _mlp(x, parts, W1.T, b1.reshape(1, D),
               gamma.reshape(1, D), beta.reshape(1, D), W2.T,
               b2.reshape(1, D), eps.reshape(1, 1))
    return (out, edge_attr)

# --- scband reference (transcript-rebuilt; emitter-appended) ---
"""Pipeline reference for scband-ginconv-85109071937622 (READ-ONLY COPY).

The authoritative reference and input builder live on the scoring server;
editing this copy changes nothing except your own understanding.
"""

import jax, jax.numpy as jnp
import numpy as np

N = 10000
E = 320000
D = 128
BN_EPS = 1e-5


def setup_inputs(seed: int = 0) -> dict:
    key = jax.random.key(seed)
    ks = jax.random.split(key, 12)
    x = jax.random.normal(ks[0], (N, D), dtype=jnp.float32)
    edge_index = jax.random.randint(ks[1], (2, E), 0, N, dtype=jnp.int32)
    edge_attr = jax.random.normal(ks[2], (E, D), dtype=jnp.float32)
    s = 1.0 / np.sqrt(D)
    # GINEConv internal edge projection (edge_dim -> in_channels)
    We = jax.random.uniform(ks[3], (D, D), jnp.float32, -s, s)
    be = jax.random.uniform(ks[4], (D,), jnp.float32, -s, s)
    # MLP: Linear -> BatchNorm1d -> ReLU -> Dropout(0) -> Linear
    W1 = jax.random.uniform(ks[5], (D, D), jnp.float32, -s, s)
    b1 = jax.random.uniform(ks[6], (D,), jnp.float32, -s, s)
    gamma = jnp.ones((D,), jnp.float32)
    beta = jnp.zeros((D,), jnp.float32)
    W2 = jax.random.uniform(ks[7], (D, D), jnp.float32, -s, s)
    b2 = jax.random.uniform(ks[8], (D,), jnp.float32, -s, s)
    eps = jnp.zeros((), jnp.float32)  # train_eps=True, init 0
    return {"x": x, "edge_index": edge_index, "edge_attr": edge_attr,
            "We": We, "be": be, "W1": W1, "b1": b1,
            "gamma": gamma, "beta": beta, "W2": W2, "b2": b2, "eps": eps}


def reference(x, edge_index, edge_attr, We, be, W1, b1, gamma, beta, W2, b2, eps):
    src = edge_index[0]
    dst = edge_index[1]
    # GINEConv message: ReLU(x_j + lin(edge_attr))
    e = edge_attr @ We.T + be
    msg = jax.nn.relu(x[src] + e)
    # sum aggregation at destination nodes
    agg = jax.ops.segment_sum(msg, dst, num_segments=x.shape[0])
    h = (1.0 + eps) * x + agg
    # MLP: Linear -> BatchNorm1d (training-mode batch stats) -> ReLU -> Dropout(0.0) -> Linear
    h = h @ W1.T + b1
    mean = jnp.mean(h, axis=0)
    var = jnp.var(h, axis=0)
    h = (h - mean) / jnp.sqrt(var + BN_EPS) * gamma + beta
    h = jax.nn.relu(h)
    h = h @ W2.T + b2
    out = x + h
    return (out, edge_attr)

if __name__ == "__main__":
    import jax
    _d = setup_inputs()
    print(jax.jit(kernel)(*tuple(_d.values())))

</pallas_src>

<mosaic_0001>
#map = affine_map<(d0, d1) -> (0, 0)>
#map1 = affine_map<(d0, d1) -> (0)>
#map2 = affine_map<(d0, d1) -> (0, 0, 0)>
module attributes {stable_mosaic.version = 14 : i64} {
  func.func @_sc_body(%arg0: i32, %arg1: i32, %arg2: memref<10000x128xf32, #tpu.memory_space<hbm>>, %arg3: memref<320000x64xi32, #tpu.memory_space<hbm>>, %arg4: memref<320000xi32, #tpu.memory_space<hbm>>, %arg5: memref<320000xi32, #tpu.memory_space<hbm>>, %arg6: memref<2x10240x128xf32, #tpu.memory_space<hbm>>, %arg7: memref<2x40xi32, #tpu.memory_space<vmem>>, %arg8: memref<2x40xi32, #tpu.memory_space<vmem>>, %arg9: memref<2x40x128xf32, #tpu.memory_space<vmem>>, %arg10: memref<2x40x64xi32, #tpu.memory_space<vmem>>, %arg11: memref<2x40x128xf32, #tpu.memory_space<vmem>>, %arg12: memref<10240x128xf32, #tpu.memory_space<vmem_shared>>, %arg13: memref<!tpu.dma_semaphore, #tpu.memory_space<semaphore_mem>>, %arg14: memref<!tpu.dma_semaphore, #tpu.memory_space<semaphore_mem>>, %arg15: memref<!tpu.dma_semaphore, #tpu.memory_space<semaphore_mem>>, %arg16: memref<!tpu.dma_semaphore, #tpu.memory_space<semaphore_mem>>, %arg17: memref<!tpu.dma_semaphore, #tpu.memory_space<semaphore_mem>>, %arg18: memref<!tpu.dma_semaphore, #tpu.memory_space<semaphore_mem>>, %arg19: memref<!tpu.dma_semaphore, #tpu.memory_space<semaphore_mem>>, %arg20: memref<!tpu.dma_semaphore, #tpu.memory_space<semaphore_mem>>, %arg21: memref<!tpu.dma_semaphore, #tpu.memory_space<semaphore_mem>>, %arg22: memref<!tpu.dma_semaphore, #tpu.memory_space<semaphore_mem>>) attributes {dimension_semantics = [#tpu.dimension_semantics<core_parallel>, #tpu.dimension_semantics<subcore_parallel>], iteration_bounds = array<i64: 2, 16>, scalar_prefetch = 0 : i64, scratch_operands = 16 : i64, tpu.core_type = #tpu.core_type<sc_vector_subcore>, window_params = [{transform_indices = #map}, {transform_indices = #map}, {transform_indices = #map1}, {transform_indices = #map1}, {transform_indices = #map2}]} {
    %mul3A = arith.constant 16 : i32
    %mul3A_0 = arith.muli %arg0, %mul3A : i32
    %add3A = arith.addi %mul3A_0, %arg1 : i32
    %scan3A = arith.constant 0 : i32
    %scan3A_1 = arith.constant 0 : i32
    %scan3A_2 = arith.constant 40 : i32
    %scan3A_3 = arith.addi %scan3A_1, %scan3A_2 : i32
    %scan3A_4 = arith.constant 1 : i32
    scf.for %scan3A_133 = %scan3A_1 to %scan3A_3 step %scan3A_4  : i32 {
      %broadcast_in_dim3A = arith.constant 0.000000e+00 : f32
      %broadcast_in_dim3A_134 = vector.broadcast %broadcast_in_dim3A : f32 to vector<16xf32>
      %swap3A = arith.constant 0 : i32
      %swap3A_135 = arith.index_cast %swap3A : i32 to index
      %swap3A_136 = arith.index_cast %scan3A_133 : i32 to index
      %swap3A_137 = arith.constant 0 : index
      %swap3A_138 = tpu.vector_load %arg11[%swap3A_135, %swap3A_136, %swap3A_137] {strides = array<i32>} : memref<2x40x128xf32, #tpu.memory_space<vmem>>, vector<1x1x16xf32>,
      %swap3A_139 = vector.shape_cast %swap3A_138 : vector<1x1x16xf32> to vector<16xf32>
      %swap3A_140 = vector.shape_cast %broadcast_in_dim3A_134 : vector<16xf32> to vector<1x1x16xf32>
      tpu.vector_store %arg11[%swap3A_135, %swap3A_136, %swap3A_137], %swap3A_140 {strides = array<i32>} : memref<2x40x128xf32, #tpu.memory_space<vmem>>, vector<1x1x16xf32>,
      %broadcast_in_dim3A_141 = arith.constant 0.000000e+00 : f32
      %broadcast_in_dim3A_142 = vector.broadcast %broadcast_in_dim3A_141 : f32 to vector<16xf32>
      %swap3A_143 = arith.constant 0 : i32
      %swap3A_144 = arith.index_cast %swap3A_143 : i32 to index
      %swap3A_145 = arith.index_cast %scan3A_133 : i32 to index
      %swap3A_146 = arith.constant 16 : index
      %swap3A_147 = tpu.vector_load %arg11[%swap3A_144, %swap3A_145, %swap3A_146] {strides = array<i32>} : memref<2x40x128xf32, #tpu.memory_space<vmem>>, vector<1x1x16xf32>,
      %swap3A_148 = vector.shape_cast %swap3A_147 : vector<1x1x16xf32> to vector<16xf32>
      %swap3A_149 = vector.shape_cast %broadcast_in_dim3A_142 : vector<16xf32> to vector<1x1x16xf32>
      tpu.vector_store %arg11[%swap3A_144, %swap3A_145, %swap3A_146], %swap3A_149 {strides = array<i32>} : memref<2x40x128xf32, #tpu.memory_space<vmem>>, vector<1x1x16xf32>,
      %broadcast_in_dim3A_150 = arith.constant 0.000000e+00 : f32
      %broadcast_in_dim3A_151 = vector.broadcast %broadcast_in_dim3A_150 : f32 to vector<16xf32>
      %swap3A_152 = arith.constant 0 : i32
      %swap3A_153 = arith.index_cast %swap3A_152 : i32 to index
      %swap3A_154 = arith.index_cast %scan3A_133 : i32 to index
      %swap3A_155 = arith.constant 32 : index
      %swap3A_156 = tpu.vector_load %arg11[%swap3A_153, %swap3A_154, %swap3A_155] {strides = array<i32>} : memref<2x40x128xf32, #tpu.memory_space<vmem>>, vector<1x1x16xf32>,
      %swap3A_157 = vector.shape_cast %swap3A_156 : vector<1x1x16xf32> to vector<16xf32>
      %swap3A_158 = vector.shape_cast %broadcast_in_dim3A_151 : vector<16xf32> to vector<1x1x16xf32>
      tpu.vector_store %arg11[%swap3A_153, %swap3A_154, %swap3A_155], %swap3A_158 {strides = array<i32>} : memref<2x40x128xf32, #tpu.memory_space<vmem>>, vector<1x1x16xf32>,
      %broadcast_in_dim3A_159 = arith.constant 0.000000e+00 : f32
      %broadcast_in_dim3A_160 = vector.broadcast %broadcast_in_dim3A_159 : f32 to vector<16xf32>
      %swap3A_161 = arith.constant 0 : i32
      %swap3A_162 = arith.index_cast %swap3A_161 : i32 to index
      %swap3A_163 = arith.index_cast %scan3A_133 : i32 to index
      %swap3A_164 = arith.constant 48 : index
      %swap3A_165 = tpu.vector_load %arg11[%swap3A_162, %swap3A_163, %swap3A_164] {strides = array<i32>} : memref<2x40x128xf32, #tpu.memory_space<vmem>>, vector<1x1x16xf32>,
      %swap3A_166 = vector.shape_cast %swap3A_165 : vector<1x1x16xf32> to vector<16xf32>
      %swap3A_167 = vector.shape_cast %broadcast_in_dim3A_160 : vector<16xf32> to vector<1x1x16xf32>
      tpu.vector_store %arg11[%swap3A_162, %swap3A_163, %swap3A_164], %swap3A_167 {strides = array<i32>} : memref<2x40x128xf32, #tpu.memory_space<vmem>>, vector<1x1x16xf32>,
      %broadcast_in_dim3A_168 = arith.constant 0.000000e+00 : f32
      %broadcast_in_dim3A_169 = vector.broadcast %broadcast_in_dim3A_168 : f32 to vector<16xf32>
      %swap3A_170 = arith.constant 0 : i32
      %swap3A_171 = arith.index_cast %swap3A_170 : i32 to index
      %swap3A_172 = arith.index_cast %scan3A_133 : i32 to index
      %swap3A_173 = arith.constant 64 : index
      %swap3A_174 = tpu.vector_load %arg11[%swap3A_171, %swap3A_172, %swap3A_173] {strides = array<i32>} : memref<2x40x128xf32, #tpu.memory_space<vmem>>, vector<1x1x16xf32>,
      %swap3A_175 = vector.shape_cast %swap3A_174 : vector<1x1x16xf32> to vector<16xf32>
      %swap3A_176 = vector.shape_cast %broadcast_in_dim3A_169 : vector<16xf32> to vector<1x1x16xf32>
      tpu.vector_store %arg11[%swap3A_171, %swap3A_172, %swap3A_173], %swap3A_176 {strides = array<i32>} : memref<2x40x128xf32, #tpu.memory_space<vmem>>, vector<1x1x16xf32>,
      %broadcast_in_dim3A_177 = arith.constant 0.000000e+00 : f32
      %broadcast_in_dim3A_178 = vector.broadcast %broadcast_in_dim3A_177 : f32 to vector<16xf32>
      %swap3A_179 = arith.constant 0 : i32
      %swap3A_180 = arith.index_cast %swap3A_179 : i32 to index
      %swap3A_181 = arith.index_cast %scan3A_133 : i32 to index
      %swap3A_182 = arith.constant 80 : index
      %swap3A_183 = tpu.vector_load %arg11[%swap3A_180, %swap3A_181, %swap3A_182] {strides = array<i32>} : memref<2x40x128xf32, #tpu.memory_space<vmem>>, vector<1x1x16xf32>,
      %swap3A_184 = vector.shape_cast %swap3A_183 : vector<1x1x16xf32> to vector<16xf32>
      %swap3A_185 = vector.shape_cast %broadcast_in_dim3A_178 : vector<16xf32> to vector<1x1x16xf32>
      tpu.vector_store %arg11[%swap3A_180, %swap3A_181, %swap3A_182], %swap3A_185 {strides = array<i32>} : memref<2x40x128xf32, #tpu.memory_space<vmem>>, vector<1x1x16xf32>,
      %broadcast_in_dim3A_186 = arith.constant 0.000000e+00 : f32
      %broadcast_in_dim3A_187 = vector.broadcast %broadcast_in_dim3A_186 : f32 to vector<16xf32>
      %swap3A_188 = arith.constant 0 : i32
      %swap3A_189 = arith.index_cast %swap3A_188 : i32 to index
      %swap3A_190 = arith.index_cast %scan3A_133 : i32 to index
      %swap3A_191 = arith.constant 96 : index
      %swap3A_192 = tpu.vector_load %arg11[%swap3A_189, %swap3A_190, %swap3A_191] {strides = array<i32>} : memref<2x40x128xf32, #tpu.memory_space<vmem>>, vector<1x1x16xf32>,
      %swap3A_193 = vector.shape_cast %swap3A_192 : vector<1x1x16xf32> to vector<16xf32>
      %swap3A_194 = vector.shape_cast %broadcast_in_dim3A_187 : vector<16xf32> to vector<1x1x16xf32>
      tpu.vector_store %arg11[%swap3A_189, %swap3A_190, %swap3A_191], %swap3A_194 {strides = array<i32>} : memref<2x40x128xf32, #tpu.memory_space<vmem>>, vector<1x1x16xf32>,
      %broadcast_in_dim3A_195 = arith.constant 0.000000e+00 : f32
      %broadcast_in_dim3A_196 = vector.broadcast %broadcast_in_dim3A_195 : f32 to vector<16xf32>
      %swap3A_197 = arith.constant 0 : i32
      %swap3A_198 = arith.index_cast %swap3A_197 : i32 to index
      %swap3A_199 = arith.index_cast %scan3A_133 : i32 to index
      %swap3A_200 = arith.constant 112 : index
      %swap3A_201 = tpu.vector_load %arg11[%swap3A_198, %swap3A_199, %swap3A_200] {strides = array<i32>} : memref<2x40x128xf32, #tpu.memory_space<vmem>>, vector<1x1x16xf32>,
      %swap3A_202 = vector.shape_cast %swap3A_201 : vector<1x1x16xf32> to vector<16xf32>
      %swap3A_203 = vector.shape_cast %broadcast_in_dim3A_196 : vector<16xf32> to vector<1x1x16xf32>
      tpu.vector_store %arg11[%swap3A_198, %swap3A_199, %swap3A_200], %swap3A_203 {strides = array<i32>} : memref<2x40x128xf32, #tpu.memory_space<vmem>>, vector<1x1x16xf32>,
    }
    %scan3A_5 = arith.constant 40 : i32
    %scan3A_6 = arith.constant 0 : i32
    %scan3A_7 = arith.constant 0 : i32
    %scan3A_8 = arith.constant 16 : i32
    %scan3A_9 = arith.addi %scan3A_7, %scan3A_8 : i32
    %scan3A_10 = arith.constant 1 : i32
    scf.for %scan3A_133 = %scan3A_7 to %scan3A_9 step %scan3A_10  : i32 {
      %mul3A_134 = arith.constant 640 : i32
      %mul3A_135 = arith.muli %arg1, %mul3A_134 : i32
      %mul3A_136 = arith.constant 40 : i32
      %mul3A_137 = arith.muli %scan3A_133, %mul3A_136 : i32
      %add3A_138 = arith.addi %mul3A_135, %mul3A_137 : i32
      %run_scoped3A = arith.constant 0 : i32
      "tpu.region"() ({
        %run_scoped3A_139 = tpu.sem_alloc : memref<!tpu.dma_semaphore, #tpu.memory_space<semaphore_mem>>
        %dma_start3A_140 = arith.constant 0 : i32
        %dma_start3A_141 = arith.constant 0 : i32
        %dma_start3A_142 = tpu.memref_slice %arg11[%run_scoped3A, %dma_start3A_140, %dma_start3A_141] : memref<2x40x128xf32, #tpu.memory_space<vmem>> -> memref<1x40x128xf32, #tpu.memory_space<vmem>>
        %dma_start3A_143 = tpu.memref_squeeze %dma_start3A_142 : memref<1x40x128xf32, #tpu.memory_space<vmem>> -> memref<40x128xf32, #tpu.memory_space<vmem>>
        %dma_start3A_144 = arith.constant 0 : i32
        %dma_start3A_145 = tpu.memref_slice %arg12[%add3A_138, %dma_start3A_144] : memref<10240x128xf32, #tpu.memory_space<vmem_shared>> -> memref<40x128xf32, #tpu.memory_space<vmem_shared>>
        %dma_start3A_146 = arith.constant 0 : i32
        %dma_start3A_147 = tpu.memref_slice %arg12[%add3A_138, %dma_start3A_146] : memref<10240x128xf32, #tpu.memory_space<vmem_shared>> -> memref<40x128xf32, #tpu.memory_space<vmem_shared>>
        %dma_start3A_148 = arith.constant 0 : i32
        %dma_start3A_149 = arith.constant 0 : i32
        %dma_start3A_150 = tpu.memref_slice %arg11[%run_scoped3A, %dma_start3A_148, %dma_start3A_149] : memref<2x40x128xf32, #tpu.memory_space<vmem>> -> memref<1x40x128xf32, #tpu.memory_space<vmem>>
        %dma_start3A_151 = tpu.memref_squeeze %dma_start3A_150 : memref<1x40x128xf32, #tpu.memory_space<vmem>> -> memref<40x128xf32, #tpu.memory_space<vmem>>
        tpu.enqueue_dma source(%dma_start3A_151 : memref<40x128xf32, #tpu.memory_space<vmem>>) target(%dma_start3A_147 : memref<40x128xf32, #tpu.memory_space<vmem_shared>>) target_semaphore(%run_scoped3A_139 : memref<!tpu.dma_semaphore, #tpu.memory_space<semaphore_mem>>)
        %dma_wait3A_152 = arith.constant 0 : i32
        %dma_wait3A_153 = arith.constant 0 : i32
        %dma_wait3A_154 = tpu.memref_slice %arg11[%run_scoped3A, %dma_wait3A_152, %dma_wait3A_153] : memref<2x40x128xf32, #tpu.memory_space<vmem>> -> memref<1x40x128xf32, #tpu.memory_space<vmem>>
        %dma_wait3A_155 = tpu.memref_squeeze %dma_wait3A_154 : memref<1x40x128xf32, #tpu.memory_space<vmem>> -> memref<40x128xf32, #tpu.memory_space<vmem>>
        %dma_wait3A_156 = arith.constant 0 : i32
        %dma_wait3A_157 = tpu.memref_slice %arg12[%add3A_138, %dma_wait3A_156] : memref<10240x128xf32, #tpu.memory_space<vmem_shared>> -> memref<40x128xf32, #tpu.memory_space<vmem_shared>>
        %dma_wait3A_158 = arith.constant 0 : i32
        %dma_wait3A_159 = tpu.memref_slice %arg12[%add3A_138, %dma_wait3A_158] : memref<10240x128xf32, #tpu.memory_space<vmem_shared>> -> memref<40x128xf32, #tpu.memory_space<vmem_shared>>
        %dma_wait3A_160 = arith.constant 0 : i32
        %dma_wait3A_161 = arith.constant 0 : i32
        %dma_wait3A_162 = tpu.memref_slice %arg11[%run_scoped3A, %dma_wait3A_160, %dma_wait3A_161] : memref<2x40x128xf32, #tpu.memory_space<vmem>> -> memref<1x40x128xf32, #tpu.memory_space<vmem>>
        %dma_wait3A_163 = tpu.memref_squeeze %dma_wait3A_162 : memref<1x40x128xf32, #tpu.memory_space<vmem>> -> memref<40x128xf32, #tpu.memory_space<vmem>>
        tpu.wait_dma2 semaphore(%run_scoped3A_139 : memref<!tpu.dma_semaphore, #tpu.memory_space<semaphore_mem>>) src(%dma_wait3A_163 : memref<40x128xf32, #tpu.memory_space<vmem>>) dst(%dma_wait3A_159 : memref<40x128xf32, #tpu.memory_space<vmem_shared>>)
        tpu.yield
      }) : () -> ()
    }
    %scan3A_11 = arith.constant 16 : i32
    %barrier3A = arith.constant 0 : index
    tpu.barrier barrier_id(%barrier3A)
    %mul3A_12 = arith.constant 10000 : i32
    %mul3A_13 = arith.muli %add3A, %mul3A_12 : i32
    %add3A_14 = arith.constant 0 : i32
    %add3A_15 = arith.addi %add3A_14, %mul3A_13 : i32
    %mul3A_16 = arith.constant 10000 : i32
    %mul3A_17 = arith.muli %add3A, %mul3A_16 : i32
    %add3A_18 = arith.constant 0 : i32
    %add3A_19 = arith.addi %add3A_15, %add3A_18 : i32
    %dma_start3A = arith.constant 0 : i32
    %dma_start3A_20 = arith.constant 0 : i32
    %dma_start3A_21 = tpu.memref_slice %arg7[%dma_start3A, %dma_start3A_20] : memref<2x40xi32, #tpu.memory_space<vmem>> -> memref<1x40xi32, #tpu.memory_space<vmem>>
    %dma_start3A_22 = tpu.memref_squeeze %dma_start3A_21 : memref<1x40xi32, #tpu.memory_space<vmem>> -> memref<40xi32, #tpu.memory_space<vmem>>
    %dma_start3A_23 = tpu.memref_slice %arg4[%add3A_19] : memref<320000xi32, #tpu.memory_space<hbm>> -> memref<40xi32, #tpu.memory_space<hbm>>
    %dma_start3A_24 = arith.constant 0 : i32
    %dma_start3A_25 = tpu.memref_slice %arg7[%dma_start3A, %dma_start3A_24] : memref<2x40xi32, #tpu.memory_space<vmem>> -> memref<1x40xi32, #tpu.memory_space<vmem>>
    %dma_start3A_26 = tpu.memref_squeeze %dma_start3A_25 : memref<1x40xi32, #tpu.memory_space<vmem>> -> memref<40xi32, #tpu.memory_space<vmem>>
    %dma_start3A_27 = tpu.memref_slice %arg4[%add3A_19] : memref<320000xi32, #tpu.memory_space<hbm>> -> memref<40xi32, #tpu.memory_space<hbm>>
    tpu.enqueue_dma source(%dma_start3A_27 : memref<40xi32, #tpu.memory_space<hbm>>) target(%dma_start3A_26 : memref<40xi32, #tpu.memory_space<vmem>>) target_semaphore(%arg17 : memref<!tpu.dma_semaphore, #tpu.memory_space<semaphore_mem>>)
    %add3A_28 = arith.constant 0 : i32
    %add3A_29 = arith.addi %add3A_15, %add3A_28 : i32
    %dma_start3A_30 = arith.constant 0 : i32
    %dma_start3A_31 = arith.constant 0 : i32
    %dma_start3A_32 = tpu.memref_slice %arg8[%dma_start3A_30, %dma_start3A_31] : memref<2x40xi32, #tpu.memory_space<vmem>> -> memref<1x40xi32, #tpu.memory_space<vmem>>
    %dma_start3A_33 = tpu.memref_squeeze %dma_start3A_32 : memref<1x40xi32, #tpu.memory_space<vmem>> -> memref<40xi32, #tpu.memory_space<vmem>>
    %dma_start3A_34 = tpu.memref_slice %arg5[%add3A_29] : memref<320000xi32, #tpu.memory_space<hbm>> -> memref<40xi32, #tpu.memory_space<hbm>>
    %dma_start3A_35 = arith.constant 0 : i32
    %dma_start3A_36 = tpu.memref_slice %arg8[%dma_start3A_30, %dma_start3A_35] : memref<2x40xi32, #tpu.memory_space<vmem>> -> memref<1x40xi32, #tpu.memory_space<vmem>>
    %dma_start3A_37 = tpu.memref_squeeze %dma_start3A_36 : memref<1x40xi32, #tpu.memory_space<vmem>> -> memref<40xi32, #tpu.memory_space<vmem>>
    %dma_start3A_38 = tpu.memref_slice %arg5[%add3A_29] : memref<320000xi32, #tpu.memory_space<hbm>> -> memref<40xi32, #tpu.memory_space<hbm>>
    tpu.enqueue_dma source(%dma_start3A_38 : memref<40xi32, #tpu.memory_space<hbm>>) target(%dma_start3A_37 : memref<40xi32, #tpu.memory_space<vmem>>) target_semaphore(%arg19 : memref<!tpu.dma_semaphore, #tpu.memory_space<semaphore_mem>>)
    %add3A_39 = arith.constant 0 : i32
    %add3A_40 = arith.addi %add3A_15, %add3A_39 : i32
    %dma_wait3A = arith.constant 0 : i32
    %dma_wait3A_41 = arith.constant 0 : i32
    %dma_wait3A_42 = tpu.memref_slice %arg7[%dma_wait3A, %dma_wait3A_41] : memref<2x40xi32, #tpu.memory_space<vmem>> -> memref<1x40xi32, #tpu.memory_space<vmem>>
    %dma_wait3A_43 = tpu.memref_squeeze %dma_wait3A_42 : memref<1x40xi32, #tpu.memory_space<vmem>> -> memref<40xi32, #tpu.memory_space<vmem>>
    %dma_wait3A_44 = tpu.memref_slice %arg4[%add3A_40] : memref<320000xi32, #tpu.memory_space<hbm>> -> memref<40xi32, #tpu.memory_space<hbm>>
    %dma_wait3A_45 = arith.constant 0 : i32
    %dma_wait3A_46 = tpu.memref_slice %arg7[%dma_wait3A, %dma_wait3A_45] : memref<2x40xi32, #tpu.memory_space<vmem>> -> memref<1x40xi32, #tpu.memory_space<vmem>>
    %dma_wait3A_47 = tpu.memref_squeeze %dma_wait3A_46 : memref<1x40xi32, #tpu.memory_space<vmem>> -> memref<40xi32, #tpu.memory_space<vmem>>
    %dma_wait3A_48 = tpu.memref_slice %arg4[%add3A_40] : memref<320000xi32, #tpu.memory_space<hbm>> -> memref<40xi32, #tpu.memory_space<hbm>>
    tpu.wait_dma2 semaphore(%arg17 : memref<!tpu.dma_semaphore, #tpu.memory_space<semaphore_mem>>) src(%dma_wait3A_48 : memref<40xi32, #tpu.memory_space<hbm>>) dst(%dma_wait3A_47 : memref<40xi32, #tpu.memory_space<vmem>>)
    %add3A_49 = arith.constant 0 : i32
    %add3A_50 = arith.addi %mul3A_17, %add3A_49 : i32
    %dma_start3A_51 = arith.constant 0 : i32
    %dma_start3A_52 = arith.constant 0 : i32
    %dma_start3A_53 = arith.constant 0 : i32
    %dma_start3A_54 = arith.constant 0 : i32
    %dma_start3A_55 = tpu.memref_slice %arg9[%dma_start3A_52, %dma_start3A_53, %dma_start3A_54] : memref<2x40x128xf32, #tpu.memory_space<vmem>> -> memref<1x40x128xf32, #tpu.memory_space<vmem>>
    %dma_start3A_56 = tpu.memref_squeeze %dma_start3A_55 : memref<1x40x128xf32, #tpu.memory_space<vmem>> -> memref<40x128xf32, #tpu.memory_space<vmem>>
    %dma_start3A_57 = arith.constant 0 : i32
    %dma_start3A_58 = tpu.memref_slice %arg7[%dma_start3A_51, %dma_start3A_57] : memref<2x40xi32, #tpu.memory_space<vmem>> -> memref<1x40xi32, #tpu.memory_space<vmem>>
    %dma_start3A_59 = tpu.memref_squeeze %dma_start3A_58 : memref<1x40xi32, #tpu.memory_space<vmem>> -> memref<40xi32, #tpu.memory_space<vmem>>
    %dma_start3A_60 = arith.constant 0 : i32
    %dma_start3A_61 = arith.constant 0 : i32
    %dma_start3A_62 = tpu.memref_slice %arg2[%dma_start3A_60, %dma_start3A_61] : memref<10000x128xf32, #tpu.memory_space<hbm>> -> memref<10000x128xf32, #tpu.memory_space<hbm>>
    tpu.enqueue_indirect_dma source(%dma_start3A_62 : memref<10000x128xf32, #tpu.memory_space<hbm>>) target(%dma_start3A_56 : memref<40x128xf32, #tpu.memory_space<vmem>>) offsets(%dma_start3A_59 : memref<40xi32, #tpu.memory_space<vmem>>) semaphore(%arg13 : memref<!tpu.dma_semaphore, #tpu.memory_space<semaphore_mem>>)
    %dma_start3A_63 = arith.constant 0 : i32
    %dma_start3A_64 = arith.constant 0 : i32
    %dma_start3A_65 = arith.constant 0 : i32
    %dma_start3A_66 = tpu.memref_slice %arg10[%dma_start3A_63, %dma_start3A_64, %dma_start3A_65] : memref<2x40x64xi32, #tpu.memory_space<vmem>> -> memref<1x40x64xi32, #tpu.memory_space<vmem>>
    %dma_start3A_67 = tpu.memref_squeeze %dma_start3A_66 : memref<1x40x64xi32, #tpu.memory_space<vmem>> -> memref<40x64xi32, #tpu.memory_space<vmem>>
    %dma_start3A_68 = arith.constant 0 : i32
    %dma_start3A_69 = tpu.memref_slice %arg3[%add3A_50, %dma_start3A_68] : memref<320000x64xi32, #tpu.memory_space<hbm>> -> memref<40x64xi32, #tpu.memory_space<hbm>>
    %dma_start3A_70 = arith.constant 0 : i32
    %dma_start3A_71 = arith.constant 0 : i32
    %dma_start3A_72 = tpu.memref_slice %arg10[%dma_start3A_63, %dma_start3A_70, %dma_start3A_71] : memref<2x40x64xi32, #tpu.memory_space<vmem>> -> memref<1x40x64xi32, #tpu.memory_space<vmem>>
    %dma_start3A_73 = tpu.memref_squeeze %dma_start3A_72 : memref<1x40x64xi32, #tpu.memory_space<vmem>> -> memref<40x64xi32, #tpu.memory_space<vmem>>
    %dma_start3A_74 = arith.constant 0 : i32
    %dma_start3A_75 = tpu.memref_slice %arg3[%add3A_50, %dma_start3A_74] : memref<320000x64xi32, #tpu.memory_space<hbm>> -> memref<40x64xi32, #tpu.memory_space<hbm>>
    tpu.enqueue_dma source(%dma_start3A_75 : memref<40x64xi32, #tpu.memory_space<hbm>>) target(%dma_start3A_73 : memref<40x64xi32, #tpu.memory_space<vmem>>) target_semaphore(%arg15 : memref<!tpu.dma_semaphore, #tpu.memory_space<semaphore_mem>>)
    %add3A_76 = arith.constant 40 : i32
    %add3A_77 = arith.addi %add3A_15, %add3A_76 : i32
    %dma_start3A_78 = arith.constant 1 : i32
    %dma_start3A_79 = arith.constant 0 : i32
    %dma_start3A_80 = tpu.memref_slice %arg7[%dma_start3A_78, %dma_start3A_79] : memref<2x40xi32, #tpu.memory_space<vmem>> -> memref<1x40xi32, #tpu.memory_space<vmem>>
    %dma_start3A_81 = tpu.memref_squeeze %dma_start3A_80 : memref<1x40xi32, #tpu.memory_space<vmem>> -> memref<40xi32, #tpu.memory_space<vmem>>
    %dma_start3A_82 = tpu.memref_slice %arg4[%add3A_77] : memref<320000xi32, #tpu.memory_space<hbm>> -> memref<40xi32, #tpu.memory_space<hbm>>
    %dma_start3A_83 = arith.constant 0 : i32
    %dma_start3A_84 = tpu.memref_slice %arg7[%dma_start3A_78, %dma_start3A_83] : memref<2x40xi32, #tpu.memory_space<vmem>> -> memref<1x40xi32, #tpu.memory_space<vmem>>
    %dma_start3A_85 = tpu.memref_squeeze %dma_start3A_84 : memref<1x40xi32, #tpu.memory_space<vmem>> -> memref<40xi32, #tpu.memory_space<vmem>>
    %dma_start3A_86 = tpu.memref_slice %arg4[%add3A_77] : memref<320000xi32, #tpu.memory_space<hbm>> -> memref<40xi32, #tpu.memory_space<hbm>>
    tpu.enqueue_dma source(%dma_start3A_86 : memref<40xi32, #tpu.memory_space<hbm>>) target(%dma_start3A_85 : memref<40xi32, #tpu.memory_space<vmem>>) target_semaphore(%arg18 : memref<!tpu.dma_semaphore, #tpu.memory_space<semaphore_mem>>)
    %add3A_87 = arith.constant 40 : i32
    %add3A_88 = arith.addi %add3A_15, %add3A_87 : i32
    %dma_start3A_89 = arith.constant 1 : i32
    %dma_start3A_90 = arith.constant 0 : i32
    %dma_start3A_91 = tpu.memref_slice %arg8[%dma_start3A_89, %dma_start3A_90] : memref<2x40xi32, #tpu.memory_space<vmem>> -> memref<1x40xi32, #tpu.memory_space<vmem>>
    %dma_start3A_92 = tpu.memref_squeeze %dma_start3A_91 : memref<1x40xi32, #tpu.memory_space<vmem>> -> memref<40xi32, #tpu.memory_space<vmem>>
    %dma_start3A_93 = tpu.memref_slice %arg5[%add3A_88] : memref<320000xi32, #tpu.memory_space<hbm>> -> memref<40xi32, #tpu.memory_space<hbm>>
    %dma_start3A_94 = arith.constant 0 : i32
    %dma_start3A_95 = tpu.memref_slice %arg8[%dma_start3A_89, %dma_start3A_94] : memref<2x40xi32, #tpu.memory_space<vmem>> -> memref<1x40xi32, #tpu.memory_space<vmem>>
    %dma_start3A_96 = tpu.memref_squeeze %dma_start3A_95 : memref<1x40xi32, #tpu.memory_space<vmem>> -> memref<40xi32, #tpu.memory_space<vmem>>
    %dma_start3A_97 = tpu.memref_slice %arg5[%add3A_88] : memref<320000xi32, #tpu.memory_space<hbm>> -> memref<40xi32, #tpu.memory_space<hbm>>
    tpu.enqueue_dma source(%dma_start3A_97 : memref<40xi32, #tpu.memory_space<hbm>>) target(%dma_start3A_96 : memref<40xi32, #tpu.memory_space<vmem>>) target_semaphore(%arg20 : memref<!tpu.dma_semaphore, #tpu.memory_space<semaphore_mem>>)
    %scan3A_98 = arith.constant 0 : i32
    %scan3A_99 = arith.constant 0 : i32
    %scan3A_100 = arith.constant 125 : i32
    %scan3A_101 = arith.addi %scan3A_99, %scan3A_100 : i32
    %scan3A_102 = arith.constant 1 : i32
    scf.for %scan3A_133 = %scan3A_99 to %scan3A_101 step %scan3A_102  : i32 {
      %mul3A_134 = arith.constant 2 : i32
      %mul3A_135 = arith.muli %mul3A_134, %scan3A_133 : i32
      %add3A_136 = arith.constant 1 : i32
      %add3A_137 = arith.addi %mul3A_135, %add3A_136 : i32
      %lt3A = arith.constant 250 : i32
      %lt3A_138 = arith.cmpi slt, %add3A_137, %lt3A : i32
      %convert_element_type3A = arith.extui %lt3A_138 : i1 to i32
      %cond3A = arith.constant 0 : i32
      %cond3A_139 = arith.cmpi ne, %convert_element_type3A, %cond3A : i32
      scf.if %cond3A_139 {
        %add3A_290 = arith.constant 1 : i32
        %add3A_291 = arith.addi %mul3A_135, %add3A_290 : i32
        %mul3A_292 = arith.constant 40 : i32
        %mul3A_293 = arith.muli %add3A_291, %mul3A_292 : i32
        %add3A_294 = arith.addi %add3A_15, %mul3A_293 : i32
        %dma_wait3A_295 = arith.constant 1 : i32
        %dma_wait3A_296 = arith.constant 0 : i32
        %dma_wait3A_297 = tpu.memref_slice %arg7[%dma_wait3A_295, %dma_wait3A_296] : memref<2x40xi32, #tpu.memory_space<vmem>> -> memref<1x40xi32, #tpu.memory_space<vmem>>
        %dma_wait3A_298 = tpu.memref_squeeze %dma_wait3A_297 : memref<1x40xi32, #tpu.memory_space<vmem>> -> memref<40xi32, #tpu.memory_space<vmem>>
        %dma_wait3A_299 = tpu.memref_slice %arg4[%add3A_294] : memref<320000xi32, #tpu.memory_space<hbm>> -> memref<40xi32, #tpu.memory_space<hbm>>
        %dma_wait3A_300 = arith.constant 0 : i32
        %dma_wait3A_301 = tpu.memref_slice %arg7[%dma_wait3A_295, %dma_wait3A_300] : memref<2x40xi32, #tpu.memory_space<vmem>> -> memref<1x40xi32, #tpu.memory_space<vmem>>
        %dma_wait3A_302 = tpu.memref_squeeze %dma_wait3A_301 : memref<1x40xi32, #tpu.memory_space<vmem>> -> memref<40xi32, #tpu.memory_space<vmem>>
        %dma_wait3A_303 = tpu.memref_slice %arg4[%add3A_294] : memref<320000xi32, #tpu.memory_space<hbm>> -> memref<40xi32, #tpu.memory_space<hbm>>
        tpu.wait_dma2 semaphore(%arg18 : memref<!tpu.dma_semaphore, #tpu.memory_space<semaphore_mem>>) src(%dma_wait3A_303 : memref<40xi32, #tpu.memory_space<hbm>>) dst(%dma_wait3A_302 : memref<40xi32, #tpu.memory_space<vmem>>)
        %add3A_304 = arith.constant 1 : i32
        %add3A_305 = arith.addi %mul3A_135, %add3A_304 : i32
        %mul3A_306 = arith.constant 40 : i32
        %mul3A_307 = arith.muli %add3A_305, %mul3A_306 : i32
        %add3A_308 = arith.addi %mul3A_17, %mul3A_307 : i32
        %dma_start3A_309 = arith.constant 1 : i32
        %dma_start3A_310 = arith.constant 1 : i32
        %dma_start3A_311 = arith.constant 0 : i32
        %dma_start3A_312 = arith.constant 0 : i32
        %dma_start3A_313 = tpu.memref_slice %arg9[%dma_start3A_310, %dma_start3A_311, %dma_start3A_312] : memref<2x40x128xf32, #tpu.memory_space<vmem>> -> memref<1x40x128xf32, #tpu.memory_space<vmem>>
        %dma_start3A_314 = tpu.memref_squeeze %dma_start3A_313 : memref<1x40x128xf32, #tpu.memory_space<vmem>> -> memref<40x128xf32, #tpu.memory_space<vmem>>
        %dma_start3A_315 = arith.constant 0 : i32
        %dma_start3A_316 = tpu.memref_slice %arg7[%dma_start3A_309, %dma_start3A_315] : memref<2x40xi32, #tpu.memory_space<vmem>> -> memref<1x40xi32, #tpu.memory_space<vmem>>
        %dma_start3A_317 = tpu.memref_squeeze %dma_start3A_316 : memref<1x40xi32, #tpu.memory_space<vmem>> -> memref<40xi32, #tpu.memory_space<vmem>>
        %dma_start3A_318 = arith.constant 0 : i32
        %dma_start3A_319 = arith.constant 0 : i32
        %dma_start3A_320 = tpu.memref_slice %arg2[%dma_start3A_318, %dma_start3A_319] : memref<10000x128xf32, #tpu.memory_space<hbm>> -> memref<10000x128xf32, #tpu.memory_space<hbm>>
        tpu.enqueue_indirect_dma source(%dma_start3A_320 : memref<10000x128xf32, #tpu.memory_space<hbm>>) target(%dma_start3A_314 : memref<40x128xf32, #tpu.memory_space<vmem>>) offsets(%dma_start3A_317 : memref<40xi32, #tpu.memory_space<vmem>>) semaphore(%arg14 : memref<!tpu.dma_semaphore, #tpu.memory_space<semaphore_mem>>)
        %dma_start3A_321 = arith.constant 1 : i32
        %dma_start3A_322 = arith.constant 0 : i32
        %dma_start3A_323 = arith.constant 0 : i32
        %dma_start3A_324 = tpu.memref_slice %arg10[%dma_start3A_321, %dma_start3A_322, %dma_start3A_323] : memref<2x40x64xi32, #tpu.memory_space<vmem>> -> memref<1x40x64xi32, #tpu.memory_space<vmem>>
        %dma_start3A_325 = tpu.memref_squeeze %dma_start3A_324 : memref<1x40x64xi32, #tpu.memory_space<vmem>> -> memref<40x64xi32, #tpu.memory_space<vmem>>
        %dma_start3A_326 = arith.constant 0 : i32
        %dma_start3A_327 = tpu.memref_slice %arg3[%add3A_308, %dma_start3A_326] : memref<320000x64xi32, #tpu.memory_space<hbm>> -> memref<40x64xi32, #tpu.memory_space<hbm>>
        %dma_start3A_328 = arith.constant 0 : i32
        %dma_start3A_329 = arith.constant 0 : i32
        %dma_start3A_330 = tpu.memref_slice %arg10[%dma_start3A_321, %dma_start3A_328, %dma_start3A_329] : memref<2x40x64xi32, #tpu.memory_space<vmem>> -> memref<1x40x64xi32, #tpu.memory_space<vmem>>
        %dma_start3A_331 = tpu.memref_squeeze %dma_start3A_330 : memref<1x40x64xi32, #tpu.memory_space<vmem>> -> memref<40x64xi32, #tpu.memory_space<vmem>>
        %dma_start3A_332 = arith.constant 0 : i32
        %dma_start3A_333 = tpu.memref_slice %arg3[%add3A_308, %dma_start3A_332] : memref<320000x64xi32, #tpu.memory_space<hbm>> -> memref<40x64xi32, #tpu.memory_space<hbm>>
        tpu.enqueue_dma source(%dma_start3A_333 : memref<40x64xi32, #tpu.memory_space<hbm>>) target(%dma_start3A_331 : memref<40x64xi32, #tpu.memory_space<vmem>>) target_semaphore(%arg16 : memref<!tpu.dma_semaphore, #tpu.memory_space<semaphore_mem>>)
      } else {
      }
      %ge3A = arith.constant 2 : i32
      %ge3A_140 = arith.cmpi sge, %mul3A_135, %ge3A : i32
      %convert_element_type3A_141 = arith.extui %ge3A_140 : i1 to i32
      %cond3A_142 = arith.constant 0 : i32
      %cond3A_143 = arith.cmpi ne, %convert_element_type3A_141, %cond3A_142 : i32
      scf.if %cond3A_143 {
        %dma_wait3A_290 = arith.constant 0 : i32
        %dma_wait3A_291 = arith.constant 0 : i32
        %dma_wait3A_292 = arith.constant 0 : i32
        %dma_wait3A_293 = arith.constant 0 : i32
        %dma_wait3A_294 = tpu.memref_slice %arg11[%dma_wait3A_290, %dma_wait3A_292, %dma_wait3A_293] : memref<2x40x128xf32, #tpu.memory_space<vmem>> -> memref<1x40x128xf32, #tpu.memory_space<vmem>>
        %dma_wait3A_295 = tpu.memref_squeeze %dma_wait3A_294 : memref<1x40x128xf32, #tpu.memory_space<vmem>> -> memref<40x128xf32, #tpu.memory_space<vmem>>
        %dma_wait3A_296 = arith.constant 0 : i32
        %dma_wait3A_297 = tpu.memref_slice %arg8[%dma_wait3A_291, %dma_wait3A_296] : memref<2x40xi32, #tpu.memory_space<vmem>> -> memref<1x40xi32, #tpu.memory_space<vmem>>
        %dma_wait3A_298 = tpu.memref_squeeze %dma_wait3A_297 : memref<1x40xi32, #tpu.memory_space<vmem>> -> memref<40xi32, #tpu.memory_space<vmem>>
        %dma_wait3A_299 = arith.constant 0 : i32
        %dma_wait3A_300 = arith.constant 0 : i32
        %dma_wait3A_301 = tpu.memref_slice %arg12[%dma_wait3A_299, %dma_wait3A_300] : memref<10240x128xf32, #tpu.memory_space<vmem_shared>> -> memref<10240x128xf32, #tpu.memory_space<vmem_shared>>
        tpu.wait_indirect_dma semaphore(%arg21 : memref<!tpu.dma_semaphore, #tpu.memory_space<semaphore_mem>>) src(%dma_wait3A_295 : memref<40x128xf32, #tpu.memory_space<vmem>>) dst(%dma_wait3A_301 : memref<10240x128xf32, #tpu.memory_space<vmem_shared>>)
      } else {
      }
      %mul3A_144 = arith.constant 40 : i32
      %mul3A_145 = arith.muli %mul3A_135, %mul3A_144 : i32
      %add3A_146 = arith.addi %mul3A_17, %mul3A_145 : i32
      %dma_wait3A_147 = arith.constant 0 : i32
      %dma_wait3A_148 = arith.constant 0 : i32
      %dma_wait3A_149 = arith.constant 0 : i32
      %dma_wait3A_150 = arith.constant 0 : i32
      %dma_wait3A_151 = tpu.memref_slice %arg9[%dma_wait3A_148, %dma_wait3A_149, %dma_wait3A_150] : memref<2x40x128xf32, #tpu.memory_space<vmem>> -> memref<1x40x128xf32, #tpu.memory_space<vmem>>
      %dma_wait3A_152 = tpu.memref_squeeze %dma_wait3A_151 : memref<1x40x128xf32, #tpu.memory_space<vmem>> -> memref<40x128xf32, #tpu.memory_space<vmem>>
      %dma_wait3A_153 = arith.constant 0 : i32
      %dma_wait3A_154 = tpu.memref_slice %arg7[%dma_wait3A_147, %dma_wait3A_153] : memref<2x40xi32, #tpu.memory_space<vmem>> -> memref<1x40xi32, #tpu.memory_space<vmem>>
      %dma_wait3A_155 = tpu.memref_squeeze %dma_wait3A_154 : memref<1x40xi32, #tpu.memory_space<vmem>> -> memref<40xi32, #tpu.memory_space<vmem>>
      %dma_wait3A_156 = arith.constant 0 : i32
      %dma_wait3A_157 = arith.constant 0 : i32
      %dma_wait3A_158 = tpu.memref_slice %arg2[%dma_wait3A_156, %dma_wait3A_157] : memref<10000x128xf32, #tpu.memory_space<hbm>> -> memref<10000x128xf32, #tpu.memory_space<hbm>>
      tpu.wait_indirect_dma semaphore(%arg13 : memref<!tpu.dma_semaphore, #tpu.memory_space<semaphore_mem>>) src(%dma_wait3A_158 : memref<10000x128xf32, #tpu.memory_space<hbm>>) dst(%dma_wait3A_152 : memref<40x128xf32, #tpu.memory_space<vmem>>)
      %dma_wait3A_159 = arith.constant 0 : i32
      %dma_wait3A_160 = arith.constant 0 : i32
      %dma_wait3A_161 = arith.constant 0 : i32
      %dma_wait3A_162 = tpu.memref_slice %arg10[%dma_wait3A_159, %dma_wait3A_160, %dma_wait3A_161] : memref<2x40x64xi32, #tpu.memory_space<vmem>> -> memref<1x40x64xi32, #tpu.memory_space<vmem>>
      %dma_wait3A_163 = tpu.memref_squeeze %dma_wait3A_162 : memref<1x40x64xi32, #tpu.memory_space<vmem>> -> memref<40x64xi32, #tpu.memory_space<vmem>>
      %dma_wait3A_164 = arith.constant 0 : i32
      %dma_wait3A_165 = tpu.memref_slice %arg3[%add3A_146, %dma_wait3A_164] : memref<320000x64xi32, #tpu.memory_space<hbm>> -> memref<40x64xi32, #tpu.memory_space<hbm>>
      %dma_wait3A_166 = arith.constant 0 : i32
      %dma_wait3A_167 = arith.constant 0 : i32
      %dma_wait3A_168 = tpu.memref_slice %arg10[%dma_wait3A_159, %dma_wait3A_166, %dma_wait3A_167] : memref<2x40x64xi32, #tpu.memory_space<vmem>> -> memref<1x40x64xi32, #tpu.memory_space<vmem>>
      %dma_wait3A_169 = tpu.memref_squeeze %dma_wait3A_168 : memref<1x40x64xi32, #tpu.memory_space<vmem>> -> memref<40x64xi32, #tpu.memory_space<vmem>>
      %dma_wait3A_170 = arith.constant 0 : i32
      %dma_wait3A_171 = tpu.memref_slice %arg3[%add3A_146, %dma_wait3A_170] : memref<320000x64xi32, #tpu.memory_space<hbm>> -> memref<40x64xi32, #tpu.memory_space<hbm>>
      tpu.wait_dma2 semaphore(%arg15 : memref<!tpu.dma_semaphore, #tpu.memory_space<semaphore_mem>>) src(%dma_wait3A_171 : memref<40x64xi32, #tpu.memory_space<hbm>>) dst(%dma_wait3A_169 : memref<40x64xi32, #tpu.memory_space<vmem>>)
      %add3A_172 = arith.constant 2 : i32
      %add3A_173 = arith.addi %mul3A_135, %add3A_172 : i32
      %lt3A_174 = arith.constant 250 : i32
      %lt3A_175 = arith.cmpi slt, %add3A_173, %lt3A_174 : i32
      %convert_element_type3A_176 = arith.extui %lt3A_175 : i1 to i32
      %cond3A_177 = arith.constant 0 : i32
      %cond3A_178 = arith.cmpi ne, %convert_element_type3A_176, %cond3A_177 : i32
      scf.if %cond3A_178 {
        %add3A_290 = arith.constant 2 : i32
        %add3A_291 = arith.addi %mul3A_135, %add3A_290 : i32
        %mul3A_292 = arith.constant 40 : i32
        %mul3A_293 = arith.muli %add3A_291, %mul3A_292 : i32
        %add3A_294 = arith.addi %add3A_15, %mul3A_293 : i32
        %dma_start3A_295 = arith.constant 0 : i32
        %dma_start3A_296 = arith.constant 0 : i32
        %dma_start3A_297 = tpu.memref_slice %arg7[%dma_start3A_295, %dma_start3A_296] : memref<2x40xi32, #tpu.memory_space<vmem>> -> memref<1x40xi32, #tpu.memory_space<vmem>>
        %dma_start3A_298 = tpu.memref_squeeze %dma_start3A_297 : memref<1x40xi32, #tpu.memory_space<vmem>> -> memref<40xi32, #tpu.memory_space<vmem>>
        %dma_start3A_299 = tpu.memref_slice %arg4[%add3A_294] : memref<320000xi32, #tpu.memory_space<hbm>> -> memref<40xi32, #tpu.memory_space<hbm>>
        %dma_start3A_300 = arith.constant 0 : i32
        %dma_start3A_301 = tpu.memref_slice %arg7[%dma_start3A_295, %dma_start3A_300] : memref<2x40xi32, #tpu.memory_space<vmem>> -> memref<1x40xi32, #tpu.memory_space<vmem>>
        %dma_start3A_302 = tpu.memref_squeeze %dma_start3A_301 : memref<1x40xi32, #tpu.memory_space<vmem>> -> memref<40xi32, #tpu.memory_space<vmem>>
        %dma_start3A_303 = tpu.memref_slice %arg4[%add3A_294] : memref<320000xi32, #tpu.memory_space<hbm>> -> memref<40xi32, #tpu.memory_space<hbm>>
        tpu.enqueue_dma source(%dma_start3A_303 : memref<40xi32, #tpu.memory_space<hbm>>) target(%dma_start3A_302 : memref<40xi32, #tpu.memory_space<vmem>>) target_semaphore(%arg17 : memref<!tpu.dma_semaphore, #tpu.memory_space<semaphore_mem>>)
        %add3A_304 = arith.constant 2 : i32
        %add3A_305 = arith.addi %mul3A_135, %add3A_304 : i32
        %mul3A_306 = arith.constant 40 : i32
        %mul3A_307 = arith.muli %add3A_305, %mul3A_306 : i32
        %add3A_308 = arith.addi %add3A_15, %mul3A_307 : i32
        %dma_start3A_309 = arith.constant 0 : i32
        %dma_start3A_310 = arith.constant 0 : i32
        %dma_start3A_311 = tpu.memref_slice %arg8[%dma_start3A_309, %dma_start3A_310] : memref<2x40xi32, #tpu.memory_space<vmem>> -> memref<1x40xi32, #tpu.memory_space<vmem>>
        %dma_start3A_312 = tpu.memref_squeeze %dma_start3A_311 : memref<1x40xi32, #tpu.memory_space<vmem>> -> memref<40xi32, #tpu.memory_space<vmem>>
        %dma_start3A_313 = tpu.memref_slice %arg5[%add3A_308] : memref<320000xi32, #tpu.memory_space<hbm>> -> memref<40xi32, #tpu.memory_space<hbm>>
        %dma_start3A_314 = arith.constant 0 : i32
        %dma_start3A_315 = tpu.memref_slice %arg8[%dma_start3A_309, %dma_start3A_314] : memref<2x40xi32, #tpu.memory_space<vmem>> -> memref<1x40xi32, #tpu.memory_space<vmem>>
        %dma_start3A_316 = tpu.memref_squeeze %dma_start3A_315 : memref<1x40xi32, #tpu.memory_space<vmem>> -> memref<40xi32, #tpu.memory_space<vmem>>
        %dma_start3A_317 = tpu.memref_slice %arg5[%add3A_308] : memref<320000xi32, #tpu.memory_space<hbm>> -> memref<40xi32, #tpu.memory_space<hbm>>
        tpu.enqueue_dma source(%dma_start3A_317 : memref<40xi32, #tpu.memory_space<hbm>>) target(%dma_start3A_316 : memref<40xi32, #tpu.memory_space<vmem>>) target_semaphore(%arg19 : memref<!tpu.dma_semaphore, #tpu.memory_space<semaphore_mem>>)
      } else {
      }
      %scan3A_179 = arith.constant 0 : i32
      %scan3A_180 = arith.constant 0 : i32
      %scan3A_181 = arith.constant 10 : i32
      %scan3A_182 = arith.addi %scan3A_180, %scan3A_181 : i32
      %scan3A_183 = arith.constant 1 : i32
      scf.for %scan3A_290 = %scan3A_180 to %scan3A_182 step %scan3A_183  : i32 {
        %mul3A_291 = arith.constant 4 : i32
        %mul3A_292 = arith.muli %mul3A_291, %scan3A_290 : i32
        %add3A_293 = arith.constant 0 : i32
        %add3A_294 = arith.addi %mul3A_292, %add3A_293 : i32
        %get3A = arith.constant 0 : i32
        %get3A_295 = arith.index_cast %get3A : i32 to index
        %get3A_296 = arith.index_cast %add3A_294 : i32 to index
        %get3A_297 = arith.constant 0 : index
        %get3A_298 = tpu.vector_load %arg10[%get3A_295, %get3A_296, %get3A_297] {strides = array<i32>} : memref<2x40x64xi32, #tpu.memory_space<vmem>>, vector<1x1x16xi32>,
        %get3A_299 = vector.shape_cast %get3A_298 : vector<1x1x16xi32> to vector<16xi32>
        %shift_left3A = arith.constant 16 : i32
        %shift_left3A_300 = vector.broadcast %shift_left3A : i32 to vector<16xi32>
        %shift_left3A_301 = arith.shli %get3A_299, %shift_left3A_300 : vector<16xi32>
        %bitcast_convert_type3A = tpu.bitcast %shift_left3A_301 : vector<16xi32> -> vector<16xf32>
        %and3A = arith.constant -65536 : i32
        %and3A_302 = vector.broadcast %and3A : i32 to vector<16xi32>
        %and3A_303 = arith.andi %get3A_299, %and3A_302 : vector<16xi32>
        %bitcast_convert_type3A_304 = tpu.bitcast %and3A_303 : vector<16xi32> -> vector<16xf32>
        %get3A_305 = arith.constant 0 : i32
        %get3A_306 = arith.index_cast %get3A_305 : i32 to index
        %get3A_307 = arith.index_cast %add3A_294 : i32 to index
        %get3A_308 = arith.constant 0 : index
        %get3A_309 = tpu.vector_load %arg9[%get3A_306, %get3A_307, %get3A_308] {strides = array<i32>} : memref<2x40x128xf32, #tpu.memory_space<vmem>>, vector<1x1x16xf32>,
        %get3A_310 = vector.shape_cast %get3A_309 : vector<1x1x16xf32> to vector<16xf32>
        %add3A_311 = arith.addf %get3A_310, %bitcast_convert_type3A : vector<16xf32>
        %max3A = arith.constant 0.000000e+00 : f32
        %max3A_312 = vector.broadcast %max3A : f32 to vector<16xf32>
        %max3A_313 = arith.maximumf %add3A_311, %max3A_312 : vector<16xf32>
        %swap3A = arith.constant 0 : i32
        %swap3A_314 = arith.index_cast %swap3A : i32 to index
        %swap3A_315 = arith.index_cast %add3A_294 : i32 to index
        %swap3A_316 = arith.constant 0 : index
        %swap3A_317 = tpu.vector_load %arg11[%swap3A_314, %swap3A_315, %swap3A_316] {strides = array<i32>} : memref<2x40x128xf32, #tpu.memory_space<vmem>>, vector<1x1x16xf32>,
        %swap3A_318 = vector.shape_cast %swap3A_317 : vector<1x1x16xf32> to vector<16xf32>
        %swap3A_319 = vector.shape_cast %max3A_313 : vector<16xf32> to vector<1x1x16xf32>
        tpu.vector_store %arg11[%swap3A_314, %swap3A_315, %swap3A_316], %swap3A_319 {strides = array<i32>} : memref<2x40x128xf32, #tpu.memory_space<vmem>>, vector<1x1x16xf32>,
        %get3A_320 = arith.constant 0 : i32
        %get3A_321 = arith.index_cast %get3A_320 : i32 to index
        %get3A_322 = arith.index_cast %add3A_294 : i32 to index
        %get3A_323 = arith.constant 64 : index
        %get3A_324 = tpu.vector_load %arg9[%get3A_321, %get3A_322, %get3A_323] {strides = array<i32>} : memref<2x40x128xf32, #tpu.memory_space<vmem>>, vector<1x1x16xf32>,
        %get3A_325 = vector.shape_cast %get3A_324 : vector<1x1x16xf32> to vector<16xf32>
        %add3A_326 = arith.addf %get3A_325, %bitcast_convert_type3A_304 : vector<16xf32>
        %max3A_327 = arith.constant 0.000000e+00 : f32
        %max3A_328 = vector.broadcast %max3A_327 : f32 to vector<16xf32>
        %max3A_329 = arith.maximumf %add3A_326, %max3A_328 : vector<16xf32>
        %swap3A_330 = arith.constant 0 : i32
        %swap3A_331 = arith.index_cast %swap3A_330 : i32 to index
        %swap3A_332 = arith.index_cast %add3A_294 : i32 to index
        %swap3A_333 = arith.constant 64 : index
        %swap3A_334 = tpu.vector_load %arg11[%swap3A_331, %swap3A_332, %swap3A_333] {strides = array<i32>} : memref<2x40x128xf32, #tpu.memory_space<vmem>>, vector<1x1x16xf32>,
        %swap3A_335 = vector.shape_cast %swap3A_334 : vector<1x1x16xf32> to vector<16xf32>
        %swap3A_336 = vector.shape_cast %max3A_329 : vector<16xf32> to vector<1x1x16xf32>
        tpu.vector_store %arg11[%swap3A_331, %swap3A_332, %swap3A_333], %swap3A_336 {strides = array<i32>} : memref<2x40x128xf32, #tpu.memory_space<vmem>>, vector<1x1x16xf32>,
        %get3A_337 = arith.constant 0 : i32
        %get3A_338 = arith.index_cast %get3A_337 : i32 to index
        %get3A_339 = arith.index_cast %add3A_294 : i32 to index
        %get3A_340 = arith.constant 16 : index
        %get3A_341 = tpu.vector_load %arg10[%get3A_338, %get3A_339, %get3A_340] {strides = array<i32>} : memref<2x40x64xi32, #tpu.memory_space<vmem>>, vector<1x1x16xi32>,
        %get3A_342 = vector.shape_cast %get3A_341 : vector<1x1x16xi32> to vector<16xi32>
        %shift_left3A_343 = arith.constant 16 : i32
        %shift_left3A_344 = vector.broadcast %shift_left3A_343 : i32 to vector<16xi32>
        %shift_left3A_345 = arith.shli %get3A_342, %shift_left3A_344 : vector<16xi32>
        %bitcast_convert_type3A_346 = tpu.bitcast %shift_left3A_345 : vector<16xi32> -> vector<16xf32>
        %and3A_347 = arith.constant -65536 : i32
        %and3A_348 = vector.broadcast %and3A_347 : i32 to vector<16xi32>
        %and3A_349 = arith.andi %get3A_342, %and3A_348 : vector<16xi32>
        %bitcast_convert_type3A_350 = tpu.bitcast %and3A_349 : vector<16xi32> -> vector<16xf32>
        %get3A_351 = arith.constant 0 : i32
        %get3A_352 = arith.index_cast %get3A_351 : i32 to index
        %get3A_353 = arith.index_cast %add3A_294 : i32 to index
        %get3A_354 = arith.constant 16 : index
        %get3A_355 = tpu.vector_load %arg9[%get3A_352, %get3A_353, %get3A_354] {strides = array<i32>} : memref<2x40x128xf32, #tpu.memory_space<vmem>>, vector<1x1x16xf32>,
        %get3A_356 = vector.shape_cast %get3A_355 : vector<1x1x16xf32> to vector<16xf32>
        %add3A_357 = arith.addf %get3A_356, %bitcast_convert_type3A_346 : vector<16xf32>
        %max3A_358 = arith.constant 0.000000e+00 : f32
        %max3A_359 = vector.broadcast %max3A_358 : f32 to vector<16xf32>
        %max3A_360 = arith.maximumf %add3A_357, %max3A_359 : vector<16xf32>
        %swap3A_361 = arith.constant 0 : i32
        %swap3A_362 = arith.index_cast %swap3A_361 : i32 to index
        %swap3A_363 = arith.index_cast %add3A_294 : i32 to index
        %swap3A_364 = arith.constant 16 : index
        %swap3A_365 = tpu.vector_load %arg11[%swap3A_362, %swap3A_363, %swap3A_364] {strides = array<i32>} : memref<2x40x128xf32, #tpu.memory_space<vmem>>, vector<1x1x16xf32>,
        %swap3A_366 = vector.shape_cast %swap3A_365 : vector<1x1x16xf32> to vector<16xf32>
        %swap3A_367 = vector.shape_cast %max3A_360 : vector<16xf32> to vector<1x1x16xf32>
        tpu.vector_store %arg11[%swap3A_362, %swap3A_363, %swap3A_364], %swap3A_367 {strides = array<i32>} : memref<2x40x128xf32, #tpu.memory_space<vmem>>, vector<1x1x16xf32>,
        %get3A_368 = arith.constant 0 : i32
        %get3A_369 = arith.index_cast %get3A_368 : i32 to index
        %get3A_370 = arith.index_cast %add3A_294 : i32 to index
        %get3A_371 = arith.constant 80 : index
        %get3A_372 = tpu.vector_load %arg9[%get3A_369, %get3A_370, %get3A_371] {strides = array<i32>} : memref<2x40x128xf32, #tpu.memory_space<vmem>>, vector<1x1x16xf32>,
        %get3A_373 = vector.shape_cast %get3A_372 : vector<1x1x16xf32> to vector<16xf32>
        %add3A_374 = arith.addf %get3A_373, %bitcast_convert_type3A_350 : vector<16xf32>
        %max3A_375 = arith.constant 0.000000e+00 : f32
        %max3A_376 = vector.broadcast %max3A_375 : f32 to vector<16xf32>
        %max3A_377 = arith.maximumf %add3A_374, %max3A_376 : vector<16xf32>
        %swap3A_378 = arith.constant 0 : i32
        %swap3A_379 = arith.index_cast %swap3A_378 : i32 to index
        %swap3A_380 = arith.index_cast %add3A_294 : i32 to index
        %swap3A_381 = arith.constant 80 : index
        %swap3A_382 = tpu.vector_load %arg11[%swap3A_379, %swap3A_380, %swap3A_381] {strides = array<i32>} : memref<2x40x128xf32, #tpu.memory_space<vmem>>, vector<1x1x16xf32>,
        %swap3A_383 = vector.shape_cast %swap3A_382 : vector<1x1x16xf32> to vector<16xf32>
        %swap3A_384 = vector.shape_cast %max3A_377 : vector<16xf32> to vector<1x1x16xf32>
        tpu.vector_store %arg11[%swap3A_379, %swap3A_380, %swap3A_381], %swap3A_384 {strides = array<i32>} : memref<2x40x128xf32, #tpu.memory_space<vmem>>, vector<1x1x16xf32>,
        %get3A_385 = arith.constant 0 : i32
        %get3A_386 = arith.index_cast %get3A_385 : i32 to index
        %get3A_387 = arith.index_cast %add3A_294 : i32 to index
        %get3A_388 = arith.constant 32 : index
        %get3A_389 = tpu.vector_load %arg10[%get3A_386, %get3A_387, %get3A_388] {strides = array<i32>} : memref<2x40x64xi32, #tpu.memory_space<vmem>>, vector<1x1x16xi32>,
        %get3A_390 = vector.shape_cast %get3A_389 : vector<1x1x16xi32> to vector<16xi32>
        %shift_left3A_391 = arith.constant 16 : i32
        %shift_left3A_392 = vector.broadcast %shift_left3A_391 : i32 to vector<16xi32>
        %shift_left3A_393 = arith.shli %get3A_390, %shift_left3A_392 : vector<16xi32>
        %bitcast_convert_type3A_394 = tpu.bitcast %shift_left3A_393 : vector<16xi32> -> vector<16xf32>
        %and3A_395 = arith.constant -65536 : i32
        %and3A_396 = vector.broadcast %and3A_395 : i32 to vector<16xi32>
        %and3A_397 = arith.andi %get3A_390, %and3A_396 : vector<16xi32>
        %bitcast_convert_type3A_398 = tpu.bitcast %and3A_397 : vector<16xi32> -> vector<16xf32>
        %get3A_399 = arith.constant 0 : i32
        %get3A_400 = arith.index_cast %get3A_399 : i32 to index
        %get3A_401 = arith.index_cast %add3A_294 : i32 to index
        %get3A_402 = arith.constant 32 : index
        %get3A_403 = tpu.vector_load %arg9[%get3A_400, %get3A_401, %get3A_402] {strides = array<i32>} : memref<2x40x128xf32, #tpu.memory_space<vmem>>, vector<1x1x16xf32>,
        %get3A_404 = vector.shape_cast %get3A_403 : vector<1x1x16xf32> to vector<16xf32>
        %add3A_405 = arith.addf %get3A_404, %bitcast_convert_type3A_394 : vector<16xf32>
        %max3A_406 = arith.constant 0.000000e+00 : f32
        %max3A_407 = vector.broadcast %max3A_406 : f32 to vector<16xf32>
        %max3A_408 = arith.maximumf %add3A_405, %max3A_407 : vector<16xf32>
        %swap3A_409 = arith.constant 0 : i32
        %swap3A_410 = arith.index_cast %swap3A_409 : i32 to index
        %swap3A_411 = arith.index_cast %add3A_294 : i32 to index
        %swap3A_412 = arith.constant 32 : index
        %swap3A_413 = tpu.vector_load %arg11[%swap3A_410, %swap3A_411, %swap3A_412] {strides = array<i32>} : memref<2x40x128xf32, #tpu.memory_space<vmem>>, vector<1x1x16xf32>,
        %swap3A_414 = vector.shape_cast %swap3A_413 : vector<1x1x16xf32> to vector<16xf32>
        %swap3A_415 = vector.shape_cast %max3A_408 : vector<16xf32> to vector<1x1x16xf32>
        tpu.vector_store %arg11[%swap3A_410, %swap3A_411, %swap3A_412], %swap3A_415 {strides = array<i32>} : memref<2x40x128xf32, #tpu.memory_space<vmem>>, vector<1x1x16xf32>,
        %get3A_416 = arith.constant 0 : i32
        %get3A_417 = arith.index_cast %get3A_416 : i32 to index
        %get3A_418 = arith.index_cast %add3A_294 : i32 to index
        %get3A_419 = arith.constant 96 : index
        %get3A_420 = tpu.vector_load %arg9[%get3A_417, %get3A_418, %get3A_419] {strides = array<i32>} : memref<2x40x128xf32, #tpu.memory_space<vmem>>, vector<1x1x16xf32>,
        %get3A_421 = vector.shape_cast %get3A_420 : vector<1x1x16xf32> to vector<16xf32>
        %add3A_422 = arith.addf %get3A_421, %bitcast_convert_type3A_398 : vector<16xf32>
        %max3A_423 = arith.constant 0.000000e+00 : f32
        %max3A_424 = vector.broadcast %max3A_423 : f32 to vector<16xf32>
        %max3A_425 = arith.maximumf %add3A_422, %max3A_424 : vector<16xf32>
        %swap3A_426 = arith.constant 0 : i32
        %swap3A_427 = arith.index_cast %swap3A_426 : i32 to index
        %swap3A_428 = arith.index_cast %add3A_294 : i32 to index
        %swap3A_429 = arith.constant 96 : index
        %swap3A_430 = tpu.vector_load %arg11[%swap3A_427, %swap3A_428, %swap3A_429] {strides = array<i32>} : memref<2x40x128xf32, #tpu.memory_space<vmem>>, vector<1x1x16xf32>,
        %swap3A_431 = vector.shape_cast %swap3A_430 : vector<1x1x16xf32> to vector<16xf32>
        %swap3A_432 = vector.shape_cast %max3A_425 : vector<16xf32> to vector<1x1x16xf32>
        tpu.vector_store %arg11[%swap3A_427, %swap3A_428, %swap3A_429], %swap3A_432 {strides = array<i32>} : memref<2x40x128xf32, #tpu.memory_space<vmem>>, vector<1x1x16xf32>,
        %get3A_433 = arith.constant 0 : i32
        %get3A_434 = arith.index_cast %get3A_433 : i32 to index
        %get3A_435 = arith.index_cast %add3A_294 : i32 to index
        %get3A_436 = arith.constant 48 : index
        %get3A_437 = tpu.vector_load %arg10[%get3A_434, %get3A_435, %get3A_436] {strides = array<i32>} : memref<2x40x64xi32, #tpu.memory_space<vmem>>, vector<1x1x16xi32>,
        %get3A_438 = vector.shape_cast %get3A_437 : vector<1x1x16xi32> to vector<16xi32>
        %shift_left3A_439 = arith.constant 16 : i32
        %shift_left3A_440 = vector.broadcast %shift_left3A_439 : i32 to vector<16xi32>
        %shift_left3A_441 = arith.shli %get3A_438, %shift_left3A_440 : vector<16xi32>
        %bitcast_convert_type3A_442 = tpu.bitcast %shift_left3A_441 : vector<16xi32> -> vector<16xf32>
        %and3A_443 = arith.constant -65536 : i32
        %and3A_444 = vector.broadcast %and3A_443 : i32 to vector<16xi32>
        %and3A_445 = arith.andi %get3A_438, %and3A_444 : vector<16xi32>
        %bitcast_convert_type3A_446 = tpu.bitcast %and3A_445 : vector<16xi32> -> vector<16xf32>
        %get3A_447 = arith.constant 0 : i32
        %get3A_448 = arith.index_cast %get3A_447 : i32 to index
        %get3A_449 = arith.index_cast %add3A_294 : i32 to index
        %get3A_450 = arith.constant 48 : index
        %get3A_451 = tpu.vector_load %arg9[%get3A_448, %get3A_449, %get3A_450] {strides = array<i32>} : memref<2x40x128xf32, #tpu.memory_space<vmem>>, vector<1x1x16xf32>,
        %get3A_452 = vector.shape_cast %get3A_451 : vector<1x1x16xf32> to vector<16xf32>
        %add3A_453 = arith.addf %get3A_452, %bitcast_convert_type3A_442 : vector<16xf32>
        %max3A_454 = arith.constant 0.000000e+00 : f32
        %max3A_455 = vector.broadcast %max3A_454 : f32 to vector<16xf32>
        %max3A_456 = arith.maximumf %add3A_453, %max3A_455 : vector<16xf32>
        %swap3A_457 = arith.constant 0 : i32
        %swap3A_458 = arith.index_cast %swap3A_457 : i32 to index
        %swap3A_459 = arith.index_cast %add3A_294 : i32 to index
        %swap3A_460 = arith.constant 48 : index
        %swap3A_461 = tpu.vector_load %arg11[%swap3A_458, %swap3A_459, %swap3A_460] {strides = array<i32>} : memref<2x40x128xf32, #tpu.memory_space<vmem>>, vector<1x1x16xf32>,
        %swap3A_462 = vector.shape_cast %swap3A_461 : vector<1x1x16xf32> to vector<16xf32>
        %swap3A_463 = vector.shape_cast %max3A_456 : vector<16xf32> to vector<1x1x16xf32>
        tpu.vector_store %arg11[%swap3A_458, %swap3A_459, %swap3A_460], %swap3A_463 {strides = array<i32>} : memref<2x40x128xf32, #tpu.memory_space<vmem>>, vector<1x1x16xf32>,
        %get3A_464 = arith.constant 0 : i32
        %get3A_465 = arith.index_cast %get3A_464 : i32 to index
        %get3A_466 = arith.index_cast %add3A_294 : i32 to index
        %get3A_467 = arith.constant 112 : index
        %get3A_468 = tpu.vector_load %arg9[%get3A_465, %get3A_466, %get3A_467] {strides = array<i32>} : memref<2x40x128xf32, #tpu.memory_space<vmem>>, vector<1x1x16xf32>,
        %get3A_469 = vector.shape_cast %get3A_468 : vector<1x1x16xf32> to vector<16xf32>
        %add3A_470 = arith.addf %get3A_469, %bitcast_convert_type3A_446 : vector<16xf32>
        %max3A_471 = arith.constant 0.000000e+00 : f32
        %max3A_472 = vector.broadcast %max3A_471 : f32 to vector<16xf32>
        %max3A_473 = arith.maximumf %add3A_470, %max3A_472 : vector<16xf32>
        %swap3A_474 = arith.constant 0 : i32
        %swap3A_475 = arith.index_cast %swap3A_474 : i32 to index
        %swap3A_476 = arith.index_cast %add3A_294 : i32 to index
        %swap3A_477 = arith.constant 112 : index
        %swap3A_478 = tpu.vector_load %arg11[%swap3A_475, %swap3A_476, %swap3A_477] {strides = array<i32>} : memref<2x40x128xf32, #tpu.memory_space<vmem>>, vector<1x1x16xf32>,
        %swap3A_479 = vector.shape_cast %swap3A_478 : vector<1x1x16xf32> to vector<16xf32>
        %swap3A_480 = vector.shape_cast %max3A_473 : vector<16xf32> to vector<1x1x16xf32>
        tpu.vector_store %arg11[%swap3A_475, %swap3A_476, %swap3A_477], %swap3A_480 {strides = array<i32>} : memref<2x40x128xf32, #tpu.memory_space<vmem>>, vector<1x1x16xf32>,
        %mul3A_481 = arith.constant 4 : i32
        %mul3A_482 = arith.muli %mul3A_481, %scan3A_290 : i32
        %add3A_483 = arith.constant 1 : i32
        %add3A_484 = arith.addi %mul3A_482, %add3A_483 : i32
        %get3A_485 = arith.constant 0 : i32
        %get3A_486 = arith.index_cast %get3A_485 : i32 to index
        %get3A_487 = arith.index_cast %add3A_484 : i32 to index
        %get3A_488 = arith.constant 0 : index
        %get3A_489 = tpu.vector_load %arg10[%get3A_486, %get3A_487, %get3A_488] {strides = array<i32>} : memref<2x40x64xi32, #tpu.memory_space<vmem>>, vector<1x1x16xi32>,
        %get3A_490 = vector.shape_cast %get3A_489 : vector<1x1x16xi32> to vector<16xi32>
        %shift_left3A_491 = arith.constant 16 : i32
        %shift_left3A_492 = vector.broadcast %shift_left3A_491 : i32 to vector<16xi32>
        %shift_left3A_493 = arith.shli %get3A_490, %shift_left3A_492 : vector<16xi32>
        %bitcast_convert_type3A_494 = tpu.bitcast %shift_left3A_493 : vector<16xi32> -> vector<16xf32>
        %and3A_495 = arith.constant -65536 : i32
        %and3A_496 = vector.broadcast %and3A_495 : i32 to vector<16xi32>
        %and3A_497 = arith.andi %get3A_490, %and3A_496 : vector<16xi32>
        %bitcast_convert_type3A_498 = tpu.bitcast %and3A_497 : vector<16xi32> -> vector<16xf32>
        %get3A_499 = arith.constant 0 : i32
        %get3A_500 = arith.index_cast %get3A_499 : i32 to index
        %get3A_501 = arith.index_cast %add3A_484 : i32 to index
        %get3A_502 = arith.constant 0 : index
        %get3A_503 = tpu.vector_load %arg9[%get3A_500, %get3A_501, %get3A_502] {strides = array<i32>} : memref<2x40x128xf32, #tpu.memory_space<vmem>>, vector<1x1x16xf32>,
        %get3A_504 = vector.shape_cast %get3A_503 : vector<1x1x16xf32> to vector<16xf32>
        %add3A_505 = arith.addf %get3A_504, %bitcast_convert_type3A_494 : vector<16xf32>
        %max3A_506 = arith.constant 0.000000e+00 : f32
        %max3A_507 = vector.broadcast %max3A_506 : f32 to vector<16xf32>
        %max3A_508 = arith.maximumf %add3A_505, %max3A_507 : vector<16xf32>
        %swap3A_509 = arith.constant 0 : i32
        %swap3A_510 = arith.index_cast %swap3A_509 : i32 to index
        %swap3A_511 = arith.index_cast %add3A_484 : i32 to index
        %swap3A_512 = arith.constant 0 : index
        %swap3A_513 = tpu.vector_load %arg11[%swap3A_510, %swap3A_511, %swap3A_512] {strides = array<i32>} : memref<2x40x128xf32, #tpu.memory_space<vmem>>, vector<1x1x16xf32>,
        %swap3A_514 = vector.shape_cast %swap3A_513 : vector<1x1x16xf32> to vector<16xf32>
        %swap3A_515 = vector.shape_cast %max3A_508 : vector<16xf32> to vector<1x1x16xf32>
        tpu.vector_store %arg11[%swap3A_510, %swap3A_511, %swap3A_512], %swap3A_515 {strides = array<i32>} : memref<2x40x128xf32, #tpu.memory_space<vmem>>, vector<1x1x16xf32>,
        %get3A_516 = arith.constant 0 : i32
        %get3A_517 = arith.index_cast %get3A_516 : i32 to index
        %get3A_518 = arith.index_cast %add3A_484 : i32 to index
        %get3A_519 = arith.constant 64 : index
        %get3A_520 = tpu.vector_load %arg9[%get3A_517, %get3A_518, %get3A_519] {strides = array<i32>} : memref<2x40x128xf32, #tpu.memory_space<vmem>>, vector<1x1x16xf32>,
        %get3A_521 = vector.shape_cast %get3A_520 : vector<1x1x16xf32> to vector<16xf32>
        %add3A_522 = arith.addf %get3A_521, %bitcast_convert_type3A_498 : vector<16xf32>
        %max3A_523 = arith.constant 0.000000e+00 : f32
        %max3A_524 = vector.broadcast %max3A_523 : f32 to vector<16xf32>
        %max3A_525 = arith.maximumf %add3A_522, %max3A_524 : vector<16xf32>
        %swap3A_526 = arith.constant 0 : i32
        %swap3A_527 = arith.index_cast %swap3A_526 : i32 to index
        %swap3A_528 = arith.index_cast %add3A_484 : i32 to index
        %swap3A_529 = arith.constant 64 : index
        %swap3A_530 = tpu.vector_load %arg11[%swap3A_527, %swap3A_528, %swap3A_529] {strides = array<i32>} : memref<2x40x128xf32, #tpu.memory_space<vmem>>, vector<1x1x16xf32>,
        %swap3A_531 = vector.shape_cast %swap3A_530 : vector<1x1x16xf32> to vector<16xf32>
        %swap3A_532 = vector.shape_cast %max3A_525 : vector<16xf32> to vector<1x1x16xf32>
        tpu.vector_store %arg11[%swap3A_527, %swap3A_528, %swap3A_529], %swap3A_532 {strides = array<i32>} : memref<2x40x128xf32, #tpu.memory_space<vmem>>, vector<1x1x16xf32>,
        %get3A_533 = arith.constant 0 : i32
        %get3A_534 = arith.index_cast %get3A_533 : i32 to index
        %get3A_535 = arith.index_cast %add3A_484 : i32 to index
        %get3A_536 = arith.constant 16 : index
        %get3A_537 = tpu.vector_load %arg10[%get3A_534, %get3A_535, %get3A_536] {strides = array<i32>} : memref<2x40x64xi32, #tpu.memory_space<vmem>>, vector<1x1x16xi32>,
        %get3A_538 = vector.shape_cast %get3A_537 : vector<1x1x16xi32> to vector<16xi32>
        %shift_left3A_539 = arith.constant 16 : i32
        %shift_left3A_540 = vector.broadcast %shift_left3A_539 : i32 to vector<16xi32>
        %shift_left3A_541 = arith.shli %get3A_538, %shift_left3A_540 : vector<16xi32>
        %bitcast_convert_type3A_542 = tpu.bitcast %shift_left3A_541 : vector<16xi32> -> vector<16xf32>
        %and3A_543 = arith.constant -65536 : i32
        %and3A_544 = vector.broadcast %and3A_543 : i32 to vector<16xi32>
        %and3A_545 = arith.andi %get3A_538, %and3A_544 : vector<16xi32>
        %bitcast_convert_type3A_546 = tpu.bitcast %and3A_545 : vector<16xi32> -> vector<16xf32>
        %get3A_547 = arith.constant 0 : i32
        %get3A_548 = arith.index_cast %get3A_547 : i32 to index
        %get3A_549 = arith.index_cast %add3A_484 : i32 to index
        %get3A_550 = arith.constant 16 : index
        %get3A_551 = tpu.vector_load %arg9[%get3A_548, %get3A_549, %get3A_550] {strides = array<i32>} : memref<2x40x128xf32, #tpu.memory_space<vmem>>, vector<1x1x16xf32>,
        %get3A_552 = vector.shape_cast %get3A_551 : vector<1x1x16xf32> to vector<16xf32>
        %add3A_553 = arith.addf %get3A_552, %bitcast_convert_type3A_542 : vector<16xf32>
        %max3A_554 = arith.constant 0.000000e+00 : f32
        %max3A_555 = vector.broadcast %max3A_554 : f32 to vector<16xf32>
        %max3A_556 = arith.maximumf %add3A_553, %max3A_555 : vector<16xf32>
        %swap3A_557 = arith.constant 0 : i32
        %swap3A_558 = arith.index_cast %swap3A_557 : i32 to index
        %swap3A_559 = arith.index_cast %add3A_484 : i32 to index
        %swap3A_560 = arith.constant 16 : index
        %swap3A_561 = tpu.vector_load %arg11[%swap3A_558, %swap3A_559, %swap3A_560] {strides = array<i32>} : memref<2x40x128xf32, #tpu.memory_space<vmem>>, vector<1x1x16xf32>,
        %swap3A_562 = vector.shape_cast %swap3A_561 : vector<1x1x16xf32> to vector<16xf32>
        %swap3A_563 = vector.shape_cast %max3A_556 : vector<16xf32> to vector<1x1x16xf32>
        tpu.vector_store %arg11[%swap3A_558, %swap3A_559, %swap3A_560], %swap3A_563 {strides = array<i32>} : memref<2x40x128xf32, #tpu.memory_space<vmem>>, vector<1x1x16xf32>,
        %get3A_564 = arith.constant 0 : i32
        %get3A_565 = arith.index_cast %get3A_564 : i32 to index
        %get3A_566 = arith.index_cast %add3A_484 : i32 to index
        %get3A_567 = arith.constant 80 : index
        %get3A_568 = tpu.vector_load %arg9[%get3A_565, %get3A_566, %get3A_567] {strides = array<i32>} : memref<2x40x128xf32, #tpu.memory_space<vmem>>, vector<1x1x16xf32>,
        %get3A_569 = vector.shape_cast %get3A_568 : vector<1x1x16xf32> to vector<16xf32>
        %add3A_570 = arith.addf %get3A_569, %bitcast_convert_type3A_546 : vector<16xf32>
        %max3A_571 = arith.constant 0.000000e+00 : f32
        %max3A_572 = vector.broadcast %max3A_571 : f32 to vector<16xf32>
        %max3A_573 = arith.maximumf %add3A_570, %max3A_572 : vector<16xf32>
        %swap3A_574 = arith.constant 0 : i32
        %swap3A_575 = arith.index_cast %swap3A_574 : i32 to index
        %swap3A_576 = arith.index_cast %add3A_484 : i32 to index
        %swap3A_577 = arith.constant 80 : index
        %swap3A_578 = tpu.vector_load %arg11[%swap3A_575, %swap3A_576, %swap3A_577] {strides = array<i32>} : memref<2x40x128xf32, #tpu.memory_space<vmem>>, vector<1x1x16xf32>,
        %swap3A_579 = vector.shape_cast %swap3A_578 : vector<1x1x16xf32> to vector<16xf32>
        %swap3A_580 = vector.shape_cast %max3A_573 : vector<16xf32> to vector<1x1x16xf32>
        tpu.vector_store %arg11[%swap3A_575, %swap3A_576, %swap3A_577], %swap3A_580 {strides = array<i32>} : memref<2x40x128xf32, #tpu.memory_space<vmem>>, vector<1x1x16xf32>,
        %get3A_581 = arith.constant 0 : i32
        %get3A_582 = arith.index_cast %get3A_581 : i32 to index
        %get3A_583 = arith.index_cast %add3A_484 : i32 to index
        %get3A_584 = arith.constant 32 : index
        %get3A_585 = tpu.vector_load %arg10[%get3A_582, %get3A_583, %get3A_584] {strides = array<i32>} : memref<2x40x64xi32, #tpu.memory_space<vmem>>, vector<1x1x16xi32>,
        %get3A_586 = vector.shape_cast %get3A_585 : vector<1x1x16xi32> to vector<16xi32>
        %shift_left3A_587 = arith.constant 16 : i32
        %shift_left3A_588 = vector.broadcast %shift_left3A_587 : i32 to vector<16xi32>
        %shift_left3A_589 = arith.shli %get3A_586, %shift_left3A_588 : vector<16xi32>
        %bitcast_convert_type3A_590 = tpu.bitcast %shift_left3A_589 : vector<16xi32> -> vector<16xf32>
        %and3A_591 = arith.constant -65536 : i32
        %and3A_592 = vector.broadcast %and3A_591 : i32 to vector<16xi32>
        %and3A_593 = arith.andi %get3A_586, %and3A_592 : vector<16xi32>
        %bitcast_convert_type3A_594 = tpu.bitcast %and3A_593 : vector<16xi32> -> vector<16xf32>
        %get3A_595 = arith.constant 0 : i32
        %get3A_596 = arith.index_cast %get3A_595 : i32 to index
        %get3A_597 = arith.index_cast %add3A_484 : i32 to index
        %get3A_598 = arith.constant 32 : index
        %get3A_599 = tpu.vector_load %arg9[%get3A_596, %get3A_597, %get3A_598] {strides = array<i32>} : memref<2x40x128xf32, #tpu.memory_space<vmem>>, vector<1x1x16xf32>,
        %get3A_600 = vector.shape_cast %get3A_599 : vector<1x1x16xf32> to vector<16xf32>
        %add3A_601 = arith.addf %get3A_600, %bitcast_convert_type3A_590 : vector<16xf32>
        %max3A_602 = arith.constant 0.000000e+00 : f32
        %max3A_603 = vector.broadcast %max3A_602 : f32 to vector<16xf32>
        %max3A_604 = arith.maximumf %add3A_601, %max3A_603 : vector<16xf32>
        %swap3A_605 = arith.constant 0 : i32
        %swap3A_606 = arith.index_cast %swap3A_605 : i32 to index
        %swap3A_607 = arith.index_cast %add3A_484 : i32 to index
        %swap3A_608 = arith.constant 32 : index
        %swap3A_609 = tpu.vector_load %arg11[%swap3A_606, %swap3A_607, %swap3A_608] {strides = array<i32>} : memref<2x40x128xf32, #tpu.memory_space<vmem>>, vector<1x1x16xf32>,
        %swap3A_610 = vector.shape_cast %swap3A_609 : vector<1x1x16xf32> to vector<16xf32>
        %swap3A_611 = vector.shape_cast %max3A_604 : vector<16xf32> to vector<1x1x16xf32>
        tpu.vector_store %arg11[%swap3A_606, %swap3A_607, %swap3A_608], %swap3A_611 {strides = array<i32>} : memref<2x40x128xf32, #tpu.memory_space<vmem>>, vector<1x1x16xf32>,
        %get3A_612 = arith.constant 0 : i32
        %get3A_613 = arith.index_cast %get3A_612 : i32 to index
        %get3A_614 = arith.index_cast %add3A_484 : i32 to index
        %get3A_615 = arith.constant 96 : index
        %get3A_616 = tpu.vector_load %arg9[%get3A_613, %get3A_614, %get3A_615] {strides = array<i32>} : memref<2x40x128xf32, #tpu.memory_space<vmem>>, vector<1x1x16xf32>,
        %get3A_617 = vector.shape_cast %get3A_616 : vector<1x1x16xf32> to vector<16xf32>
        %add3A_618 = arith.addf %get3A_617, %bitcast_convert_type3A_594 : vector<16xf32>
        %max3A_619 = arith.constant 0.000000e+00 : f32
        %max3A_620 = vector.broadcast %max3A_619 : f32 to vector<16xf32>
        %max3A_621 = arith.maximumf %add3A_618, %max3A_620 : vector<16xf32>
        %swap3A_622 = arith.constant 0 : i32
        %swap3A_623 = arith.index_cast %swap3A_622 : i32 to index
        %swap3A_624 = arith.index_cast %add3A_484 : i32 to index
        %swap3A_625 = arith.constant 96 : index
        %swap3A_626 = tpu.vector_load %arg11[%swap3A_623, %swap3A_624, %swap3A_625] {strides = array<i32>} : memref<2x40x128xf32, #tpu.memory_space<vmem>>, vector<1x1x16xf32>,
        %swap3A_627 = vector.shape_cast %swap3A_626 : vector<1x1x16xf32> to vector<16xf32>
        %swap3A_628 = vector.shape_cast %max3A_621 : vector<16xf32> to vector<1x1x16xf32>
        tpu.vector_store %arg11[%swap3A_623, %swap3A_624, %swap3A_625], %swap3A_628 {strides = array<i32>} : memref<2x40x128xf32, #tpu.memory_space<vmem>>, vector<1x1x16xf32>,
        %get3A_629 = arith.constant 0 : i32
        %get3A_630 = arith.index_cast %get3A_629 : i32 to index
        %get3A_631 = arith.index_cast %add3A_484 : i32 to index
        %get3A_632 = arith.constant 48 : index
        %get3A_633 = tpu.vector_load %arg10[%get3A_630, %get3A_631, %get3A_632] {strides = array<i32>} : memref<2x40x64xi32, #tpu.memory_space<vmem>>, vector<1x1x16xi32>,
        %get3A_634 = vector.shape_cast %get3A_633 : vector<1x1x16xi32> to vector<16xi32>
        %shift_left3A_635 = arith.constant 16 : i32
        %shift_left3A_636 = vector.broadcast %shift_left3A_635 : i32 to vector<16xi32>
        %shift_left3A_637 = arith.shli %get3A_634, %shift_left3A_636 : vector<16xi32>
        %bitcast_convert_type3A_638 = tpu.bitcast %shift_left3A_637 : vector<16xi32> -> vector<16xf32>
        %and3A_639 = arith.constant -65536 : i32
        %and3A_640 = vector.broadcast %and3A_639 : i32 to vector<16xi32>
        %and3A_641 = arith.andi %get3A_634, %and3A_640 : vector<16xi32>
        %bitcast_convert_type3A_642 = tpu.bitcast %and3A_641 : vector<16xi32> -> vector<16xf32>
        %get3A_643 = arith.constant 0 : i32
        %get3A_644 = arith.index_cast %get3A_643 : i32 to index
        %get3A_645 = arith.index_cast %add3A_484 : i32 to index
        %get3A_646 = arith.constant 48 : index
        %get3A_647 = tpu.vector_load %arg9[%get3A_644, %get3A_645, %get3A_646] {strides = array<i32>} : memref<2x40x128xf32, #tpu.memory_space<vmem>>, vector<1x1x16xf32>,
        %get3A_648 = vector.shape_cast %get3A_647 : vector<1x1x16xf32> to vector<16xf32>
        %add3A_649 = arith.addf %get3A_648, %bitcast_convert_type3A_638 : vector<16xf32>
        %max3A_650 = arith.constant 0.000000e+00 : f32
        %max3A_651 = vector.broadcast %max3A_650 : f32 to vector<16xf32>
        %max3A_652 = arith.maximumf %add3A_649, %max3A_651 : vector<16xf32>
        %swap3A_653 = arith.constant 0 : i32
        %swap3A_654 = arith.index_cast %swap3A_653 : i32 to index
        %swap3A_655 = arith.index_cast %add3A_484 : i32 to index
        %swap3A_656 = arith.constant 48 : index
        %swap3A_657 = tpu.vector_load %arg11[%swap3A_654, %swap3A_655, %swap3A_656] {strides = array<i32>} : memref<2x40x128xf32, #tpu.memory_space<vmem>>, vector<1x1x16xf32>,
        %swap3A_658 = vector.shape_cast %swap3A_657 : vector<1x1x16xf32> to vector<16xf32>
        %swap3A_659 = vector.shape_cast %max3A_652 : vector<16xf32> to vector<1x1x16xf32>
        tpu.vector_store %arg11[%swap3A_654, %swap3A_655, %swap3A_656], %swap3A_659 {strides = array<i32>} : memref<2x40x128xf32, #tpu.memory_space<vmem>>, vector<1x1x16xf32>,
        %get3A_660 = arith.constant 0 : i32
        %get3A_661 = arith.index_cast %get3A_660 : i32 to index
        %get3A_662 = arith.index_cast %add3A_484 : i32 to index
        %get3A_663 = arith.constant 112 : index
        %get3A_664 = tpu.vector_load %arg9[%get3A_661, %get3A_662, %get3A_663] {strides = array<i32>} : memref<2x40x128xf32, #tpu.memory_space<vmem>>, vector<1x1x16xf32>,
        %get3A_665 = vector.shape_cast %get3A_664 : vector<1x1x16xf32> to vector<16xf32>
        %add3A_666 = arith.addf %get3A_665, %bitcast_convert_type3A_642 : vector<16xf32>
        %max3A_667 = arith.constant 0.000000e+00 : f32
        %max3A_668 = vector.broadcast %max3A_667 : f32 to vector<16xf32>
        %max3A_669 = arith.maximumf %add3A_666, %max3A_668 : vector<16xf32>
        %swap3A_670 = arith.constant 0 : i32
        %swap3A_671 = arith.index_cast %swap3A_670 : i32 to index
        %swap3A_672 = arith.index_cast %add3A_484 : i32 to index
        %swap3A_673 = arith.constant 112 : index
        %swap3A_674 = tpu.vector_load %arg11[%swap3A_671, %swap3A_672, %swap3A_673] {strides = array<i32>} : memref<2x40x128xf32, #tpu.memory_space<vmem>>, vector<1x1x16xf32>,
        %swap3A_675 = vector.shape_cast %swap3A_674 : vector<1x1x16xf32> to vector<16xf32>
        %swap3A_676 = vector.shape_cast %max3A_669 : vector<16xf32> to vector<1x1x16xf32>
        tpu.vector_store %arg11[%swap3A_671, %swap3A_672, %swap3A_673], %swap3A_676 {strides = array<i32>} : memref<2x40x128xf32, #tpu.memory_space<vmem>>, vector<1x1x16xf32>,
        %mul3A_677 = arith.constant 4 : i32
        %mul3A_678 = arith.muli %mul3A_677, %scan3A_290 : i32
        %add3A_679 = arith.constant 2 : i32
        %add3A_680 = arith.addi %mul3A_678, %add3A_679 : i32
        %get3A_681 = arith.constant 0 : i32
        %get3A_682 = arith.index_cast %get3A_681 : i32 to index
        %get3A_683 = arith.index_cast %add3A_680 : i32 to index
        %get3A_684 = arith.constant 0 : index
        %get3A_685 = tpu.vector_load %arg10[%get3A_682, %get3A_683, %get3A_684] {strides = array<i32>} : memref<2x40x64xi32, #tpu.memory_space<vmem>>, vector<1x1x16xi32>,
        %get3A_686 = vector.shape_cast %get3A_685 : vector<1x1x16xi32> to vector<16xi32>
        %shift_left3A_687 = arith.constant 16 : i32
        %shift_left3A_688 = vector.broadcast %shift_left3A_687 : i32 to vector<16xi32>
        %shift_left3A_689 = arith.shli %get3A_686, %shift_left3A_688 : vector<16xi32>
        %bitcast_convert_type3A_690 = tpu.bitcast %shift_left3A_689 : vector<16xi32> -> vector<16xf32>
        %and3A_691 = arith.constant -65536 : i32
        %and3A_692 = vector.broadcast %and3A_691 : i32 to vector<16xi32>
        %and3A_693 = arith.andi %get3A_686, %and3A_692 : vector<16xi32>
        %bitcast_convert_type3A_694 = tpu.bitcast %and3A_693 : vector<16xi32> -> vector<16xf32>
        %get3A_695 = arith.constant 0 : i32
        %get3A_696 = arith.index_cast %get3A_695 : i32 to index
        %get3A_697 = arith.index_cast %add3A_680 : i32 to index
        %get3A_698 = arith.constant 0 : index
        %get3A_699 = tpu.vector_load %arg9[%get3A_696, %get3A_697, %get3A_698] {strides = array<i32>} : memref<2x40x128xf32, #tpu.memory_space<vmem>>, vector<1x1x16xf32>,
        %get3A_700 = vector.shape_cast %get3A_699 : vector<1x1x16xf32> to vector<16xf32>
        %add3A_701 = arith.addf %get3A_700, %bitcast_convert_type3A_690 : vector<16xf32>
        %max3A_702 = arith.constant 0.000000e+00 : f32
        %max3A_703 = vector.broadcast %max3A_702 : f32 to vector<16xf32>
        %max3A_704 = arith.maximumf %add3A_701, %max3A_703 : vector<16xf32>
        %swap3A_705 = arith.constant 0 : i32
        %swap3A_706 = arith.index_cast %swap3A_705 : i32 to index
        %swap3A_707 = arith.index_cast %add3A_680 : i32 to index
        %swap3A_708 = arith.constant 0 : index
        %swap3A_709 = tpu.vector_load %arg11[%swap3A_706, %swap3A_707, %swap3A_708] {strides = array<i32>} : memref<2x40x128xf32, #tpu.memory_space<vmem>>, vector<1x1x16xf32>,
        %swap3A_710 = vector.shape_cast %swap3A_709 : vector<1x1x16xf32> to vector<16xf32>
        %swap3A_711 = vector.shape_cast %max3A_704 : vector<16xf32> to vector<1x1x16xf32>
        tpu.vector_store %arg11[%swap3A_706, %swap3A_707, %swap3A_708], %swap3A_711 {strides = array<i32>} : memref<2x40x128xf32, #tpu.memory_space<vmem>>, vector<1x1x16xf32>,
        %get3A_712 = arith.constant 0 : i32
        %get3A_713 = arith.index_cast %get3A_712 : i32 to index
        %get3A_714 = arith.index_cast %add3A_680 : i32 to index
        %get3A_715 = arith.constant 64 : index
        %get3A_716 = tpu.vector_load %arg9[%get3A_713, %get3A_714, %get3A_715] {strides = array<i32>} : memref<2x40x128xf32, #tpu.memory_space<vmem>>, vector<1x1x16xf32>,
        %get3A_717 = vector.shape_cast %get3A_716 : vector<1x1x16xf32> to vector<16xf32>
        %add3A_718 = arith.addf %get3A_717, %bitcast_convert_type3A_694 : vector<16xf32>
        %max3A_719 = arith.constant 0.000000e+00 : f32
        %max3A_720 = vector.broadcast %max3A_719 : f32 to vector<16xf32>
        %max3A_721 = arith.maximumf %add3A_718, %max3A_720 : vector<16xf32>
        %swap3A_722 = arith.constant 0 : i32
        %swap3A_723 = arith.index_cast %swap3A_722 : i32 to index
        %swap3A_724 = arith.index_cast %add3A_680 : i32 to index
        %swap3A_725 = arith.constant 64 : index
        %swap3A_726 = tpu.vector_load %arg11[%swap3A_723, %swap3A_724, %swap3A_725] {strides = array<i32>} : memref<2x40x128xf32, #tpu.memory_space<vmem>>, vector<1x1x16xf32>,
        %swap3A_727 = vector.shape_cast %swap3A_726 : vector<1x1x16xf32> to vector<16xf32>
        %swap3A_728 = vector.shape_cast %max3A_721 : vector<16xf32> to vector<1x1x16xf32>
        tpu.vector_store %arg11[%swap3A_723, %swap3A_724, %swap3A_725], %swap3A_728 {strides = array<i32>} : memref<2x40x128xf32, #tpu.memory_space<vmem>>, vector<1x1x16xf32>,
        %get3A_729 = arith.constant 0 : i32
        %get3A_730 = arith.index_cast %get3A_729 : i32 to index
        %get3A_731 = arith.index_cast %add3A_680 : i32 to index
        %get3A_732 = arith.constant 16 : index
        %get3A_733 = tpu.vector_load %arg10[%get3A_730, %get3A_731, %get3A_732] {strides = array<i32>} : memref<2x40x64xi32, #tpu.memory_space<vmem>>, vector<1x1x16xi32>,
        %get3A_734 = vector.shape_cast %get3A_733 : vector<1x1x16xi32> to vector<16xi32>
        %shift_left3A_735 = arith.constant 16 : i32
        %shift_left3A_736 = vector.broadcast %shift_left3A_735 : i32 to vector<16xi32>
        %shift_left3A_737 = arith.shli %get3A_734, %shift_left3A_736 : vector<16xi32>
        %bitcast_convert_type3A_738 = tpu.bitcast %shift_left3A_737 : vector<16xi32> -> vector<16xf32>
        %and3A_739 = arith.constant -65536 : i32
        %and3A_740 = vector.broadcast %and3A_739 : i32 to vector<16xi32>
        %and3A_741 = arith.andi %get3A_734, %and3A_740 : vector<16xi32>
        %bitcast_convert_type3A_742 = tpu.bitcast %and3A_741 : vector<16xi32> -> vector<16xf32>
        %get3A_743 = arith.constant 0 : i32
        %get3A_744 = arith.index_cast %get3A_743 : i32 to index
        %get3A_745 = arith.index_cast %add3A_680 : i32 to index
        %get3A_746 = arith.constant 16 : index
        %get3A_747 = tpu.vector_load %arg9[%get3A_744, %get3A_745, %get3A_746] {strides = array<i32>} : memref<2x40x128xf32, #tpu.memory_space<vmem>>, vector<1x1x16xf32>,
        %get3A_748 = vector.shape_cast %get3A_747 : vector<1x1x16xf32> to vector<16xf32>
        %add3A_749 = arith.addf %get3A_748, %bitcast_convert_type3A_738 : vector<16xf32>
        %max3A_750 = arith.constant 0.000000e+00 : f32
        %max3A_751 = vector.broadcast %max3A_750 : f32 to vector<16xf32>
        %max3A_752 = arith.maximumf %add3A_749, %max3A_751 : vector<16xf32>
        %swap3A_753 = arith.constant 0 : i32
        %swap3A_754 = arith.index_cast %swap3A_753 : i32 to index
        %swap3A_755 = arith.index_cast %add3A_680 : i32 to index
        %swap3A_756 = arith.constant 16 : index
        %swap3A_757 = tpu.vector_load %arg11[%swap3A_754, %swap3A_755, %swap3A_756] {strides = array<i32>} : memref<2x40x128xf32, #tpu.memory_space<vmem>>, vector<1x1x16xf32>,
        %swap3A_758 = vector.shape_cast %swap3A_757 : vector<1x1x16xf32> to vector<16xf32>
        %swap3A_759 = vector.shape_cast %max3A_752 : vector<16xf32> to vector<1x1x16xf32>
        tpu.vector_store %arg11[%swap3A_754, %swap3A_755, %swap3A_756], %swap3A_759 {strides = array<i32>} : memref<2x40x128xf32, #tpu.memory_space<vmem>>, vector<1x1x16xf32>,
        %get3A_760 = arith.constant 0 : i32
        %get3A_761 = arith.index_cast %get3A_760 : i32 to index
        %get3A_762 = arith.index_cast %add3A_680 : i32 to index
        %get3A_763 = arith.constant 80 : index
        %get3A_764 = tpu.vector_load %arg9[%get3A_761, %get3A_762, %get3A_763] {strides = array<i32>} : memref<2x40x128xf32, #tpu.memory_space<vmem>>, vector<1x1x16xf32>,
        %get3A_765 = vector.shape_cast %get3A_764 : vector<1x1x16xf32> to vector<16xf32>
        %add3A_766 = arith.addf %get3A_765, %bitcast_convert_type3A_742 : vector<16xf32>
        %max3A_767 = arith.constant 0.000000e+00 : f32
        %max3A_768 = vector.broadcast %max3A_767 : f32 to vector<16xf32>
        %max3A_769 = arith.maximumf %add3A_766, %max3A_768 : vector<16xf32>
        %swap3A_770 = arith.constant 0 : i32
        %swap3A_771 = arith.index_cast %swap3A_770 : i32 to index
        %swap3A_772 = arith.index_cast %add3A_680 : i32 to index
        %swap3A_773 = arith.constant 80 : index
        %swap3A_774 = tpu.vector_load %arg11[%swap3A_771, %swap3A_772, %swap3A_773] {strides = array<i32>} : memref<2x40x128xf32, #tpu.memory_space<vmem>>, vector<1x1x16xf32>,
        %swap3A_775 = vector.shape_cast %swap3A_774 : vector<1x1x16xf32> to vector<16xf32>
        %swap3A_776 = vector.shape_cast %max3A_769 : vector<16xf32> to vector<1x1x16xf32>
        tpu.vector_store %arg11[%swap3A_771, %swap3A_772, %swap3A_773], %swap3A_776 {strides = array<i32>} : memref<2x40x128xf32, #tpu.memory_space<vmem>>, vector<1x1x16xf32>,
        %get3A_777 = arith.constant 0 : i32
        %get3A_778 = arith.index_cast %get3A_777 : i32 to index
        %get3A_779 = arith.index_cast %add3A_680 : i32 to index
        %get3A_780 = arith.constant 32 : index
        %get3A_781 = tpu.vector_load %arg10[%get3A_778, %get3A_779, %get3A_780] {strides = array<i32>} : memref<2x40x64xi32, #tpu.memory_space<vmem>>, vector<1x1x16xi32>,
        %get3A_782 = vector.shape_cast %get3A_781 : vector<1x1x16xi32> to vector<16xi32>
        %shift_left3A_783 = arith.constant 16 : i32
        %shift_left3A_784 = vector.broadcast %shift_left3A_783 : i32 to vector<16xi32>
        %shift_left3A_785 = arith.shli %get3A_782, %shift_left3A_784 : vector<16xi32>
        %bitcast_convert_type3A_786 = tpu.bitcast %shift_left3A_785 : vector<16xi32> -> vector<16xf32>
        %and3A_787 = arith.constant -65536 : i32
        %and3A_788 = vector.broadcast %and3A_787 : i32 to vector<16xi32>
        %and3A_789 = arith.andi %get3A_782, %and3A_788 : vector<16xi32>
        %bitcast_convert_type3A_790 = tpu.bitcast %and3A_789 : vector<16xi32> -> vector<16xf32>
        %get3A_791 = arith.constant 0 : i32
        %get3A_792 = arith.index_cast %get3A_791 : i32 to index
        %get3A_793 = arith.index_cast %add3A_680 : i32 to index
        %get3A_794 = arith.constant 32 : index
        %get3A_795 = tpu.vector_load %arg9[%get3A_792, %get3A_793, %get3A_794] {strides = array<i32>} : memref<2x40x128xf32, #tpu.memory_space<vmem>>, vector<1x1x16xf32>,
        %get3A_796 = vector.shape_cast %get3A_795 : vector<1x1x16xf32> to vector<16xf32>
        %add3A_797 = arith.addf %get3A_796, %bitcast_convert_type3A_786 : vector<16xf32>
        %max3A_798 = arith.constant 0.000000e+00 : f32
        %max3A_799 = vector.broadcast %max3A_798 : f32 to vector<16xf32>
        %max3A_800 = arith.maximumf %add3A_797, %max3A_799 : vector<16xf32>
        %swap3A_801 = arith.constant 0 : i32
        %swap3A_802 = arith.index_cast %swap3A_801 : i32 to index
        %swap3A_803 = arith.index_cast %add3A_680 : i32 to index
        %swap3A_804 = arith.constant 32 : index
        %swap3A_805 = tpu.vector_load %arg11[%swap3A_802, %swap3A_803, %swap3A_804] {strides = array<i32>} : memref<2x40x128xf32, #tpu.memory_space<vmem>>, vector<1x1x16xf32>,
        %swap3A_806 = vector.shape_cast %swap3A_805 : vector<1x1x16xf32> to vector<16xf32>
        %swap3A_807 = vector.shape_cast %max3A_800 : vector<16xf32> to vector<1x1x16xf32>
        tpu.vector_store %arg11[%swap3A_802, %swap3A_803, %swap3A_804], %swap3A_807 {strides = array<i32>} : memref<2x40x128xf32, #tpu.memory_space<vmem>>, vector<1x1x16xf32>,
        %get3A_808 = arith.constant 0 : i32
        %get3A_809 = arith.index_cast %get3A_808 : i32 to index
        %get3A_810 = arith.index_cast %add3A_680 : i32 to index
        %get3A_811 = arith.constant 96 : index
        %get3A_812 = tpu.vector_load %arg9[%get3A_809, %get3A_810, %get3A_811] {strides = array<i32>} : memref<2x40x128xf32, #tpu.memory_space<vmem>>, vector<1x1x16xf32>,
        %get3A_813 = vector.shape_cast %get3A_812 : vector<1x1x16xf32> to vector<16xf32>
        %add3A_814 = arith.addf %get3A_813, %bitcast_convert_type3A_790 : vector<16xf32>
        %max3A_815 = arith.constant 0.000000e+00 : f32
        %max3A_816 = vector.broadcast %max3A_815 : f32 to vector<16xf32>
        %max3A_817 = arith.maximumf %add3A_814, %max3A_816 : vector<16xf32>
        %swap3A_818 = arith.constant 0 : i32
        %swap3A_819 = arith.index_cast %swap3A_818 : i32 to index
        %swap3A_820 = arith.index_cast %add3A_680 : i32 to index
        %swap3A_821 = arith.constant 96 : index
        %swap3A_822 = tpu.vector_load %arg11[%swap3A_819, %swap3A_820, %swap3A_821] {strides = array<i32>} : memref<2x40x128xf32, #tpu.memory_space<vmem>>, vector<1x1x16xf32>,
        %swap3A_823 = vector.shape_cast %swap3A_822 : vector<1x1x16xf32> to vector<16xf32>
        %swap3A_824 = vector.shape_cast %max3A_817 : vector<16xf32> to vector<1x1x16xf32>
        tpu.vector_store %arg11[%swap3A_819, %swap3A_820, %swap3A_821], %swap3A_824 {strides = array<i32>} : memref<2x40x128xf32, #tpu.memory_space<vmem>>, vector<1x1x16xf32>,
        %get3A_825 = arith.constant 0 : i32
        %get3A_826 = arith.index_cast %get3A_825 : i32 to index
        %get3A_827 = arith.index_cast %add3A_680 : i32 to index
        %get3A_828 = arith.constant 48 : index
        %get3A_829 = tpu.vector_load %arg10[%get3A_826, %get3A_827, %get3A_828] {strides = array<i32>} : memref<2x40x64xi32, #tpu.memory_space<vmem>>, vector<1x1x16xi32>,
        %get3A_830 = vector.shape_cast %get3A_829 : vector<1x1x16xi32> to vector<16xi32>
        %shift_left3A_831 = arith.constant 16 : i32
        %shift_left3A_832 = vector.broadcast %shift_left3A_831 : i32 to vector<16xi32>
        %shift_left3A_833 = arith.shli %get3A_830, %shift_left3A_832 : vector<16xi32>
        %bitcast_convert_type3A_834 = tpu.bitcast %shift_left3A_833 : vector<16xi32> -> vector<16xf32>
        %and3A_835 = arith.constant -65536 : i32
        %and3A_836 = vector.broadcast %and3A_835 : i32 to vector<16xi32>
        %and3A_837 = arith.andi %get3A_830, %and3A_836 : vector<16xi32>
        %bitcast_convert_type3A_838 = tpu.bitcast %and3A_837 : vector<16xi32> -> vector<16xf32>
        %get3A_839 = arith.constant 0 : i32
        %get3A_840 = arith.index_cast %get3A_839 : i32 to index
        %get3A_841 = arith.index_cast %add3A_680 : i32 to index
        %get3A_842 = arith.constant 48 : index
        %get3A_843 = tpu.vector_load %arg9[%get3A_840, %get3A_841, %get3A_842] {strides = array<i32>} : memref<2x40x128xf32, #tpu.memory_space<vmem>>, vector<1x1x16xf32>,
        %get3A_844 = vector.shape_cast %get3A_843 : vector<1x1x16xf32> to vector<16xf32>
        %add3A_845 = arith.addf %get3A_844, %bitcast_convert_type3A_834 : vector<16xf32>
        %max3A_846 = arith.constant 0.000000e+00 : f32
        %max3A_847 = vector.broadcast %max3A_846 : f32 to vector<16xf32>
        %max3A_848 = arith.maximumf %add3A_845, %max3A_847 : vector<16xf32>
        %swap3A_849 = arith.constant 0 : i32
        %swap3A_850 = arith.index_cast %swap3A_849 : i32 to index
        %swap3A_851 = arith.index_cast %add3A_680 : i32 to index
        %swap3A_852 = arith.constant 48 : index
        %swap3A_853 = tpu.vector_load %arg11[%swap3A_850, %swap3A_851, %swap3A_852] {strides = array<i32>} : memref<2x40x128xf32, #tpu.memory_space<vmem>>, vector<1x1x16xf32>,
        %swap3A_854 = vector.shape_cast %swap3A_853 : vector<1x1x16xf32> to vector<16xf32>
        %swap3A_855 = vector.shape_cast %max3A_848 : vector<16xf32> to vector<1x1x16xf32>
        tpu.vector_store %arg11[%swap3A_850, %swap3A_851, %swap3A_852], %swap3A_855 {strides = array<i32>} : memref<2x40x128xf32, #tpu.memory_space<vmem>>, vector<1x1x16xf32>,
        %get3A_856 = arith.constant 0 : i32
        %get3A_857 = arith.index_cast %get3A_856 : i32 to index
        %get3A_858 = arith.index_cast %add3A_680 : i32 to index
        %get3A_859 = arith.constant 112 : index
        %get3A_860 = tpu.vector_load %arg9[%get3A_857, %get3A_858, %get3A_859] {strides = array<i32>} : memref<2x40x128xf32, #tpu.memory_space<vmem>>, vector<1x1x16xf32>,
        %get3A_861 = vector.shape_cast %get3A_860 : vector<1x1x16xf32> to vector<16xf32>
        %add3A_862 = arith.addf %get3A_861, %bitcast_convert_type3A_838 : vector<16xf32>
        %max3A_863 = arith.constant 0.000000e+00 : f32
        %max3A_864 = vector.broadcast %max3A_863 : f32 to vector<16xf32>
        %max3A_865 = arith.maximumf %add3A_862, %max3A_864 : vector<16xf32>
        %swap3A_866 = arith.constant 0 : i32
        %swap3A_867 = arith.index_cast %swap3A_866 : i32 to index
        %swap3A_868 = arith.index_cast %add3A_680 : i32 to index
        %swap3A_869 = arith.constant 112 : index
        %swap3A_870 = tpu.vector_load %arg11[%swap3A_867, %swap3A_868, %swap3A_869] {strides = array<i32>} : memref<2x40x128xf32, #tpu.memory_space<vmem>>, vector<1x1x16xf32>,
        %swap3A_871 = vector.shape_cast %swap3A_870 : vector<1x1x16xf32> to vector<16xf32>
        %swap3A_872 = vector.shape_cast %max3A_865 : vector<16xf32> to vector<1x1x16xf32>
        tpu.vector_store %arg11[%swap3A_867, %swap3A_868, %swap3A_869], %swap3A_872 {strides = array<i32>} : memref<2x40x128xf32, #tpu.memory_space<vmem>>, vector<1x1x16xf32>,
        %mul3A_873 = arith.constant 4 : i32
        %mul3A_874 = arith.muli %mul3A_873, %scan3A_290 : i32
        %add3A_875 = arith.constant 3 : i32
        %add3A_876 = arith.addi %mul3A_874, %add3A_875 : i32
        %get3A_877 = arith.constant 0 : i32
        %get3A_878 = arith.index_cast %get3A_877 : i32 to index
        %get3A_879 = arith.index_cast %add3A_876 : i32 to index
        %get3A_880 = arith.constant 0 : index
        %get3A_881 = tpu.vector_load %arg10[%get3A_878, %get3A_879, %get3A_880] {strides = array<i32>} : memref<2x40x64xi32, #tpu.memory_space<vmem>>, vector<1x1x16xi32>,
        %get3A_882 = vector.shape_cast %get3A_881 : vector<1x1x16xi32> to vector<16xi32>
        %shift_left3A_883 = arith.constant 16 : i32
        %shift_left3A_884 = vector.broadcast %shift_left3A_883 : i32 to vector<16xi32>
        %shift_left3A_885 = arith.shli %get3A_882, %shift_left3A_884 : vector<16xi32>
        %bitcast_convert_type3A_886 = tpu.bitcast %shift_left3A_885 : vector<16xi32> -> vector<16xf32>
        %and3A_887 = arith.constant -65536 : i32
        %and3A_888 = vector.broadcast %and3A_887 : i32 to vector<16xi32>
        %and3A_889 = arith.andi %get3A_882, %and3A_888 : vector<16xi32>
        %bitcast_convert_type3A_890 = tpu.bitcast %and3A_889 : vector<16xi32> -> vector<16xf32>
        %get3A_891 = arith.constant 0 : i32
        %get3A_892 = arith.index_cast %get3A_891 : i32 to index
        %get3A_893 = arith.index_cast %add3A_876 : i32 to index
        %get3A_894 = arith.constant 0 : index
        %get3A_895 = tpu.vector_load %arg9[%get3A_892, %get3A_893, %get3A_894] {strides = array<i32>} : memref<2x40x128xf32, #tpu.memory_space<vmem>>, vector<1x1x16xf32>,
        %get3A_896 = vector.shape_cast %get3A_895 : vector<1x1x16xf32> to vector<16xf32>
        %add3A_897 = arith.addf %get3A_896, %bitcast_convert_type3A_886 : vector<16xf32>
        %max3A_898 = arith.constant 0.000000e+00 : f32
        %max3A_899 = vector.broadcast %max3A_898 : f32 to vector<16xf32>
        %max3A_900 = arith.maximumf %add3A_897, %max3A_899 : vector<16xf32>
        %swap3A_901 = arith.constant 0 : i32
        %swap3A_902 = arith.index_cast %swap3A_901 : i32 to index
        %swap3A_903 = arith.index_cast %add3A_876 : i32 to index
        %swap3A_904 = arith.constant 0 : index
        %swap3A_905 = tpu.vector_load %arg11[%swap3A_902, %swap3A_903, %swap3A_904] {strides = array<i32>} : memref<2x40x128xf32, #tpu.memory_space<vmem>>, vector<1x1x16xf32>,
        %swap3A_906 = vector.shape_cast %swap3A_905 : vector<1x1x16xf32> to vector<16xf32>
        %swap3A_907 = vector.shape_cast %max3A_900 : vector<16xf32> to vector<1x1x16xf32>
        tpu.vector_store %arg11[%swap3A_902, %swap3A_903, %swap3A_904], %swap3A_907 {strides = array<i32>} : memref<2x40x128xf32, #tpu.memory_space<vmem>>, vector<1x1x16xf32>,
        %get3A_908 = arith.constant 0 : i32
        %get3A_909 = arith.index_cast %get3A_908 : i32 to index
        %get3A_910 = arith.index_cast %add3A_876 : i32 to index
        %get3A_911 = arith.constant 64 : index
        %get3A_912 = tpu.vector_load %arg9[%get3A_909, %get3A_910, %get3A_911] {strides = array<i32>} : memref<2x40x128xf32, #tpu.memory_space<vmem>>, vector<1x1x16xf32>,
        %get3A_913 = vector.shape_cast %get3A_912 : vector<1x1x16xf32> to vector<16xf32>
        %add3A_914 = arith.addf %get3A_913, %bitcast_convert_type3A_890 : vector<16xf32>
        %max3A_915 = arith.constant 0.000000e+00 : f32
        %max3A_916 = vector.broadcast %max3A_915 : f32 to vector<16xf32>
        %max3A_917 = arith.maximumf %add3A_914, %max3A_916 : vector<16xf32>
        %swap3A_918 = arith.constant 0 : i32
        %swap3A_919 = arith.index_cast %swap3A_918 : i32 to index
        %swap3A_920 = arith.index_cast %add3A_876 : i32 to index
        %swap3A_921 = arith.constant 64 : index
        %swap3A_922 = tpu.vector_load %arg11[%swap3A_919, %swap3A_920, %swap3A_921] {strides = array<i32>} : memref<2x40x128xf32, #tpu.memory_space<vmem>>, vector<1x1x16xf32>,
        %swap3A_923 = vector.shape_cast %swap3A_922 : vector<1x1x16xf32> to vector<16xf32>
        %swap3A_924 = vector.shape_cast %max3A_917 : vector<16xf32> to vector<1x1x16xf32>
        tpu.vector_store %arg11[%swap3A_919, %swap3A_920, %swap3A_921], %swap3A_924 {strides = array<i32>} : memref<2x40x128xf32, #tpu.memory_space<vmem>>, vector<1x1x16xf32>,
        %get3A_925 = arith.constant 0 : i32
        %get3A_926 = arith.index_cast %get3A_925 : i32 to index
        %get3A_927 = arith.index_cast %add3A_876 : i32 to index
        %get3A_928 = arith.constant 16 : index
        %get3A_929 = tpu.vector_load %arg10[%get3A_926, %get3A_927, %get3A_928] {strides = array<i32>} : memref<2x40x64xi32, #tpu.memory_space<vmem>>, vector<1x1x16xi32>,
        %get3A_930 = vector.shape_cast %get3A_929 : vector<1x1x16xi32> to vector<16xi32>
        %shift_left3A_931 = arith.constant 16 : i32
        %shift_left3A_932 = vector.broadcast %shift_left3A_931 : i32 to vector<16xi32>
        %shift_left3A_933 = arith.shli %get3A_930, %shift_left3A_932 : vector<16xi32>
        %bitcast_convert_type3A_934 = tpu.bitcast %shift_left3A_933 : vector<16xi32> -> vector<16xf32>
        %and3A_935 = arith.constant -65536 : i32
        %and3A_936 = vector.broadcast %and3A_935 : i32 to vector<16xi32>
        %and3A_937 = arith.andi %get3A_930, %and3A_936 : vector<16xi32>
        %bitcast_convert_type3A_938 = tpu.bitcast %and3A_937 : vector<16xi32> -> vector<16xf32>
        %get3A_939 = arith.constant 0 : i32
        %get3A_940 = arith.index_cast %get3A_939 : i32 to index
        %get3A_941 = arith.index_cast %add3A_876 : i32 to index
        %get3A_942 = arith.constant 16 : index
        %get3A_943 = tpu.vector_load %arg9[%get3A_940, %get3A_941, %get3A_942] {strides = array<i32>} : memref<2x40x128xf32, #tpu.memory_space<vmem>>, vector<1x1x16xf32>,
        %get3A_944 = vector.shape_cast %get3A_943 : vector<1x1x16xf32> to vector<16xf32>
        %add3A_945 = arith.addf %get3A_944, %bitcast_convert_type3A_934 : vector<16xf32>
        %max3A_946 = arith.constant 0.000000e+00 : f32
        %max3A_947 = vector.broadcast %max3A_946 : f32 to vector<16xf32>
        %max3A_948 = arith.maximumf %add3A_945, %max3A_947 : vector<16xf32>
        %swap3A_949 = arith.constant 0 : i32
        %swap3A_950 = arith.index_cast %swap3A_949 : i32 to index
        %swap3A_951 = arith.index_cast %add3A_876 : i32 to index
        %swap3A_952 = arith.constant 16 : index
        %swap3A_953 = tpu.vector_load %arg11[%swap3A_950, %swap3A_951, %swap3A_952] {strides = array<i32>} : memref<2x40x128xf32, #tpu.memory_space<vmem>>, vector<1x1x16xf32>,
        %swap3A_954 = vector.shape_cast %swap3A_953 : vector<1x1x16xf32> to vector<16xf32>
        %swap3A_955 = vector.shape_cast %max3A_948 : vector<16xf32> to vector<1x1x16xf32>
        tpu.vector_store %arg11[%swap3A_950, %swap3A_951, %swap3A_952], %swap3A_955 {strides = array<i32>} : memref<2x40x128xf32, #tpu.memory_space<vmem>>, vector<1x1x16xf32>,
        %get3A_956 = arith.constant 0 : i32
        %get3A_957 = arith.index_cast %get3A_956 : i32 to index
        %get3A_958 = arith.index_cast %add3A_876 : i32 to index
        %get3A_959 = arith.constant 80 : index
        %get3A_960 = tpu.vector_load %arg9[%get3A_957, %get3A_958, %get3A_959] {strides = array<i32>} : memref<2x40x128xf32, #tpu.memory_space<vmem>>, vector<1x1x16xf32>,
        %get3A_961 = vector.shape_cast %get3A_960 : vector<1x1x16xf32> to vector<16xf32>
        %add3A_962 = arith.addf %get3A_961, %bitcast_convert_type3A_938 : vector<16xf32>
        %max3A_963 = arith.constant 0.000000e+00 : f32
        %max3A_964 = vector.broadcast %max3A_963 : f32 to vector<16xf32>
        %max3A_965 = arith.maximumf %add3A_962, %max3A_964 : vector<16xf32>
        %swap3A_966 = arith.constant 0 : i32
        %swap3A_967 = arith.index_cast %swap3A_966 : i32 to index
        %swap3A_968 = arith.index_cast %add3A_876 : i32 to index
        %swap3A_969 = arith.constant 80 : index
        %swap3A_970 = tpu.vector_load %arg11[%swap3A_967, %swap3A_968, %swap3A_969] {strides = array<i32>} : memref<2x40x128xf32, #tpu.memory_space<vmem>>, vector<1x1x16xf32>,
        %swap3A_971 = vector.shape_cast %swap3A_970 : vector<1x1x16xf32> to vector<16xf32>
        %swap3A_972 = vector.shape_cast %max3A_965 : vector<16xf32> to vector<1x1x16xf32>
        tpu.vector_store %arg11[%swap3A_967, %swap3A_968, %swap3A_969], %swap3A_972 {strides = array<i32>} : memref<2x40x128xf32, #tpu.memory_space<vmem>>, vector<1x1x16xf32>,
        %get3A_973 = arith.constant 0 : i32
        %get3A_974 = arith.index_cast %get3A_973 : i32 to index
        %get3A_975 = arith.index_cast %add3A_876 : i32 to index
        %get3A_976 = arith.constant 32 : index
        %get3A_977 = tpu.vector_load %arg10[%get3A_974, %get3A_975, %get3A_976] {strides = array<i32>} : memref<2x40x64xi32, #tpu.memory_space<vmem>>, vector<1x1x16xi32>,
        %get3A_978 = vector.shape_cast %get3A_977 : vector<1x1x16xi32> to vector<16xi32>
        %shift_left3A_979 = arith.constant 16 : i32
        %shift_left3A_980 = vector.broadcast %shift_left3A_979 : i32 to vector<16xi32>
        %shift_left3A_981 = arith.shli %get3A_978, %shift_left3A_980 : vector<16xi32>
        %bitcast_convert_type3A_982 = tpu.bitcast %shift_left3A_981 : vector<16xi32> -> vector<16xf32>
        %and3A_983 = arith.constant -65536 : i32
        %and3A_984 = vector.broadcast %and3A_983 : i32 to vector<16xi32>
        %and3A_985 = arith.andi %get3A_978, %and3A_984 : vector<16xi32>
        %bitcast_convert_type3A_986 = tpu.bitcast %and3A_985 : vector<16xi32> -> vector<16xf32>
        %get3A_987 = arith.constant 0 : i32
        %get3A_988 = arith.index_cast %get3A_987 : i32 to index
        %get3A_989 = arith.index_cast %add3A_876 : i32 to index
        %get3A_990 = arith.constant 32 : index
        %get3A_991 = tpu.vector_load %arg9[%get3A_988, %get3A_989, %get3A_990] {strides = array<i32>} : memref<2x40x128xf32, #tpu.memory_space<vmem>>, vector<1x1x16xf32>,
        %get3A_992 = vector.shape_cast %get3A_991 : vector<1x1x16xf32> to vector<16xf32>
        %add3A_993 = arith.addf %get3A_992, %bitcast_convert_type3A_982 : vector<16xf32>
        %max3A_994 = arith.constant 0.000000e+00 : f32
        %max3A_995 = vector.broadcast %max3A_994 : f32 to vector<16xf32>
        %max3A_996 = arith.maximumf %add3A_993, %max3A_995 : vector<16xf32>
        %swap3A_997 = arith.constant 0 : i32
        %swap3A_998 = arith.index_cast %swap3A_997 : i32 to index
        %swap3A_999 = arith.index_cast %add3A_876 : i32 to index
        %swap3A_1000 = arith.constant 32 : index
        %swap3A_1001 = tpu.vector_load %arg11[%swap3A_998, %swap3A_999, %swap3A_1000] {strides = array<i32>} : memref<2x40x128xf32, #tpu.memory_space<vmem>>, vector<1x1x16xf32>,
        %swap3A_1002 = vector.shape_cast %swap3A_1001 : vector<1x1x16xf32> to vector<16xf32>
        %swap3A_1003 = vector.shape_cast %max3A_996 : vector<16xf32> to vector<1x1x16xf32>
        tpu.vector_store %arg11[%swap3A_998, %swap3A_999, %swap3A_1000], %swap3A_1003 {strides = array<i32>} : memref<2x40x128xf32, #tpu.memory_space<vmem>>, vector<1x1x16xf32>,
        %get3A_1004 = arith.constant 0 : i32
        %get3A_1005 = arith.index_cast %get3A_1004 : i32 to index
        %get3A_1006 = arith.index_cast %add3A_876 : i32 to index
        %get3A_1007 = arith.constant 96 : index
        %get3A_1008 = tpu.vector_load %arg9[%get3A_1005, %get3A_1006, %get3A_1007] {strides = array<i32>} : memref<2x40x128xf32, #tpu.memory_space<vmem>>, vector<1x1x16xf32>,
        %get3A_1009 = vector.shape_cast %get3A_1008 : vector<1x1x16xf32> to vector<16xf32>
        %add3A_1010 = arith.addf %get3A_1009, %bitcast_convert_type3A_986 : vector<16xf32>
        %max3A_1011 = arith.constant 0.000000e+00 : f32
        %max3A_1012 = vector.broadcast %max3A_1011 : f32 to vector<16xf32>
        %max3A_1013 = arith.maximumf %add3A_1010, %max3A_1012 : vector<16xf32>
        %swap3A_1014 = arith.constant 0 : i32
        %swap3A_1015 = arith.index_cast %swap3A_1014 : i32 to index
        %swap3A_1016 = arith.index_cast %add3A_876 : i32 to index
        %swap3A_1017 = arith.constant 96 : index
        %swap3A_1018 = tpu.vector_load %arg11[%swap3A_1015, %swap3A_1016, %swap3A_1017] {strides = array<i32>} : memref<2x40x128xf32, #tpu.memory_space<vmem>>, vector<1x1x16xf32>,
        %swap3A_1019 = vector.shape_cast %swap3A_1018 : vector<1x1x16xf32> to vector<16xf32>
        %swap3A_1020 = vector.shape_cast %max3A_1013 : vector<16xf32> to vector<1x1x16xf32>
        tpu.vector_store %arg11[%swap3A_1015, %swap3A_1016, %swap3A_1017], %swap3A_1020 {strides = array<i32>} : memref<2x40x128xf32, #tpu.memory_space<vmem>>, vector<1x1x16xf32>,
        %get3A_1021 = arith.constant 0 : i32
        %get3A_1022 = arith.index_cast %get3A_1021 : i32 to index
        %get3A_1023 = arith.index_cast %add3A_876 : i32 to index
        %get3A_1024 = arith.constant 48 : index
        %get3A_1025 = tpu.vector_load %arg10[%get3A_1022, %get3A_1023, %get3A_1024] {strides = array<i32>} : memref<2x40x64xi32, #tpu.memory_space<vmem>>, vector<1x1x16xi32>,
        %get3A_1026 = vector.shape_cast %get3A_1025 : vector<1x1x16xi32> to vector<16xi32>
        %shift_left3A_1027 = arith.constant 16 : i32
        %shift_left3A_1028 = vector.broadcast %shift_left3A_1027 : i32 to vector<16xi32>
        %shift_left3A_1029 = arith.shli %get3A_1026, %shift_left3A_1028 : vector<16xi32>
        %bitcast_convert_type3A_1030 = tpu.bitcast %shift_left3A_1029 : vector<16xi32> -> vector<16xf32>
        %and3A_1031 = arith.constant -65536 : i32
        %and3A_1032 = vector.broadcast %and3A_1031 : i32 to vector<16xi32>
        %and3A_1033 = arith.andi %get3A_1026, %and3A_1032 : vector<16xi32>
        %bitcast_convert_type3A_1034 = tpu.bitcast %and3A_1033 : vector<16xi32> -> vector<16xf32>
        %get3A_1035 = arith.constant 0 : i32
        %get3A_1036 = arith.index_cast %get3A_1035 : i32 to index
        %get3A_1037 = arith.index_cast %add3A_876 : i32 to index
        %get3A_1038 = arith.constant 48 : index
        %get3A_1039 = tpu.vector_load %arg9[%get3A_1036, %get3A_1037, %get3A_1038] {strides = array<i32>} : memref<2x40x128xf32, #tpu.memory_space<vmem>>, vector<1x1x16xf32>,
        %get3A_1040 = vector.shape_cast %get3A_1039 : vector<1x1x16xf32> to vector<16xf32>
        %add3A_1041 = arith.addf %get3A_1040, %bitcast_convert_type3A_1030 : vector<16xf32>
        %max3A_1042 = arith.constant 0.000000e+00 : f32
        %max3A_1043 = vector.broadcast %max3A_1042 : f32 to vector<16xf32>
        %max3A_1044 = arith.maximumf %add3A_1041, %max3A_1043 : vector<16xf32>
        %swap3A_1045 = arith.constant 0 : i32
        %swap3A_1046 = arith.index_cast %swap3A_1045 : i32 to index
        %swap3A_1047 = arith.index_cast %add3A_876 : i32 to index
        %swap3A_1048 = arith.constant 48 : index
        %swap3A_1049 = tpu.vector_load %arg11[%swap3A_1046, %swap3A_1047, %swap3A_1048] {strides = array<i32>} : memref<2x40x128xf32, #tpu.memory_space<vmem>>, vector<1x1x16xf32>,
        %swap3A_1050 = vector.shape_cast %swap3A_1049 : vector<1x1x16xf32> to vector<16xf32>
        %swap3A_1051 = vector.shape_cast %max3A_1044 : vector<16xf32> to vector<1x1x16xf32>
        tpu.vector_store %arg11[%swap3A_1046, %swap3A_1047, %swap3A_1048], %swap3A_1051 {strides = array<i32>} : memref<2x40x128xf32, #tpu.memory_space<vmem>>, vector<1x1x16xf32>,
        %get3A_1052 = arith.constant 0 : i32
        %get3A_1053 = arith.index_cast %get3A_1052 : i32 to index
        %get3A_1054 = arith.index_cast %add3A_876 : i32 to index
        %get3A_1055 = arith.constant 112 : index
        %get3A_1056 = tpu.vector_load %arg9[%get3A_1053, %get3A_1054, %get3A_1055] {strides = array<i32>} : memref<2x40x128xf32, #tpu.memory_space<vmem>>, vector<1x1x16xf32>,
        %get3A_1057 = vector.shape_cast %get3A_1056 : vector<1x1x16xf32> to vector<16xf32>
        %add3A_1058 = arith.addf %get3A_1057, %bitcast_convert_type3A_1034 : vector<16xf32>
        %max3A_1059 = arith.constant 0.000000e+00 : f32
        %max3A_1060 = vector.broadcast %max3A_1059 : f32 to vector<16xf32>
        %max3A_1061 = arith.maximumf %add3A_1058, %max3A_1060 : vector<16xf32>
        %swap3A_1062 = arith.constant 0 : i32
        %swap3A_1063 = arith.index_cast %swap3A_1062 : i32 to index
        %swap3A_1064 = arith.index_cast %add3A_876 : i32 to index
        %swap3A_1065 = arith.constant 112 : index
        %swap3A_1066 = tpu.vector_load %arg11[%swap3A_1063, %swap3A_1064, %swap3A_1065] {strides = array<i32>} : memref<2x40x128xf32, #tpu.memory_space<vmem>>, vector<1x1x16xf32>,
        %swap3A_1067 = vector.shape_cast %swap3A_1066 : vector<1x1x16xf32> to vector<16xf32>
        %swap3A_1068 = vector.shape_cast %max3A_1061 : vector<16xf32> to vector<1x1x16xf32>
        tpu.vector_store %arg11[%swap3A_1063, %swap3A_1064, %swap3A_1065], %swap3A_1068 {strides = array<i32>} : memref<2x40x128xf32, #tpu.memory_space<vmem>>, vector<1x1x16xf32>,
      }
      %scan3A_184 = arith.constant 10 : i32
      %mul3A_185 = arith.constant 40 : i32
      %mul3A_186 = arith.muli %mul3A_135, %mul3A_185 : i32
      %add3A_187 = arith.addi %add3A_15, %mul3A_186 : i32
      %dma_wait3A_188 = arith.constant 0 : i32
      %dma_wait3A_189 = arith.constant 0 : i32
      %dma_wait3A_190 = tpu.memref_slice %arg8[%dma_wait3A_188, %dma_wait3A_189] : memref<2x40xi32, #tpu.memory_space<vmem>> -> memref<1x40xi32, #tpu.memory_space<vmem>>
      %dma_wait3A_191 = tpu.memref_squeeze %dma_wait3A_190 : memref<1x40xi32, #tpu.memory_space<vmem>> -> memref<40xi32, #tpu.memory_space<vmem>>
      %dma_wait3A_192 = tpu.memref_slice %arg5[%add3A_187] : memref<320000xi32, #tpu.memory_space<hbm>> -> memref<40xi32, #tpu.memory_space<hbm>>
      %dma_wait3A_193 = arith.constant 0 : i32
      %dma_wait3A_194 = tpu.memref_slice %arg8[%dma_wait3A_188, %dma_wait3A_193] : memref<2x40xi32, #tpu.memory_space<vmem>> -> memref<1x40xi32, #tpu.memory_space<vmem>>
      %dma_wait3A_195 = tpu.memref_squeeze %dma_wait3A_194 : memref<1x40xi32, #tpu.memory_space<vmem>> -> memref<40xi32, #tpu.memory_space<vmem>>
      %dma_wait3A_196 = tpu.memref_slice %arg5[%add3A_187] : memref<320000xi32, #tpu.memory_space<hbm>> -> memref<40xi32, #tpu.memory_space<hbm>>
      tpu.wait_dma2 semaphore(%arg19 : memref<!tpu.dma_semaphore, #tpu.memory_space<semaphore_mem>>) src(%dma_wait3A_196 : memref<40xi32, #tpu.memory_space<hbm>>) dst(%dma_wait3A_195 : memref<40xi32, #tpu.memory_space<vmem>>)
      %dma_start3A_197 = arith.constant 0 : i32
      %dma_start3A_198 = arith.constant 0 : i32
      %dma_start3A_199 = arith.constant 0 : i32
      %dma_start3A_200 = arith.constant 0 : i32
      %dma_start3A_201 = tpu.memref_slice %arg11[%dma_start3A_197, %dma_start3A_199, %dma_start3A_200] : memref<2x40x128xf32, #tpu.memory_space<vmem>> -> memref<1x40x128xf32, #tpu.memory_space<vmem>>
      %dma_start3A_202 = tpu.memref_squeeze %dma_start3A_201 : memref<1x40x128xf32, #tpu.memory_space<vmem>> -> memref<40x128xf32, #tpu.memory_space<vmem>>
      %dma_start3A_203 = arith.constant 0 : i32
      %dma_start3A_204 = tpu.memref_slice %arg8[%dma_start3A_198, %dma_start3A_203] : memref<2x40xi32, #tpu.memory_space<vmem>> -> memref<1x40xi32, #tpu.memory_space<vmem>>
      %dma_start3A_205 = tpu.memref_squeeze %dma_start3A_204 : memref<1x40xi32, #tpu.memory_space<vmem>> -> memref<40xi32, #tpu.memory_space<vmem>>
      %dma_start3A_206 = arith.constant 0 : i32
      %dma_start3A_207 = arith.constant 0 : i32
      %dma_start3A_208 = tpu.memref_slice %arg12[%dma_start3A_206, %dma_start3A_207] : memref<10240x128xf32, #tpu.memory_space<vmem_shared>> -> memref<10240x128xf32, #tpu.memory_space<vmem_shared>>
      tpu.enqueue_indirect_dma source(%dma_start3A_202 : memref<40x128xf32, #tpu.memory_space<vmem>>) target(%dma_start3A_208 : memref<10240x128xf32, #tpu.memory_space<vmem_shared>>) offsets(%dma_start3A_205 : memref<40xi32, #tpu.memory_space<vmem>>) semaphore(%arg21 : memref<!tpu.dma_semaphore, #tpu.memory_space<semaphore_mem>>) {add = true}
      %mul3A_209 = arith.constant 2 : i32
      %mul3A_210 = arith.muli %mul3A_209, %scan3A_133 : i32
      %add3A_211 = arith.constant 1 : i32
      %add3A_212 = arith.addi %mul3A_210, %add3A_211 : i32
      %add3A_213 = arith.constant 1 : i32
      %add3A_214 = arith.addi %add3A_212, %add3A_213 : i32
      %lt3A_215 = arith.constant 250 : i32
      %lt3A_216 = arith.cmpi slt, %add3A_214, %lt3A_215 : i32
      %convert_element_type3A_217 = arith.extui %lt3A_216 : i1 to i32
      %cond3A_218 = arith.constant 0 : i32
      %cond3A_219 = arith.cmpi ne, %convert_element_type3A_217, %cond3A_218 : i32
      scf.if %cond3A_219 {
        %add3A_290 = arith.constant 1 : i32
        %add3A_291 = arith.addi %add3A_212, %add3A_290 : i32
        %mul3A_292 = arith.constant 40 : i32
        %mul3A_293 = arith.muli %add3A_291, %mul3A_292 : i32
        %add3A_294 = arith.addi %add3A_15, %mul3A_293 : i32
        %dma_wait3A_295 = arith.constant 0 : i32
        %dma_wait3A_296 = arith.constant 0 : i32
        %dma_wait3A_297 = tpu.memref_slice %arg7[%dma_wait3A_295, %dma_wait3A_296] : memref<2x40xi32, #tpu.memory_space<vmem>> -> memref<1x40xi32, #tpu.memory_space<vmem>>
        %dma_wait3A_298 = tpu.memref_squeeze %dma_wait3A_297 : memref<1x40xi32, #tpu.memory_space<vmem>> -> memref<40xi32, #tpu.memory_space<vmem>>
        %dma_wait3A_299 = tpu.memref_slice %arg4[%add3A_294] : memref<320000xi32, #tpu.memory_space<hbm>> -> memref<40xi32, #tpu.memory_space<hbm>>
        %dma_wait3A_300 = arith.constant 0 : i32
        %dma_wait3A_301 = tpu.memref_slice %arg7[%dma_wait3A_295, %dma_wait3A_300] : memref<2x40xi32, #tpu.memory_space<vmem>> -> memref<1x40xi32, #tpu.memory_space<vmem>>
        %dma_wait3A_302 = tpu.memref_squeeze %dma_wait3A_301 : memref<1x40xi32, #tpu.memory_space<vmem>> -> memref<40xi32, #tpu.memory_space<vmem>>
        %dma_wait3A_303 = tpu.memref_slice %arg4[%add3A_294] : memref<320000xi32, #tpu.memory_space<hbm>> -> memref<40xi32, #tpu.memory_space<hbm>>
        tpu.wait_dma2 semaphore(%arg17 : memref<!tpu.dma_semaphore, #tpu.memory_space<semaphore_mem>>) src(%dma_wait3A_303 : memref<40xi32, #tpu.memory_space<hbm>>) dst(%dma_wait3A_302 : memref<40xi32, #tpu.memory_space<vmem>>)
        %add3A_304 = arith.constant 1 : i32
        %add3A_305 = arith.addi %add3A_212, %add3A_304 : i32
        %mul3A_306 = arith.constant 40 : i32
        %mul3A_307 = arith.muli %add3A_305, %mul3A_306 : i32
        %add3A_308 = arith.addi %mul3A_17, %mul3A_307 : i32
        %dma_start3A_309 = arith.constant 0 : i32
        %dma_start3A_310 = arith.constant 0 : i32
        %dma_start3A_311 = arith.constant 0 : i32
        %dma_start3A_312 = arith.constant 0 : i32
        %dma_start3A_313 = tpu.memref_slice %arg9[%dma_start3A_310, %dma_start3A_311, %dma_start3A_312] : memref<2x40x128xf32, #tpu.memory_space<vmem>> -> memref<1x40x128xf32, #tpu.memory_space<vmem>>
        %dma_start3A_314 = tpu.memref_squeeze %dma_start3A_313 : memref<1x40x128xf32, #tpu.memory_space<vmem>> -> memref<40x128xf32, #tpu.memory_space<vmem>>
        %dma_start3A_315 = arith.constant 0 : i32
        %dma_start3A_316 = tpu.memref_slice %arg7[%dma_start3A_309, %dma_start3A_315] : memref<2x40xi32, #tpu.memory_space<vmem>> -> memref<1x40xi32, #tpu.memory_space<vmem>>
        %dma_start3A_317 = tpu.memref_squeeze %dma_start3A_316 : memref<1x40xi32, #tpu.memory_space<vmem>> -> memref<40xi32, #tpu.memory_space<vmem>>
        %dma_start3A_318 = arith.constant 0 : i32
        %dma_start3A_319 = arith.constant 0 : i32
        %dma_start3A_320 = tpu.memref_slice %arg2[%dma_start3A_318, %dma_start3A_319] : memref<10000x128xf32, #tpu.memory_space<hbm>> -> memref<10000x128xf32, #tpu.memory_space<hbm>>
        tpu.enqueue_indirect_dma source(%dma_start3A_320 : memref<10000x128xf32, #tpu.memory_space<hbm>>) target(%dma_start3A_314 : memref<40x128xf32, #tpu.memory_space<vmem>>) offsets(%dma_start3A_317 : memref<40xi32, #tpu.memory_space<vmem>>) semaphore(%arg13 : memref<!tpu.dma_semaphore, #tpu.memory_space<semaphore_mem>>)
        %dma_start3A_321 = arith.constant 0 : i32
        %dma_start3A_322 = arith.constant 0 : i32
        %dma_start3A_323 = arith.constant 0 : i32
        %dma_start3A_324 = tpu.memref_slice %arg10[%dma_start3A_321, %dma_start3A_322, %dma_start3A_323] : memref<2x40x64xi32, #tpu.memory_space<vmem>> -> memref<1x40x64xi32, #tpu.memory_space<vmem>>
        %dma_start3A_325 = tpu.memref_squeeze %dma_start3A_324 : memref<1x40x64xi32, #tpu.memory_space<vmem>> -> memref<40x64xi32, #tpu.memory_space<vmem>>
        %dma_start3A_326 = arith.constant 0 : i32
        %dma_start3A_327 = tpu.memref_slice %arg3[%add3A_308, %dma_start3A_326] : memref<320000x64xi32, #tpu.memory_space<hbm>> -> memref<40x64xi32, #tpu.memory_space<hbm>>
        %dma_start3A_328 = arith.constant 0 : i32
        %dma_start3A_329 = arith.constant 0 : i32
        %dma_start3A_330 = tpu.memref_slice %arg10[%dma_start3A_321, %dma_start3A_328, %dma_start3A_329] : memref<2x40x64xi32, #tpu.memory_space<vmem>> -> memref<1x40x64xi32, #tpu.memory_space<vmem>>
        %dma_start3A_331 = tpu.memref_squeeze %dma_start3A_330 : memref<1x40x64xi32, #tpu.memory_space<vmem>> -> memref<40x64xi32, #tpu.memory_space<vmem>>
        %dma_start3A_332 = arith.constant 0 : i32
        %dma_start3A_333 = tpu.memref_slice %arg3[%add3A_308, %dma_start3A_332] : memref<320000x64xi32, #tpu.memory_space<hbm>> -> memref<40x64xi32, #tpu.memory_space<hbm>>
        tpu.enqueue_dma source(%dma_start3A_333 : memref<40x64xi32, #tpu.memory_space<hbm>>) target(%dma_start3A_331 : memref<40x64xi32, #tpu.memory_space<vmem>>) target_semaphore(%arg15 : memref<!tpu.dma_semaphore, #tpu.memory_space<semaphore_mem>>)
      } else {
      }
      %ge3A_220 = arith.constant 2 : i32
      %ge3A_221 = arith.cmpi sge, %add3A_212, %ge3A_220 : i32
      %convert_element_type3A_222 = arith.extui %ge3A_221 : i1 to i32
      %cond3A_223 = arith.constant 0 : i32
      %cond3A_224 = arith.cmpi ne, %convert_element_type3A_222, %cond3A_223 : i32
      scf.if %cond3A_224 {
        %dma_wait3A_290 = arith.constant 1 : i32
        %dma_wait3A_291 = arith.constant 1 : i32
        %dma_wait3A_292 = arith.constant 0 : i32
        %dma_wait3A_293 = arith.constant 0 : i32
        %dma_wait3A_294 = tpu.memref_slice %arg11[%dma_wait3A_290, %dma_wait3A_292, %dma_wait3A_293] : memref<2x40x128xf32, #tpu.memory_space<vmem>> -> memref<1x40x128xf32, #tpu.memory_space<vmem>>
        %dma_wait3A_295 = tpu.memref_squeeze %dma_wait3A_294 : memref<1x40x128xf32, #tpu.memory_space<vmem>> -> memref<40x128xf32, #tpu.memory_space<vmem>>
        %dma_wait3A_296 = arith.constant 0 : i32
        %dma_wait3A_297 = tpu.memref_slice %arg8[%dma_wait3A_291, %dma_wait3A_296] : memref<2x40xi32, #tpu.memory_space<vmem>> -> memref<1x40xi32, #tpu.memory_space<vmem>>
        %dma_wait3A_298 = tpu.memref_squeeze %dma_wait3A_297 : memref<1x40xi32, #tpu.memory_space<vmem>> -> memref<40xi32, #tpu.memory_space<vmem>>
        %dma_wait3A_299 = arith.constant 0 : i32
        %dma_wait3A_300 = arith.constant 0 : i32
        %dma_wait3A_301 = tpu.memref_slice %arg12[%dma_wait3A_299, %dma_wait3A_300] : memref<10240x128xf32, #tpu.memory_space<vmem_shared>> -> memref<10240x128xf32, #tpu.memory_space<vmem_shared>>
        tpu.wait_indirect_dma semaphore(%arg22 : memref<!tpu.dma_semaphore, #tpu.memory_space<semaphore_mem>>) src(%dma_wait3A_295 : memref<40x128xf32, #tpu.memory_space<vmem>>) dst(%dma_wait3A_301 : memref<10240x128xf32, #tpu.memory_space<vmem_shared>>)
      } else {
      }
      %mul3A_225 = arith.constant 40 : i32
      %mul3A_226 = arith.muli %add3A_212, %mul3A_225 : i32
      %add3A_227 = arith.addi %mul3A_17, %mul3A_226 : i32
      %dma_wait3A_228 = arith.constant 1 : i32
      %dma_wait3A_229 = arith.constant 1 : i32
      %dma_wait3A_230 = arith.constant 0 : i32
      %dma_wait3A_231 = arith.constant 0 : i32
      %dma_wait3A_232 = tpu.memref_slice %arg9[%dma_wait3A_229, %dma_wait3A_230, %dma_wait3A_231] : memref<2x40x128xf32, #tpu.memory_space<vmem>> -> memref<1x40x128xf32, #tpu.memory_space<vmem>>
      %dma_wait3A_233 = tpu.memref_squeeze %dma_wait3A_232 : memref<1x40x128xf32, #tpu.memory_space<vmem>> -> memref<40x128xf32, #tpu.memory_space<vmem>>
      %dma_wait3A_234 = arith.constant 0 : i32
      %dma_wait3A_235 = tpu.memref_slice %arg7[%dma_wait3A_228, %dma_wait3A_234] : memref<2x40xi32, #tpu.memory_space<vmem>> -> memref<1x40xi32, #tpu.memory_space<vmem>>
      %dma_wait3A_236 = tpu.memref_squeeze %dma_wait3A_235 : memref<1x40xi32, #tpu.memory_space<vmem>> -> memref<40xi32, #tpu.memory_space<vmem>>
      %dma_wait3A_237 = arith.constant 0 : i32
      %dma_wait3A_238 = arith.constant 0 : i32
      %dma_wait3A_239 = tpu.memref_slice %arg2[%dma_wait3A_237, %dma_wait3A_238] : memref<10000x128xf32, #tpu.memory_space<hbm>> -> memref<10000x128xf32, #tpu.memory_space<hbm>>
      tpu.wait_indirect_dma semaphore(%arg14 : memref<!tpu.dma_semaphore, #tpu.memory_space<semaphore_mem>>) src(%dma_wait3A_239 : memref<10000x128xf32, #tpu.memory_space<hbm>>) dst(%dma_wait3A_233 : memref<40x128xf32, #tpu.memory_space<vmem>>)
      %dma_wait3A_240 = arith.constant 1 : i32
      %dma_wait3A_241 = arith.constant 0 : i32
      %dma_wait3A_242 = arith.constant 0 : i32
      %dma_wait3A_243 = tpu.memref_slice %arg10[%dma_wait3A_240, %dma_wait3A_241, %dma_wait3A_242] : memref<2x40x64xi32, #tpu.memory_space<vmem>> -> memref<1x40x64xi32, #tpu.memory_space<vmem>>
      %dma_wait3A_244 = tpu.memref_squeeze %dma_wait3A_243 : memref<1x40x64xi32, #tpu.memory_space<vmem>> -> memref<40x64xi32, #tpu.memory_space<vmem>>
      %dma_wait3A_245 = arith.constant 0 : i32
      %dma_wait3A_246 = tpu.memref_slice %arg3[%add3A_227, %dma_wait3A_245] : memref<320000x64xi32, #tpu.memory_space<hbm>> -> memref<40x64xi32, #tpu.memory_space<hbm>>
      %dma_wait3A_247 = arith.constant 0 : i32
      %dma_wait3A_248 = arith.constant 0 : i32
      %dma_wait3A_249 = tpu.memref_slice %arg10[%dma_wait3A_240, %dma_wait3A_247, %dma_wait3A_248] : memref<2x40x64xi32, #tpu.memory_space<vmem>> -> memref<1x40x64xi32, #tpu.memory_space<vmem>>
      %dma_wait3A_250 = tpu.memref_squeeze %dma_wait3A_249 : memref<1x40x64xi32, #tpu.memory_space<vmem>> -> memref<40x64xi32, #tpu.memory_space<vmem>>
      %dma_wait3A_251 = arith.constant 0 : i32
      %dma_wait3A_252 = tpu.memref_slice %arg3[%add3A_227, %dma_wait3A_251] : memref<320000x64xi32, #tpu.memory_space<hbm>> -> memref<40x64xi32, #tpu.memory_space<hbm>>
      tpu.wait_dma2 semaphore(%arg16 : memref<!tpu.dma_semaphore, #tpu.memory_space<semaphore_mem>>) src(%dma_wait3A_252 : memref<40x64xi32, #tpu.memory_space<hbm>>) dst(%dma_wait3A_250 : memref<40x64xi32, #tpu.memory_space<vmem>>)
      %add3A_253 = arith.constant 2 : i32
      %add3A_254 = arith.addi %add3A_212, %add3A_253 : i32
      %lt3A_255 = arith.constant 250 : i32
      %lt3A_256 = arith.cmpi slt, %add3A_254, %lt3A_255 : i32
      %convert_element_type3A_257 = arith.extui %lt3A_256 : i1 to i32
      %cond3A_258 = arith.constant 0 : i32
      %cond3A_259 = arith.cmpi ne, %convert_element_type3A_257, %cond3A_258 : i32
      scf.if %cond3A_259 {
        %add3A_290 = arith.constant 2 : i32
        %add3A_291 = arith.addi %add3A_212, %add3A_290 : i32
        %mul3A_292 = arith.constant 40 : i32
        %mul3A_293 = arith.muli %add3A_291, %mul3A_292 : i32
        %add3A_294 = arith.addi %add3A_15, %mul3A_293 : i32
        %dma_start3A_295 = arith.constant 1 : i32
        %dma_start3A_296 = arith.constant 0 : i32
        %dma_start3A_297 = tpu.memref_slice %arg7[%dma_start3A_295, %dma_start3A_296] : memref<2x40xi32, #tpu.memory_space<vmem>> -> memref<1x40xi32, #tpu.memory_space<vmem>>
        %dma_start3A_298 = tpu.memref_squeeze %dma_start3A_297 : memref<1x40xi32, #tpu.memory_space<vmem>> -> memref<40xi32, #tpu.memory_space<vmem>>
        %dma_start3A_299 = tpu.memref_slice %arg4[%add3A_294] : memref<320000xi32, #tpu.memory_space<hbm>> -> memref<40xi32, #tpu.memory_space<hbm>>
        %dma_start3A_300 = arith.constant 0 : i32
        %dma_start3A_301 = tpu.memref_slice %arg7[%dma_start3A_295, %dma_start3A_300] : memref<2x40xi32, #tpu.memory_space<vmem>> -> memref<1x40xi32, #tpu.memory_space<vmem>>
        %dma_start3A_302 = tpu.memref_squeeze %dma_start3A_301 : memref<1x40xi32, #tpu.memory_space<vmem>> -> memref<40xi32, #tpu.memory_space<vmem>>
        %dma_start3A_303 = tpu.memref_slice %arg4[%add3A_294] : memref<320000xi32, #tpu.memory_space<hbm>> -> memref<40xi32, #tpu.memory_space<hbm>>
        tpu.enqueue_dma source(%dma_start3A_303 : memref<40xi32, #tpu.memory_space<hbm>>) target(%dma_start3A_302 : memref<40xi32, #tpu.memory_space<vmem>>) target_semaphore(%arg18 : memref<!tpu.dma_semaphore, #tpu.memory_space<semaphore_mem>>)
        %add3A_304 = arith.constant 2 : i32
        %add3A_305 = arith.addi %add3A_212, %add3A_304 : i32
        %mul3A_306 = arith.constant 40 : i32
        %mul3A_307 = arith.muli %add3A_305, %mul3A_306 : i32
        %add3A_308 = arith.addi %add3A_15, %mul3A_307 : i32
        %dma_start3A_309 = arith.constant 1 : i32
        %dma_start3A_310 = arith.constant 0 : i32
        %dma_start3A_311 = tpu.memref_slice %arg8[%dma_start3A_309, %dma_start3A_310] : memref<2x40xi32, #tpu.memory_space<vmem>> -> memref<1x40xi32, #tpu.memory_space<vmem>>
        %dma_start3A_312 = tpu.memref_squeeze %dma_start3A_311 : memref<1x40xi32, #tpu.memory_space<vmem>> -> memref<40xi32, #tpu.memory_space<vmem>>
        %dma_start3A_313 = tpu.memref_slice %arg5[%add3A_308] : memref<320000xi32, #tpu.memory_space<hbm>> -> memref<40xi32, #tpu.memory_space<hbm>>
        %dma_start3A_314 = arith.constant 0 : i32
        %dma_start3A_315 = tpu.memref_slice %arg8[%dma_start3A_309, %dma_start3A_314] : memref<2x40xi32, #tpu.memory_space<vmem>> -> memref<1x40xi32, #tpu.memory_space<vmem>>
        %dma_start3A_316 = tpu.memref_squeeze %dma_start3A_315 : memref<1x40xi32, #tpu.memory_space<vmem>> -> memref<40xi32, #tpu.memory_space<vmem>>
        %dma_start3A_317 = tpu.memref_slice %arg5[%add3A_308] : memref<320000xi32, #tpu.memory_space<hbm>> -> memref<40xi32, #tpu.memory_space<hbm>>
        tpu.enqueue_dma source(%dma_start3A_317 : memref<40xi32, #tpu.memory_space<hbm>>) target(%dma_start3A_316 : memref<40xi32, #tpu.memory_space<vmem>>) target_semaphore(%arg20 : memref<!tpu.dma_semaphore, #tpu.memory_space<semaphore_mem>>)
      } else {
      }
      %scan3A_260 = arith.constant 0 : i32
      %scan3A_261 = arith.constant 0 : i32
      %scan3A_262 = arith.constant 10 : i32
      %scan3A_263 = arith.addi %scan3A_261, %scan3A_262 : i32
      %scan3A_264 = arith.constant 1 : i32
      scf.for %scan3A_290 = %scan3A_261 to %scan3A_263 step %scan3A_264  : i32 {
        %mul3A_291 = arith.constant 4 : i32
        %mul3A_292 = arith.muli %mul3A_291, %scan3A_290 : i32
        %add3A_293 = arith.constant 0 : i32
        %add3A_294 = arith.addi %mul3A_292, %add3A_293 : i32
        %get3A = arith.constant 1 : i32
        %get3A_295 = arith.index_cast %get3A : i32 to index
        %get3A_296 = arith.index_cast %add3A_294 : i32 to index
        %get3A_297 = arith.constant 0 : index
        %get3A_298 = tpu.vector_load %arg10[%get3A_295, %get3A_296, %get3A_297] {strides = array<i32>} : memref<2x40x64xi32, #tpu.memory_space<vmem>>, vector<1x1x16xi32>,
        %get3A_299 = vector.shape_cast %get3A_298 : vector<1x1x16xi32> to vector<16xi32>
        %shift_left3A = arith.constant 16 : i32
        %shift_left3A_300 = vector.broadcast %shift_left3A : i32 to vector<16xi32>
        %shift_left3A_301 = arith.shli %get3A_299, %shift_left3A_300 : vector<16xi32>
        %bitcast_convert_type3A = tpu.bitcast %shift_left3A_301 : vector<16xi32> -> vector<16xf32>
        %and3A = arith.constant -65536 : i32
        %and3A_302 = vector.broadcast %and3A : i32 to vector<16xi32>
        %and3A_303 = arith.andi %get3A_299, %and3A_302 : vector<16xi32>
        %bitcast_convert_type3A_304 = tpu.bitcast %and3A_303 : vector<16xi32> -> vector<16xf32>
        %get3A_305 = arith.constant 1 : i32
        %get3A_306 = arith.index_cast %get3A_305 : i32 to index
        %get3A_307 = arith.index_cast %add3A_294 : i32 to index
        %get3A_308 = arith.constant 0 : index
        %get3A_309 = tpu.vector_load %arg9[%get3A_306, %get3A_307, %get3A_308] {strides = array<i32>} : memref<2x40x128xf32, #tpu.memory_space<vmem>>, vector<1x1x16xf32>,
        %get3A_310 = vector.shape_cast %get3A_309 : vector<1x1x16xf32> to vector<16xf32>
        %add3A_311 = arith.addf %get3A_310, %bitcast_convert_type3A : vector<16xf32>
        %max3A = arith.constant 0.000000e+00 : f32
        %max3A_312 = vector.broadcast %max3A : f32 to vector<16xf32>
        %max3A_313 = arith.maximumf %add3A_311, %max3A_312 : vector<16xf32>
        %swap3A = arith.constant 1 : i32
        %swap3A_314 = arith.index_cast %swap3A : i32 to index
        %swap3A_315 = arith.index_cast %add3A_294 : i32 to index
        %swap3A_316 = arith.constant 0 : index
        %swap3A_317 = tpu.vector_load %arg11[%swap3A_314, %swap3A_315, %swap3A_316] {strides = array<i32>} : memref<2x40x128xf32, #tpu.memory_space<vmem>>, vector<1x1x16xf32>,
        %swap3A_318 = vector.shape_cast %swap3A_317 : vector<1x1x16xf32> to vector<16xf32>
        %swap3A_319 = vector.shape_cast %max3A_313 : vector<16xf32> to vector<1x1x16xf32>
        tpu.vector_store %arg11[%swap3A_314, %swap3A_315, %swap3A_316], %swap3A_319 {strides = array<i32>} : memref<2x40x128xf32, #tpu.memory_space<vmem>>, vector<1x1x16xf32>,
        %get3A_320 = arith.constant 1 : i32
        %get3A_321 = arith.index_cast %get3A_320 : i32 to index
        %get3A_322 = arith.index_cast %add3A_294 : i32 to index
        %get3A_323 = arith.constant 64 : index
        %get3A_324 = tpu.vector_load %arg9[%get3A_321, %get3A_322, %get3A_323] {strides = array<i32>} : memref<2x40x128xf32, #tpu.memory_space<vmem>>, vector<1x1x16xf32>,
        %get3A_325 = vector.shape_cast %get3A_324 : vector<1x1x16xf32> to vector<16xf32>
        %add3A_326 = arith.addf %get3A_325, %bitcast_convert_type3A_304 : vector<16xf32>
        %max3A_327 = arith.constant 0.000000e+00 : f32
        %max3A_328 = vector.broadcast %max3A_327 : f32 to vector<16xf32>
        %max3A_329 = arith.maximumf %add3A_326, %max3A_328 : vector<16xf32>
        %swap3A_330 = arith.constant 1 : i32
        %swap3A_331 = arith.index_cast %swap3A_330 : i32 to index
        %swap3A_332 = arith.index_cast %add3A_294 : i32 to index
        %swap3A_333 = arith.constant 64 : index
        %swap3A_334 = tpu.vector_load %arg11[%swap3A_331, %swap3A_332, %swap3A_333] {strides = array<i32>} : memref<2x40x128xf32, #tpu.memory_space<vmem>>, vector<1x1x16xf32>,
        %swap3A_335 = vector.shape_cast %swap3A_334 : vector<1x1x16xf32> to vector<16xf32>
        %swap3A_336 = vector.shape_cast %max3A_329 : vector<16xf32> to vector<1x1x16xf32>
        tpu.vector_store %arg11[%swap3A_331, %swap3A_332, %swap3A_333], %swap3A_336 {strides = array<i32>} : memref<2x40x128xf32, #tpu.memory_space<vmem>>, vector<1x1x16xf32>,
        %get3A_337 = arith.constant 1 : i32
        %get3A_338 = arith.index_cast %get3A_337 : i32 to index
        %get3A_339 = arith.index_cast %add3A_294 : i32 to index
        %get3A_340 = arith.constant 16 : index
        %get3A_341 = tpu.vector_load %arg10[%get3A_338, %get3A_339, %get3A_340] {strides = array<i32>} : memref<2x40x64xi32, #tpu.memory_space<vmem>>, vector<1x1x16xi32>,
        %get3A_342 = vector.shape_cast %get3A_341 : vector<1x1x16xi32> to vector<16xi32>
        %shift_left3A_343 = arith.constant 16 : i32
        %shift_left3A_344 = vector.broadcast %shift_left3A_343 : i32 to vector<16xi32>
        %shift_left3A_345 = arith.shli %get3A_342, %shift_left3A_344 : vector<16xi32>
        %bitcast_convert_type3A_346 = tpu.bitcast %shift_left3A_345 : vector<16xi32> -> vector<16xf32>
        %and3A_347 = arith.constant -65536 : i32
        %and3A_348 = vector.broadcast %and3A_347 : i32 to vector<16xi32>
        %and3A_349 = arith.andi %get3A_342, %and3A_348 : vector<16xi32>
        %bitcast_convert_type3A_350 = tpu.bitcast %and3A_349 : vector<16xi32> -> vector<16xf32>
        %get3A_351 = arith.constant 1 : i32
        %get3A_352 = arith.index_cast %get3A_351 : i32 to index
        %get3A_353 = arith.index_cast %add3A_294 : i32 to index
        %get3A_354 = arith.constant 16 : index
        %get3A_355 = tpu.vector_load %arg9[%get3A_352, %get3A_353, %get3A_354] {strides = array<i32>} : memref<2x40x128xf32, #tpu.memory_space<vmem>>, vector<1x1x16xf32>,
        %get3A_356 = vector.shape_cast %get3A_355 : vector<1x1x16xf32> to vector<16xf32>
        %add3A_357 = arith.addf %get3A_356, %bitcast_convert_type3A_346 : vector<16xf32>
        %max3A_358 = arith.constant 0.000000e+00 : f32
        %max3A_359 = vector.broadcast %max3A_358 : f32 to vector<16xf32>
        %max3A_360 = arith.maximumf %add3A_357, %max3A_359 : vector<16xf32>
        %swap3A_361 = arith.constant 1 : i32
        %swap3A_362 = arith.index_cast %swap3A_361 : i32 to index
        %swap3A_363 = arith.index_cast %add3A_294 : i32 to index
        %swap3A_364 = arith.constant 16 : index
        %swap3A_365 = tpu.vector_load %arg11[%swap3A_362, %swap3A_363, %swap3A_364] {strides = array<i32>} : memref<2x40x128xf32, #tpu.memory_space<vmem>>, vector<1x1x16xf32>,
        %swap3A_366 = vector.shape_cast %swap3A_365 : vector<1x1x16xf32> to vector<16xf32>
        %swap3A_367 = vector.shape_cast %max3A_360 : vector<16xf32> to vector<1x1x16xf32>
        tpu.vector_store %arg11[%swap3A_362, %swap3A_363, %swap3A_364], %swap3A_367 {strides = array<i32>} : memref<2x40x128xf32, #tpu.memory_space<vmem>>, vector<1x1x16xf32>,
        %get3A_368 = arith.constant 1 : i32
        %get3A_369 = arith.index_cast %get3A_368 : i32 to index
        %get3A_370 = arith.index_cast %add3A_294 : i32 to index
        %get3A_371 = arith.constant 80 : index
        %get3A_372 = tpu.vector_load %arg9[%get3A_369, %get3A_370, %get3A_371] {strides = array<i32>} : memref<2x40x128xf32, #tpu.memory_space<vmem>>, vector<1x1x16xf32>,
        %get3A_373 = vector.shape_cast %get3A_372 : vector<1x1x16xf32> to vector<16xf32>
        %add3A_374 = arith.addf %get3A_373, %bitcast_convert_type3A_350 : vector<16xf32>
        %max3A_375 = arith.constant 0.000000e+00 : f32
        %max3A_376 = vector.broadcast %max3A_375 : f32 to vector<16xf32>
        %max3A_377 = arith.maximumf %add3A_374, %max3A_376 : vector<16xf32>
        %swap3A_378 = arith.constant 1 : i32
        %swap3A_379 = arith.index_cast %swap3A_378 : i32 to index
        %swap3A_380 = arith.index_cast %add3A_294 : i32 to index
        %swap3A_381 = arith.constant 80 : index
        %swap3A_382 = tpu.vector_load %arg11[%swap3A_379, %swap3A_380, %swap3A_381] {strides = array<i32>} : memref<2x40x128xf32, #tpu.memory_space<vmem>>, vector<1x1x16xf32>,
        %swap3A_383 = vector.shape_cast %swap3A_382 : vector<1x1x16xf32> to vector<16xf32>
        %swap3A_384 = vector.shape_cast %max3A_377 : vector<16xf32> to vector<1x1x16xf32>
        tpu.vector_store %arg11[%swap3A_379, %swap3A_380, %swap3A_381], %swap3A_384 {strides = array<i32>} : memref<2x40x128xf32, #tpu.memory_space<vmem>>, vector<1x1x16xf32>,
        %get3A_385 = arith.constant 1 : i32
        %get3A_386 = arith.index_cast %get3A_385 : i32 to index
        %get3A_387 = arith.index_cast %add3A_294 : i32 to index
        %get3A_388 = arith.constant 32 : index
        %get3A_389 = tpu.vector_load %arg10[%get3A_386, %get3A_387, %get3A_388] {strides = array<i32>} : memref<2x40x64xi32, #tpu.memory_space<vmem>>, vector<1x1x16xi32>,
        %get3A_390 = vector.shape_cast %get3A_389 : vector<1x1x16xi32> to vector<16xi32>
        %shift_left3A_391 = arith.constant 16 : i32
        %shift_left3A_392 = vector.broadcast %shift_left3A_391 : i32 to vector<16xi32>
        %shift_left3A_393 = arith.shli %get3A_390, %shift_left3A_392 : vector<16xi32>
        %bitcast_convert_type3A_394 = tpu.bitcast %shift_left3A_393 : vector<16xi32> -> vector<16xf32>
        %and3A_395 = arith.constant -65536 : i32
        %and3A_396 = vector.broadcast %and3A_395 : i32 to vector<16xi32>
        %and3A_397 = arith.andi %get3A_390, %and3A_396 : vector<16xi32>
        %bitcast_convert_type3A_398 = tpu.bitcast %and3A_397 : vector<16xi32> -> vector<16xf32>
        %get3A_399 = arith.constant 1 : i32
        %get3A_400 = arith.index_cast %get3A_399 : i32 to index
        %get3A_401 = arith.index_cast %add3A_294 : i32 to index
        %get3A_402 = arith.constant 32 : index
        %get3A_403 = tpu.vector_load %arg9[%get3A_400, %get3A_401, %get3A_402] {strides = array<i32>} : memref<2x40x128xf32, #tpu.memory_space<vmem>>, vector<1x1x16xf32>,
        %get3A_404 = vector.shape_cast %get3A_403 : vector<1x1x16xf32> to vector<16xf32>
        %add3A_405 = arith.addf %get3A_404, %bitcast_convert_type3A_394 : vector<16xf32>
        %max3A_406 = arith.constant 0.000000e+00 : f32
        %max3A_407 = vector.broadcast %max3A_406 : f32 to vector<16xf32>
        %max3A_408 = arith.maximumf %add3A_405, %max3A_407 : vector<16xf32>
        %swap3A_409 = arith.constant 1 : i32
        %swap3A_410 = arith.index_cast %swap3A_409 : i32 to index
        %swap3A_411 = arith.index_cast %add3A_294 : i32 to index
        %swap3A_412 = arith.constant 32 : index
        %swap3A_413 = tpu.vector_load %arg11[%swap3A_410, %swap3A_411, %swap3A_412] {strides = array<i32>} : memref<2x40x128xf32, #tpu.memory_space<vmem>>, vector<1x1x16xf32>,
        %swap3A_414 = vector.shape_cast %swap3A_413 : vector<1x1x16xf32> to vector<16xf32>
        %swap3A_415 = vector.shape_cast %max3A_408 : vector<16xf32> to vector<1x1x16xf32>
        tpu.vector_store %arg11[%swap3A_410, %swap3A_411, %swap3A_412], %swap3A_415 {strides = array<i32>} : memref<2x40x128xf32, #tpu.memory_space<vmem>>, vector<1x1x16xf32>,
        %get3A_416 = arith.constant 1 : i32
        %get3A_417 = arith.index_cast %get3A_416 : i32 to index
        %get3A_418 = arith.index_cast %add3A_294 : i32 to index
        %get3A_419 = arith.constant 96 : index
        %get3A_420 = tpu.vector_load %arg9[%get3A_417, %get3A_418, %get3A_419] {strides = array<i32>} : memref<2x40x128xf32, #tpu.memory_space<vmem>>, vector<1x1x16xf32>,
        %get3A_421 = vector.shape_cast %get3A_420 : vector<1x1x16xf32> to vector<16xf32>
        %add3A_422 = arith.addf %get3A_421, %bitcast_convert_type3A_398 : vector<16xf32>
        %max3A_423 = arith.constant 0.000000e+00 : f32
        %max3A_424 = vector.broadcast %max3A_423 : f32 to vector<16xf32>
        %max3A_425 = arith.maximumf %add3A_422, %max3A_424 : vector<16xf32>
        %swap3A_426 = arith.constant 1 : i32
        %swap3A_427 = arith.index_cast %swap3A_426 : i32 to index
        %swap3A_428 = arith.index_cast %add3A_294 : i32 to index
        %swap3A_429 = arith.constant 96 : index
        %swap3A_430 = tpu.vector_load %arg11[%swap3A_427, %swap3A_428, %swap3A_429] {strides = array<i32>} : memref<2x40x128xf32, #tpu.memory_space<vmem>>, vector<1x1x16xf32>,
        %swap3A_431 = vector.shape_cast %swap3A_430 : vector<1x1x16xf32> to vector<16xf32>
        %swap3A_432 = vector.shape_cast %max3A_425 : vector<16xf32> to vector<1x1x16xf32>
        tpu.vector_store %arg11[%swap3A_427, %swap3A_428, %swap3A_429], %swap3A_432 {strides = array<i32>} : memref<2x40x128xf32, #tpu.memory_space<vmem>>, vector<1x1x16xf32>,
        %get3A_433 = arith.constant 1 : i32
        %get3A_434 = arith.index_cast %get3A_433 : i32 to index
        %get3A_435 = arith.index_cast %add3A_294 : i32 to index
        %get3A_436 = arith.constant 48 : index
        %get3A_437 = tpu.vector_load %arg10[%get3A_434, %get3A_435, %get3A_436] {strides = array<i32>} : memref<2x40x64xi32, #tpu.memory_space<vmem>>, vector<1x1x16xi32>,
        %get3A_438 = vector.shape_cast %get3A_437 : vector<1x1x16xi32> to vector<16xi32>
        %shift_left3A_439 = arith.constant 16 : i32
        %shift_left3A_440 = vector.broadcast %shift_left3A_439 : i32 to vector<16xi32>
        %shift_left3A_441 = arith.shli %get3A_438, %shift_left3A_440 : vector<16xi32>
        %bitcast_convert_type3A_442 = tpu.bitcast %shift_left3A_441 : vector<16xi32> -> vector<16xf32>
        %and3A_443 = arith.constant -65536 : i32
        %and3A_444 = vector.broadcast %and3A_443 : i32 to vector<16xi32>
        %and3A_445 = arith.andi %get3A_438, %and3A_444 : vector<16xi32>
        %bitcast_convert_type3A_446 = tpu.bitcast %and3A_445 : vector<16xi32> -> vector<16xf32>
        %get3A_447 = arith.constant 1 : i32
        %get3A_448 = arith.index_cast %get3A_447 : i32 to index
        %get3A_449 = arith.index_cast %add3A_294 : i32 to index
        %get3A_450 = arith.constant 48 : index
        %get3A_451 = tpu.vector_load %arg9[%get3A_448, %get3A_449, %get3A_450] {strides = array<i32>} : memref<2x40x128xf32, #tpu.memory_space<vmem>>, vector<1x1x16xf32>,
        %get3A_452 = vector.shape_cast %get3A_451 : vector<1x1x16xf32> to vector<16xf32>
        %add3A_453 = arith.addf %get3A_452, %bitcast_convert_type3A_442 : vector<16xf32>
        %max3A_454 = arith.constant 0.000000e+00 : f32
        %max3A_455 = vector.broadcast %max3A_454 : f32 to vector<16xf32>
        %max3A_456 = arith.maximumf %add3A_453, %max3A_455 : vector<16xf32>
        %swap3A_457 = arith.constant 1 : i32
        %swap3A_458 = arith.index_cast %swap3A_457 : i32 to index
        %swap3A_459 = arith.index_cast %add3A_294 : i32 to index
        %swap3A_460 = arith.constant 48 : index
        %swap3A_461 = tpu.vector_load %arg11[%swap3A_458, %swap3A_459, %swap3A_460] {strides = array<i32>} : memref<2x40x128xf32, #tpu.memory_space<vmem>>, vector<1x1x16xf32>,
        %swap3A_462 = vector.shape_cast %swap3A_461 : vector<1x1x16xf32> to vector<16xf32>
        %swap3A_463 = vector.shape_cast %max3A_456 : vector<16xf32> to vector<1x1x16xf32>
        tpu.vector_store %arg11[%swap3A_458, %swap3A_459, %swap3A_460], %swap3A_463 {strides = array<i32>} : memref<2x40x128xf32, #tpu.memory_space<vmem>>, vector<1x1x16xf32>,
        %get3A_464 = arith.constant 1 : i32
        %get3A_465 = arith.index_cast %get3A_464 : i32 to index
        %get3A_466 = arith.index_cast %add3A_294 : i32 to index
        %get3A_467 = arith.constant 112 : index
        %get3A_468 = tpu.vector_load %arg9[%get3A_465, %get3A_466, %get3A_467] {strides = array<i32>} : memref<2x40x128xf32, #tpu.memory_space<vmem>>, vector<1x1x16xf32>,
        %get3A_469 = vector.shape_cast %get3A_468 : vector<1x1x16xf32> to vector<16xf32>
        %add3A_470 = arith.addf %get3A_469, %bitcast_convert_type3A_446 : vector<16xf32>
        %max3A_471 = arith.constant 0.000000e+00 : f32
        %max3A_472 = vector.broadcast %max3A_471 : f32 to vector<16xf32>
        %max3A_473 = arith.maximumf %add3A_470, %max3A_472 : vector<16xf32>
        %swap3A_474 = arith.constant 1 : i32
        %swap3A_475 = arith.index_cast %swap3A_474 : i32 to index
        %swap3A_476 = arith.index_cast %add3A_294 : i32 to index
        %swap3A_477 = arith.constant 112 : index
        %swap3A_478 = tpu.vector_load %arg11[%swap3A_475, %swap3A_476, %swap3A_477] {strides = array<i32>} : memref<2x40x128xf32, #tpu.memory_space<vmem>>, vector<1x1x16xf32>,
        %swap3A_479 = vector.shape_cast %swap3A_478 : vector<1x1x16xf32> to vector<16xf32>
        %swap3A_480 = vector.shape_cast %max3A_473 : vector<16xf32> to vector<1x1x16xf32>
        tpu.vector_store %arg11[%swap3A_475, %swap3A_476, %swap3A_477], %swap3A_480 {strides = array<i32>} : memref<2x40x128xf32, #tpu.memory_space<vmem>>, vector<1x1x16xf32>,
        %mul3A_481 = arith.constant 4 : i32
        %mul3A_482 = arith.muli %mul3A_481, %scan3A_290 : i32
        %add3A_483 = arith.constant 1 : i32
        %add3A_484 = arith.addi %mul3A_482, %add3A_483 : i32
        %get3A_485 = arith.constant 1 : i32
        %get3A_486 = arith.index_cast %get3A_485 : i32 to index
        %get3A_487 = arith.index_cast %add3A_484 : i32 to index
        %get3A_488 = arith.constant 0 : index
        %get3A_489 = tpu.vector_load %arg10[%get3A_486, %get3A_487, %get3A_488] {strides = array<i32>} : memref<2x40x64xi32, #tpu.memory_space<vmem>>, vector<1x1x16xi32>,
        %get3A_490 = vector.shape_cast %get3A_489 : vector<1x1x16xi32> to vector<16xi32>
        %shift_left3A_491 = arith.constant 16 : i32
        %shift_left3A_492 = vector.broadcast %shift_left3A_491 : i32 to vector<16xi32>
        %shift_left3A_493 = arith.shli %get3A_490, %shift_left3A_492 : vector<16xi32>
        %bitcast_convert_type3A_494 = tpu.bitcast %shift_left3A_493 : vector<16xi32> -> vector<16xf32>
        %and3A_495 = arith.constant -65536 : i32
        %and3A_496 = vector.broadcast %and3A_495 : i32 to vector<16xi32>
        %and3A_497 = arith.andi %get3A_490, %and3A_496 : vector<16xi32>
        %bitcast_convert_type3A_498 = tpu.bitcast %and3A_497 : vector<16xi32> -> vector<16xf32>
        %get3A_499 = arith.constant 1 : i32
        %get3A_500 = arith.index_cast %get3A_499 : i32 to index
        %get3A_501 = arith.index_cast %add3A_484 : i32 to index
        %get3A_502 = arith.constant 0 : index
        %get3A_503 = tpu.vector_load %arg9[%get3A_500, %get3A_501, %get3A_502] {strides = array<i32>} : memref<2x40x128xf32, #tpu.memory_space<vmem>>, vector<1x1x16xf32>,
        %get3A_504 = vector.shape_cast %get3A_503 : vector<1x1x16xf32> to vector<16xf32>
        %add3A_505 = arith.addf %get3A_504, %bitcast_convert_type3A_494 : vector<16xf32>
        %max3A_506 = arith.constant 0.000000e+00 : f32
        %max3A_507 = vector.broadcast %max3A_506 : f32 to vector<16xf32>
        %max3A_508 = arith.maximumf %add3A_505, %max3A_507 : vector<16xf32>
        %swap3A_509 = arith.constant 1 : i32
        %swap3A_510 = arith.index_cast %swap3A_509 : i32 to index
        %swap3A_511 = arith.index_cast %add3A_484 : i32 to index
        %swap3A_512 = arith.constant 0 : index
        %swap3A_513 = tpu.vector_load %arg11[%swap3A_510, %swap3A_511, %swap3A_512] {strides = array<i32>} : memref<2x40x128xf32, #tpu.memory_space<vmem>>, vector<1x1x16xf32>,
        %swap3A_514 = vector.shape_cast %swap3A_513 : vector<1x1x16xf32> to vector<16xf32>
        %swap3A_515 = vector.shape_cast %max3A_508 : vector<16xf32> to vector<1x1x16xf32>
        tpu.vector_store %arg11[%swap3A_510, %swap3A_511, %swap3A_512], %swap3A_515 {strides = array<i32>} : memref<2x40x128xf32, #tpu.memory_space<vmem>>, vector<1x1x16xf32>,
        %get3A_516 = arith.constant 1 : i32
        %get3A_517 = arith.index_cast %get3A_516 : i32 to index
        %get3A_518 = arith.index_cast %add3A_484 : i32 to index
        %get3A_519 = arith.constant 64 : index
        %get3A_520 = tpu.vector_load %arg9[%get3A_517, %get3A_518, %get3A_519] {strides = array<i32>} : memref<2x40x128xf32, #tpu.memory_space<vmem>>, vector<1x1x16xf32>,
        %get3A_521 = vector.shape_cast %get3A_520 : vector<1x1x16xf32> to vector<16xf32>
        %add3A_522 = arith.addf %get3A_521, %bitcast_convert_type3A_498 : vector<16xf32>
        %max3A_523 = arith.constant 0.000000e+00 : f32
        %max3A_524 = vector.broadcast %max3A_523 : f32 to vector<16xf32>
        %max3A_525 = arith.maximumf %add3A_522, %max3A_524 : vector<16xf32>
        %swap3A_526 = arith.constant 1 : i32
        %swap3A_527 = arith.index_cast %swap3A_526 : i32 to index
        %swap3A_528 = arith.index_cast %add3A_484 : i32 to index
        %swap3A_529 = arith.constant 64 : index
        %swap3A_530 = tpu.vector_load %arg11[%swap3A_527, %swap3A_528, %swap3A_529] {strides = array<i32>} : memref<2x40x128xf32, #tpu.memory_space<vmem>>, vector<1x1x16xf32>,
        %swap3A_531 = vector.shape_cast %swap3A_530 : vector<1x1x16xf32> to vector<16xf32>
        %swap3A_532 = vector.shape_cast %max3A_525 : vector<16xf32> to vector<1x1x16xf32>
        tpu.vector_store %arg11[%swap3A_527, %swap3A_528, %swap3A_529], %swap3A_532 {strides = array<i32>} : memref<2x40x128xf32, #tpu.memory_space<vmem>>, vector<1x1x16xf32>,
        %get3A_533 = arith.constant 1 : i32
        %get3A_534 = arith.index_cast %get3A_533 : i32 to index
        %get3A_535 = arith.index_cast %add3A_484 : i32 to index
        %get3A_536 = arith.constant 16 : index
        %get3A_537 = tpu.vector_load %arg10[%get3A_534, %get3A_535, %get3A_536] {strides = array<i32>} : memref<2x40x64xi32, #tpu.memory_space<vmem>>, vector<1x1x16xi32>,
        %get3A_538 = vector.shape_cast %get3A_537 : vector<1x1x16xi32> to vector<16xi32>
        %shift_left3A_539 = arith.constant 16 : i32
        %shift_left3A_540 = vector.broadcast %shift_left3A_539 : i32 to vector<16xi32>
        %shift_left3A_541 = arith.shli %get3A_538, %shift_left3A_540 : vector<16xi32>
        %bitcast_convert_type3A_542 = tpu.bitcast %shift_left3A_541 : vector<16xi32> -> vector<16xf32>
        %and3A_543 = arith.constant -65536 : i32
        %and3A_544 = vector.broadcast %and3A_543 : i32 to vector<16xi32>
        %and3A_545 = arith.andi %get3A_538, %and3A_544 : vector<16xi32>
        %bitcast_convert_type3A_546 = tpu.bitcast %and3A_545 : vector<16xi32> -> vector<16xf32>
        %get3A_547 = arith.constant 1 : i32
        %get3A_548 = arith.index_cast %get3A_547 : i32 to index
        %get3A_549 = arith.index_cast %add3A_484 : i32 to index
        %get3A_550 = arith.constant 16 : index
        %get3A_551 = tpu.vector_load %arg9[%get3A_548, %get3A_549, %get3A_550] {strides = array<i32>} : memref<2x40x128xf32, #tpu.memory_space<vmem>>, vector<1x1x16xf32>,
        %get3A_552 = vector.shape_cast %get3A_551 : vector<1x1x16xf32> to vector<16xf32>
        %add3A_553 = arith.addf %get3A_552, %bitcast_convert_type3A_542 : vector<16xf32>
        %max3A_554 = arith.constant 0.000000e+00 : f32
        %max3A_555 = vector.broadcast %max3A_554 : f32 to vector<16xf32>
        %max3A_556 = arith.maximumf %add3A_553, %max3A_555 : vector<16xf32>
        %swap3A_557 = arith.constant 1 : i32
        %swap3A_558 = arith.index_cast %swap3A_557 : i32 to index
        %swap3A_559 = arith.index_cast %add3A_484 : i32 to index
        %swap3A_560 = arith.constant 16 : index
        %swap3A_561 = tpu.vector_load %arg11[%swap3A_558, %swap3A_559, %swap3A_560] {strides = array<i32>} : memref<2x40x128xf32, #tpu.memory_space<vmem>>, vector<1x1x16xf32>,
        %swap3A_562 = vector.shape_cast %swap3A_561 : vector<1x1x16xf32> to vector<16xf32>
        %swap3A_563 = vector.shape_cast %max3A_556 : vector<16xf32> to vector<1x1x16xf32>
        tpu.vector_store %arg11[%swap3A_558, %swap3A_559, %swap3A_560], %swap3A_563 {strides = array<i32>} : memref<2x40x128xf32, #tpu.memory_space<vmem>>, vector<1x1x16xf32>,
        %get3A_564 = arith.constant 1 : i32
        %get3A_565 = arith.index_cast %get3A_564 : i32 to index
        %get3A_566 = arith.index_cast %add3A_484 : i32 to index
        %get3A_567 = arith.constant 80 : index
        %get3A_568 = tpu.vector_load %arg9[%get3A_565, %get3A_566, %get3A_567] {strides = array<i32>} : memref<2x40x128xf32, #tpu.memory_space<vmem>>, vector<1x1x16xf32>,
        %get3A_569 = vector.shape_cast %get3A_568 : vector<1x1x16xf32> to vector<16xf32>
        %add3A_570 = arith.addf %get3A_569, %bitcast_convert_type3A_546 : vector<16xf32>
        %max3A_571 = arith.constant 0.000000e+00 : f32
        %max3A_572 = vector.broadcast %max3A_571 : f32 to vector<16xf32>
        %max3A_573 = arith.maximumf %add3A_570, %max3A_572 : vector<16xf32>
        %swap3A_574 = arith.constant 1 : i32
        %swap3A_575 = arith.index_cast %swap3A_574 : i32 to index
        %swap3A_576 = arith.index_cast %add3A_484 : i32 to index
        %swap3A_577 = arith.constant 80 : index
        %swap3A_578 = tpu.vector_load %arg11[%swap3A_575, %swap3A_576, %swap3A_577] {strides = array<i32>} : memref<2x40x128xf32, #tpu.memory_space<vmem>>, vector<1x1x16xf32>,
        %swap3A_579 = vector.shape_cast %swap3A_578 : vector<1x1x16xf32> to vector<16xf32>
        %swap3A_580 = vector.shape_cast %max3A_573 : vector<16xf32> to vector<1x1x16xf32>
        tpu.vector_store %arg11[%swap3A_575, %swap3A_576, %swap3A_577], %swap3A_580 {strides = array<i32>} : memref<2x40x128xf32, #tpu.memory_space<vmem>>, vector<1x1x16xf32>,
        %get3A_581 = arith.constant 1 : i32
        %get3A_582 = arith.index_cast %get3A_581 : i32 to index
        %get3A_583 = arith.index_cast %add3A_484 : i32 to index
        %get3A_584 = arith.constant 32 : index
        %get3A_585 = tpu.vector_load %arg10[%get3A_582, %get3A_583, %get3A_584] {strides = array<i32>} : memref<2x40x64xi32, #tpu.memory_space<vmem>>, vector<1x1x16xi32>,
        %get3A_586 = vector.shape_cast %get3A_585 : vector<1x1x16xi32> to vector<16xi32>
        %shift_left3A_587 = arith.constant 16 : i32
        %shift_left3A_588 = vector.broadcast %shift_left3A_587 : i32 to vector<16xi32>
        %shift_left3A_589 = arith.shli %get3A_586, %shift_left3A_588 : vector<16xi32>
        %bitcast_convert_type3A_590 = tpu.bitcast %shift_left3A_589 : vector<16xi32> -> vector<16xf32>
        %and3A_591 = arith.constant -65536 : i32
        %and3A_592 = vector.broadcast %and3A_591 : i32 to vector<16xi32>
        %and3A_593 = arith.andi %get3A_586, %and3A_592 : vector<16xi32>
        %bitcast_convert_type3A_594 = tpu.bitcast %and3A_593 : vector<16xi32> -> vector<16xf32>
        %get3A_595 = arith.constant 1 : i32
        %get3A_596 = arith.index_cast %get3A_595 : i32 to index
        %get3A_597 = arith.index_cast %add3A_484 : i32 to index
        %get3A_598 = arith.constant 32 : index
        %get3A_599 = tpu.vector_load %arg9[%get3A_596, %get3A_597, %get3A_598] {strides = array<i32>} : memref<2x40x128xf32, #tpu.memory_space<vmem>>, vector<1x1x16xf32>,
        %get3A_600 = vector.shape_cast %get3A_599 : vector<1x1x16xf32> to vector<16xf32>
        %add3A_601 = arith.addf %get3A_600, %bitcast_convert_type3A_590 : vector<16xf32>
        %max3A_602 = arith.constant 0.000000e+00 : f32
        %max3A_603 = vector.broadcast %max3A_602 : f32 to vector<16xf32>
        %max3A_604 = arith.maximumf %add3A_601, %max3A_603 : vector<16xf32>
        %swap3A_605 = arith.constant 1 : i32
        %swap3A_606 = arith.index_cast %swap3A_605 : i32 to index
        %swap3A_607 = arith.index_cast %add3A_484 : i32 to index
        %swap3A_608 = arith.constant 32 : index
        %swap3A_609 = tpu.vector_load %arg11[%swap3A_606, %swap3A_607, %swap3A_608] {strides = array<i32>} : memref<2x40x128xf32, #tpu.memory_space<vmem>>, vector<1x1x16xf32>,
        %swap3A_610 = vector.shape_cast %swap3A_609 : vector<1x1x16xf32> to vector<16xf32>
        %swap3A_611 = vector.shape_cast %max3A_604 : vector<16xf32> to vector<1x1x16xf32>
        tpu.vector_store %arg11[%swap3A_606, %swap3A_607, %swap3A_608], %swap3A_611 {strides = array<i32>} : memref<2x40x128xf32, #tpu.memory_space<vmem>>, vector<1x1x16xf32>,
        %get3A_612 = arith.constant 1 : i32
        %get3A_613 = arith.index_cast %get3A_612 : i32 to index
        %get3A_614 = arith.index_cast %add3A_484 : i32 to index
        %get3A_615 = arith.constant 96 : index
        %get3A_616 = tpu.vector_load %arg9[%get3A_613, %get3A_614, %get3A_615] {strides = array<i32>} : memref<2x40x128xf32, #tpu.memory_space<vmem>>, vector<1x1x16xf32>,
        %get3A_617 = vector.shape_cast %get3A_616 : vector<1x1x16xf32> to vector<16xf32>
        %add3A_618 = arith.addf %get3A_617, %bitcast_convert_type3A_594 : vector<16xf32>
        %max3A_619 = arith.constant 0.000000e+00 : f32
        %max3A_620 = vector.broadcast %max3A_619 : f32 to vector<16xf32>
        %max3A_621 = arith.maximumf %add3A_618, %max3A_620 : vector<16xf32>
        %swap3A_622 = arith.constant 1 : i32
        %swap3A_623 = arith.index_cast %swap3A_622 : i32 to index
        %swap3A_624 = arith.index_cast %add3A_484 : i32 to index
        %swap3A_625 = arith.constant 96 : index
        %swap3A_626 = tpu.vector_load %arg11[%swap3A_623, %swap3A_624, %swap3A_625] {strides = array<i32>} : memref<2x40x128xf32, #tpu.memory_space<vmem>>, vector<1x1x16xf32>,
        %swap3A_627 = vector.shape_cast %swap3A_626 : vector<1x1x16xf32> to vector<16xf32>
        %swap3A_628 = vector.shape_cast %max3A_621 : vector<16xf32> to vector<1x1x16xf32>
        tpu.vector_store %arg11[%swap3A_623, %swap3A_624, %swap3A_625], %swap3A_628 {strides = array<i32>} : memref<2x40x128xf32, #tpu.memory_space<vmem>>, vector<1x1x16xf32>,
        %get3A_629 = arith.constant 1 : i32
        %get3A_630 = arith.index_cast %get3A_629 : i32 to index
        %get3A_631 = arith.index_cast %add3A_484 : i32 to index
        %get3A_632 = arith.constant 48 : index
        %get3A_633 = tpu.vector_load %arg10[%get3A_630, %get3A_631, %get3A_632] {strides = array<i32>} : memref<2x40x64xi32, #tpu.memory_space<vmem>>, vector<1x1x16xi32>,
        %get3A_634 = vector.shape_cast %get3A_633 : vector<1x1x16xi32> to vector<16xi32>
        %shift_left3A_635 = arith.constant 16 : i32
        %shift_left3A_636 = vector.broadcast %shift_left3A_635 : i32 to vector<16xi32>
        %shift_left3A_637 = arith.shli %get3A_634, %shift_left3A_636 : vector<16xi32>
        %bitcast_convert_type3A_638 = tpu.bitcast %shift_left3A_637 : vector<16xi32> -> vector<16xf32>
        %and3A_639 = arith.constant -65536 : i32
        %and3A_640 = vector.broadcast %and3A_639 : i32 to vector<16xi32>
        %and3A_641 = arith.andi %get3A_634, %and3A_640 : vector<16xi32>
        %bitcast_convert_type3A_642 = tpu.bitcast %and3A_641 : vector<16xi32> -> vector<16xf32>
        %get3A_643 = arith.constant 1 : i32
        %get3A_644 = arith.index_cast %get3A_643 : i32 to index
        %get3A_645 = arith.index_cast %add3A_484 : i32 to index
        %get3A_646 = arith.constant 48 : index
        %get3A_647 = tpu.vector_load %arg9[%get3A_644, %get3A_645, %get3A_646] {strides = array<i32>} : memref<2x40x128xf32, #tpu.memory_space<vmem>>, vector<1x1x16xf32>,
        %get3A_648 = vector.shape_cast %get3A_647 : vector<1x1x16xf32> to vector<16xf32>
        %add3A_649 = arith.addf %get3A_648, %bitcast_convert_type3A_638 : vector<16xf32>
        %max3A_650 = arith.constant 0.000000e+00 : f32
        %max3A_651 = vector.broadcast %max3A_650 : f32 to vector<16xf32>
        %max3A_652 = arith.maximumf %add3A_649, %max3A_651 : vector<16xf32>
        %swap3A_653 = arith.constant 1 : i32
        %swap3A_654 = arith.index_cast %swap3A_653 : i32 to index
        %swap3A_655 = arith.index_cast %add3A_484 : i32 to index
        %swap3A_656 = arith.constant 48 : index
        %swap3A_657 = tpu.vector_load %arg11[%swap3A_654, %swap3A_655, %swap3A_656] {strides = array<i32>} : memref<2x40x128xf32, #tpu.memory_space<vmem>>, vector<1x1x16xf32>,
        %swap3A_658 = vector.shape_cast %swap3A_657 : vector<1x1x16xf32> to vector<16xf32>
        %swap3A_659 = vector.shape_cast %max3A_652 : vector<16xf32> to vector<1x1x16xf32>
        tpu.vector_store %arg11[%swap3A_654, %swap3A_655, %swap3A_656], %swap3A_659 {strides = array<i32>} : memref<2x40x128xf32, #tpu.memory_space<vmem>>, vector<1x1x16xf32>,
        %get3A_660 = arith.constant 1 : i32
        %get3A_661 = arith.index_cast %get3A_660 : i32 to index
        %get3A_662 = arith.index_cast %add3A_484 : i32 to index
        %get3A_663 = arith.constant 112 : index
        %get3A_664 = tpu.vector_load %arg9[%get3A_661, %get3A_662, %get3A_663] {strides = array<i32>} : memref<2x40x128xf32, #tpu.memory_space<vmem>>, vector<1x1x16xf32>,
        %get3A_665 = vector.shape_cast %get3A_664 : vector<1x1x16xf32> to vector<16xf32>
        %add3A_666 = arith.addf %get3A_665, %bitcast_convert_type3A_642 : vector<16xf32>
        %max3A_667 = arith.constant 0.000000e+00 : f32
        %max3A_668 = vector.broadcast %max3A_667 : f32 to vector<16xf32>
        %max3A_669 = arith.maximumf %add3A_666, %max3A_668 : vector<16xf32>
        %swap3A_670 = arith.constant 1 : i32
        %swap3A_671 = arith.index_cast %swap3A_670 : i32 to index
        %swap3A_672 = arith.index_cast %add3A_484 : i32 to index
        %swap3A_673 = arith.constant 112 : index
        %swap3A_674 = tpu.vector_load %arg11[%swap3A_671, %swap3A_672, %swap3A_673] {strides = array<i32>} : memref<2x40x128xf32, #tpu.memory_space<vmem>>, vector<1x1x16xf32>,
        %swap3A_675 = vector.shape_cast %swap3A_674 : vector<1x1x16xf32> to vector<16xf32>
        %swap3A_676 = vector.shape_cast %max3A_669 : vector<16xf32> to vector<1x1x16xf32>
        tpu.vector_store %arg11[%swap3A_671, %swap3A_672, %swap3A_673], %swap3A_676 {strides = array<i32>} : memref<2x40x128xf32, #tpu.memory_space<vmem>>, vector<1x1x16xf32>,
        %mul3A_677 = arith.constant 4 : i32
        %mul3A_678 = arith.muli %mul3A_677, %scan3A_290 : i32
        %add3A_679 = arith.constant 2 : i32
        %add3A_680 = arith.addi %mul3A_678, %add3A_679 : i32
        %get3A_681 = arith.constant 1 : i32
        %get3A_682 = arith.index_cast %get3A_681 : i32 to index
        %get3A_683 = arith.index_cast %add3A_680 : i32 to index
        %get3A_684 = arith.constant 0 : index
        %get3A_685 = tpu.vector_load %arg10[%get3A_682, %get3A_683, %get3A_684] {strides = array<i32>} : memref<2x40x64xi32, #tpu.memory_space<vmem>>, vector<1x1x16xi32>,
        %get3A_686 = vector.shape_cast %get3A_685 : vector<1x1x16xi32> to vector<16xi32>
        %shift_left3A_687 = arith.constant 16 : i32
        %shift_left3A_688 = vector.broadcast %shift_left3A_687 : i32 to vector<16xi32>
        %shift_left3A_689 = arith.shli %get3A_686, %shift_left3A_688 : vector<16xi32>
        %bitcast_convert_type3A_690 = tpu.bitcast %shift_left3A_689 : vector<16xi32> -> vector<16xf32>
        %and3A_691 = arith.constant -65536 : i32
        %and3A_692 = vector.broadcast %and3A_691 : i32 to vector<16xi32>
        %and3A_693 = arith.andi %get3A_686, %and3A_692 : vector<16xi32>
        %bitcast_convert_type3A_694 = tpu.bitcast %and3A_693 : vector<16xi32> -> vector<16xf32>
        %get3A_695 = arith.constant 1 : i32
        %get3A_696 = arith.index_cast %get3A_695 : i32 to index
        %get3A_697 = arith.index_cast %add3A_680 : i32 to index
        %get3A_698 = arith.constant 0 : index
        %get3A_699 = tpu.vector_load %arg9[%get3A_696, %get3A_697, %get3A_698] {strides = array<i32>} : memref<2x40x128xf32, #tpu.memory_space<vmem>>, vector<1x1x16xf32>,
        %get3A_700 = vector.shape_cast %get3A_699 : vector<1x1x16xf32> to vector<16xf32>
        %add3A_701 = arith.addf %get3A_700, %bitcast_convert_type3A_690 : vector<16xf32>
        %max3A_702 = arith.constant 0.000000e+00 : f32
        %max3A_703 = vector.broadcast %max3A_702 : f32 to vector<16xf32>
        %max3A_704 = arith.maximumf %add3A_701, %max3A_703 : vector<16xf32>
        %swap3A_705 = arith.constant 1 : i32
        %swap3A_706 = arith.index_cast %swap3A_705 : i32 to index
        %swap3A_707 = arith.index_cast %add3A_680 : i32 to index
        %swap3A_708 = arith.constant 0 : index
        %swap3A_709 = tpu.vector_load %arg11[%swap3A_706, %swap3A_707, %swap3A_708] {strides = array<i32>} : memref<2x40x128xf32, #tpu.memory_space<vmem>>, vector<1x1x16xf32>,
        %swap3A_710 = vector.shape_cast %swap3A_709 : vector<1x1x16xf32> to vector<16xf32>
        %swap3A_711 = vector.shape_cast %max3A_704 : vector<16xf32> to vector<1x1x16xf32>
        tpu.vector_store %arg11[%swap3A_706, %swap3A_707, %swap3A_708], %swap3A_711 {strides = array<i32>} : memref<2x40x128xf32, #tpu.memory_space<vmem>>, vector<1x1x16xf32>,
        %get3A_712 = arith.constant 1 : i32
        %get3A_713 = arith.index_cast %get3A_712 : i32 to index
        %get3A_714 = arith.index_cast %add3A_680 : i32 to index
        %get3A_715 = arith.constant 64 : index
        %get3A_716 = tpu.vector_load %arg9[%get3A_713, %get3A_714, %get3A_715] {strides = array<i32>} : memref<2x40x128xf32, #tpu.memory_space<vmem>>, vector<1x1x16xf32>,
        %get3A_717 = vector.shape_cast %get3A_716 : vector<1x1x16xf32> to vector<16xf32>
        %add3A_718 = arith.addf %get3A_717, %bitcast_convert_type3A_694 : vector<16xf32>
        %max3A_719 = arith.constant 0.000000e+00 : f32
        %max3A_720 = vector.broadcast %max3A_719 : f32 to vector<16xf32>
        %max3A_721 = arith.maximumf %add3A_718, %max3A_720 : vector<16xf32>
        %swap3A_722 = arith.constant 1 : i32
        %swap3A_723 = arith.index_cast %swap3A_722 : i32 to index
        %swap3A_724 = arith.index_cast %add3A_680 : i32 to index
        %swap3A_725 = arith.constant 64 : index
        %swap3A_726 = tpu.vector_load %arg11[%swap3A_723, %swap3A_724, %swap3A_725] {strides = array<i32>} : memref<2x40x128xf32, #tpu.memory_space<vmem>>, vector<1x1x16xf32>,
        %swap3A_727 = vector.shape_cast %swap3A_726 : vector<1x1x16xf32> to vector<16xf32>
        %swap3A_728 = vector.shape_cast %max3A_721 : vector<16xf32> to vector<1x1x16xf32>
        tpu.vector_store %arg11[%swap3A_723, %swap3A_724, %swap3A_725], %swap3A_728 {strides = array<i32>} : memref<2x40x128xf32, #tpu.memory_space<vmem>>, vector<1x1x16xf32>,
        %get3A_729 = arith.constant 1 : i32
        %get3A_730 = arith.index_cast %get3A_729 : i32 to index
        %get3A_731 = arith.index_cast %add3A_680 : i32 to index
        %get3A_732 = arith.constant 16 : index
        %get3A_733 = tpu.vector_load %arg10[%get3A_730, %get3A_731, %get3A_732] {strides = array<i32>} : memref<2x40x64xi32, #tpu.memory_space<vmem>>, vector<1x1x16xi32>,
        %get3A_734 = vector.shape_cast %get3A_733 : vector<1x1x16xi32> to vector<16xi32>
        %shift_left3A_735 = arith.constant 16 : i32
        %shift_left3A_736 = vector.broadcast %shift_left3A_735 : i32 to vector<16xi32>
        %shift_left3A_737 = arith.shli %get3A_734, %shift_left3A_736 : vector<16xi32>
        %bitcast_convert_type3A_738 = tpu.bitcast %shift_left3A_737 : vector<16xi32> -> vector<16xf32>
        %and3A_739 = arith.constant -65536 : i32
        %and3A_740 = vector.broadcast %and3A_739 : i32 to vector<16xi32>
        %and3A_741 = arith.andi %get3A_734, %and3A_740 : vector<16xi32>
        %bitcast_convert_type3A_742 = tpu.bitcast %and3A_741 : vector<16xi32> -> vector<16xf32>
        %get3A_743 = arith.constant 1 : i32
        %get3A_744 = arith.index_cast %get3A_743 : i32 to index
        %get3A_745 = arith.index_cast %add3A_680 : i32 to index
        %get3A_746 = arith.constant 16 : index
        %get3A_747 = tpu.vector_load %arg9[%get3A_744, %get3A_745, %get3A_746] {strides = array<i32>} : memref<2x40x128xf32, #tpu.memory_space<vmem>>, vector<1x1x16xf32>,
        %get3A_748 = vector.shape_cast %get3A_747 : vector<1x1x16xf32> to vector<16xf32>
        %add3A_749 = arith.addf %get3A_748, %bitcast_convert_type3A_738 : vector<16xf32>
        %max3A_750 = arith.constant 0.000000e+00 : f32
        %max3A_751 = vector.broadcast %max3A_750 : f32 to vector<16xf32>
        %max3A_752 = arith.maximumf %add3A_749, %max3A_751 : vector<16xf32>
        %swap3A_753 = arith.constant 1 : i32
        %swap3A_754 = arith.index_cast %swap3A_753 : i32 to index
        %swap3A_755 = arith.index_cast %add3A_680 : i32 to index
        %swap3A_756 = arith.constant 16 : index
        %swap3A_757 = tpu.vector_load %arg11[%swap3A_754, %swap3A_755, %swap3A_756] {strides = array<i32>} : memref<2x40x128xf32, #tpu.memory_space<vmem>>, vector<1x1x16xf32>,
        %swap3A_758 = vector.shape_cast %swap3A_757 : vector<1x1x16xf32> to vector<16xf32>
        %swap3A_759 = vector.shape_cast %max3A_752 : vector<16xf32> to vector<1x1x16xf32>
        tpu.vector_store %arg11[%swap3A_754, %swap3A_755, %swap3A_756], %swap3A_759 {strides = array<i32>} : memref<2x40x128xf32, #tpu.memory_space<vmem>>, vector<1x1x16xf32>,
        %get3A_760 = arith.constant 1 : i32
        %get3A_761 = arith.index_cast %get3A_760 : i32 to index
        %get3A_762 = arith.index_cast %add3A_680 : i32 to index
        %get3A_763 = arith.constant 80 : index
        %get3A_764 = tpu.vector_load %arg9[%get3A_761, %get3A_762, %get3A_763] {strides = array<i32>} : memref<2x40x128xf32, #tpu.memory_space<vmem>>, vector<1x1x16xf32>,
        %get3A_765 = vector.shape_cast %get3A_764 : vector<1x1x16xf32> to vector<16xf32>
        %add3A_766 = arith.addf %get3A_765, %bitcast_convert_type3A_742 : vector<16xf32>
        %max3A_767 = arith.constant 0.000000e+00 : f32
        %max3A_768 = vector.broadcast %max3A_767 : f32 to vector<16xf32>
        %max3A_769 = arith.maximumf %add3A_766, %max3A_768 : vector<16xf32>
        %swap3A_770 = arith.constant 1 : i32
        %swap3A_771 = arith.index_cast %swap3A_770 : i32 to index
        %swap3A_772 = arith.index_cast %add3A_680 : i32 to index
        %swap3A_773 = arith.constant 80 : index
        %swap3A_774 = tpu.vector_load %arg11[%swap3A_771, %swap3A_772, %swap3A_773] {strides = array<i32>} : memref<2x40x128xf32, #tpu.memory_space<vmem>>, vector<1x1x16xf32>,
        %swap3A_775 = vector.shape_cast %swap3A_774 : vector<1x1x16xf32> to vector<16xf32>
        %swap3A_776 = vector.shape_cast %max3A_769 : vector<16xf32> to vector<1x1x16xf32>
        tpu.vector_store %arg11[%swap3A_771, %swap3A_772, %swap3A_773], %swap3A_776 {strides = array<i32>} : memref<2x40x128xf32, #tpu.memory_space<vmem>>, vector<1x1x16xf32>,
        %get3A_777 = arith.constant 1 : i32
        %get3A_778 = arith.index_cast %get3A_777 : i32 to index
        %get3A_779 = arith.index_cast %add3A_680 : i32 to index
        %get3A_780 = arith.constant 32 : index
        %get3A_781 = tpu.vector_load %arg10[%get3A_778, %get3A_779, %get3A_780] {strides = array<i32>} : memref<2x40x64xi32, #tpu.memory_space<vmem>>, vector<1x1x16xi32>,
        %get3A_782 = vector.shape_cast %get3A_781 : vector<1x1x16xi32> to vector<16xi32>
        %shift_left3A_783 = arith.constant 16 : i32
        %shift_left3A_784 = vector.broadcast %shift_left3A_783 : i32 to vector<16xi32>
        %shift_left3A_785 = arith.shli %get3A_782, %shift_left3A_784 : vector<16xi32>
        %bitcast_convert_type3A_786 = tpu.bitcast %shift_left3A_785 : vector<16xi32> -> vector<16xf32>
        %and3A_787 = arith.constant -65536 : i32
        %and3A_788 = vector.broadcast %and3A_787 : i32 to vector<16xi32>
        %and3A_789 = arith.andi %get3A_782, %and3A_788 : vector<16xi32>
        %bitcast_convert_type3A_790 = tpu.bitcast %and3A_789 : vector<16xi32> -> vector<16xf32>
        %get3A_791 = arith.constant 1 : i32
        %get3A_792 = arith.index_cast %get3A_791 : i32 to index
        %get3A_793 = arith.index_cast %add3A_680 : i32 to index
        %get3A_794 = arith.constant 32 : index
        %get3A_795 = tpu.vector_load %arg9[%get3A_792, %get3A_793, %get3A_794] {strides = array<i32>} : memref<2x40x128xf32, #tpu.memory_space<vmem>>, vector<1x1x16xf32>,
        %get3A_796 = vector.shape_cast %get3A_795 : vector<1x1x16xf32> to vector<16xf32>
        %add3A_797 = arith.addf %get3A_796, %bitcast_convert_type3A_786 : vector<16xf32>
        %max3A_798 = arith.constant 0.000000e+00 : f32
        %max3A_799 = vector.broadcast %max3A_798 : f32 to vector<16xf32>
        %max3A_800 = arith.maximumf %add3A_797, %max3A_799 : vector<16xf32>
        %swap3A_801 = arith.constant 1 : i32
        %swap3A_802 = arith.index_cast %swap3A_801 : i32 to index
        %swap3A_803 = arith.index_cast %add3A_680 : i32 to index
        %swap3A_804 = arith.constant 32 : index
        %swap3A_805 = tpu.vector_load %arg11[%swap3A_802, %swap3A_803, %swap3A_804] {strides = array<i32>} : memref<2x40x128xf32, #tpu.memory_space<vmem>>, vector<1x1x16xf32>,
        %swap3A_806 = vector.shape_cast %swap3A_805 : vector<1x1x16xf32> to vector<16xf32>
        %swap3A_807 = vector.shape_cast %max3A_800 : vector<16xf32> to vector<1x1x16xf32>
        tpu.vector_store %arg11[%swap3A_802, %swap3A_803, %swap3A_804], %swap3A_807 {strides = array<i32>} : memref<2x40x128xf32, #tpu.memory_space<vmem>>, vector<1x1x16xf32>,
        %get3A_808 = arith.constant 1 : i32
        %get3A_809 = arith.index_cast %get3A_808 : i32 to index
        %get3A_810 = arith.index_cast %add3A_680 : i32 to index
        %get3A_811 = arith.constant 96 : index
        %get3A_812 = tpu.vector_load %arg9[%get3A_809, %get3A_810, %get3A_811] {strides = array<i32>} : memref<2x40x128xf32, #tpu.memory_space<vmem>>, vector<1x1x16xf32>,
        %get3A_813 = vector.shape_cast %get3A_812 : vector<1x1x16xf32> to vector<16xf32>
        %add3A_814 = arith.addf %get3A_813, %bitcast_convert_type3A_790 : vector<16xf32>
        %max3A_815 = arith.constant 0.000000e+00 : f32
        %max3A_816 = vector.broadcast %max3A_815 : f32 to vector<16xf32>
        %max3A_817 = arith.maximumf %add3A_814, %max3A_816 : vector<16xf32>
        %swap3A_818 = arith.constant 1 : i32
        %swap3A_819 = arith.index_cast %swap3A_818 : i32 to index
        %swap3A_820 = arith.index_cast %add3A_680 : i32 to index
        %swap3A_821 = arith.constant 96 : index
        %swap3A_822 = tpu.vector_load %arg11[%swap3A_819, %swap3A_820, %swap3A_821] {strides = array<i32>} : memref<2x40x128xf32, #tpu.memory_space<vmem>>, vector<1x1x16xf32>,
        %swap3A_823 = vector.shape_cast %swap3A_822 : vector<1x1x16xf32> to vector<16xf32>
        %swap3A_824 = vector.shape_cast %max3A_817 : vector<16xf32> to vector<1x1x16xf32>
        tpu.vector_store %arg11[%swap3A_819, %swap3A_820, %swap3A_821], %swap3A_824 {strides = array<i32>} : memref<2x40x128xf32, #tpu.memory_space<vmem>>, vector<1x1x16xf32>,
        %get3A_825 = arith.constant 1 : i32
        %get3A_826 = arith.index_cast %get3A_825 : i32 to index
        %get3A_827 = arith.index_cast %add3A_680 : i32 to index
        %get3A_828 = arith.constant 48 : index
        %get3A_829 = tpu.vector_load %arg10[%get3A_826, %get3A_827, %get3A_828] {strides = array<i32>} : memref<2x40x64xi32, #tpu.memory_space<vmem>>, vector<1x1x16xi32>,
        %get3A_830 = vector.shape_cast %get3A_829 : vector<1x1x16xi32> to vector<16xi32>
        %shift_left3A_831 = arith.constant 16 : i32
        %shift_left3A_832 = vector.broadcast %shift_left3A_831 : i32 to vector<16xi32>
        %shift_left3A_833 = arith.shli %get3A_830, %shift_left3A_832 : vector<16xi32>
        %bitcast_convert_type3A_834 = tpu.bitcast %shift_left3A_833 : vector<16xi32> -> vector<16xf32>
        %and3A_835 = arith.constant -65536 : i32
        %and3A_836 = vector.broadcast %and3A_835 : i32 to vector<16xi32>
        %and3A_837 = arith.andi %get3A_830, %and3A_836 : vector<16xi32>
        %bitcast_convert_type3A_838 = tpu.bitcast %and3A_837 : vector<16xi32> -> vector<16xf32>
        %get3A_839 = arith.constant 1 : i32
        %get3A_840 = arith.index_cast %get3A_839 : i32 to index
        %get3A_841 = arith.index_cast %add3A_680 : i32 to index
        %get3A_842 = arith.constant 48 : index
        %get3A_843 = tpu.vector_load %arg9[%get3A_840, %get3A_841, %get3A_842] {strides = array<i32>} : memref<2x40x128xf32, #tpu.memory_space<vmem>>, vector<1x1x16xf32>,
        %get3A_844 = vector.shape_cast %get3A_843 : vector<1x1x16xf32> to vector<16xf32>
        %add3A_845 = arith.addf %get3A_844, %bitcast_convert_type3A_834 : vector<16xf32>
        %max3A_846 = arith.constant 0.000000e+00 : f32
        %max3A_847 = vector.broadcast %max3A_846 : f32 to vector<16xf32>
        %max3A_848 = arith.maximumf %add3A_845, %max3A_847 : vector<16xf32>
        %swap3A_849 = arith.constant 1 : i32
        %swap3A_850 = arith.index_cast %swap3A_849 : i32 to index
        %swap3A_851 = arith.index_cast %add3A_680 : i32 to index
        %swap3A_852 = arith.constant 48 : index
        %swap3A_853 = tpu.vector_load %arg11[%swap3A_850, %swap3A_851, %swap3A_852] {strides = array<i32>} : memref<2x40x128xf32, #tpu.memory_space<vmem>>, vector<1x1x16xf32>,
        %swap3A_854 = vector.shape_cast %swap3A_853 : vector<1x1x16xf32> to vector<16xf32>
        %swap3A_855 = vector.shape_cast %max3A_848 : vector<16xf32> to vector<1x1x16xf32>
        tpu.vector_store %arg11[%swap3A_850, %swap3A_851, %swap3A_852], %swap3A_855 {strides = array<i32>} : memref<2x40x128xf32, #tpu.memory_space<vmem>>, vector<1x1x16xf32>,
        %get3A_856 = arith.constant 1 : i32
        %get3A_857 = arith.index_cast %get3A_856 : i32 to index
        %get3A_858 = arith.index_cast %add3A_680 : i32 to index
        %get3A_859 = arith.constant 112 : index
        %get3A_860 = tpu.vector_load %arg9[%get3A_857, %get3A_858, %get3A_859] {strides = array<i32>} : memref<2x40x128xf32, #tpu.memory_space<vmem>>, vector<1x1x16xf32>,
        %get3A_861 = vector.shape_cast %get3A_860 : vector<1x1x16xf32> to vector<16xf32>
        %add3A_862 = arith.addf %get3A_861, %bitcast_convert_type3A_838 : vector<16xf32>
        %max3A_863 = arith.constant 0.000000e+00 : f32
        %max3A_864 = vector.broadcast %max3A_863 : f32 to vector<16xf32>
        %max3A_865 = arith.maximumf %add3A_862, %max3A_864 : vector<16xf32>
        %swap3A_866 = arith.constant 1 : i32
        %swap3A_867 = arith.index_cast %swap3A_866 : i32 to index
        %swap3A_868 = arith.index_cast %add3A_680 : i32 to index
        %swap3A_869 = arith.constant 112 : index
        %swap3A_870 = tpu.vector_load %arg11[%swap3A_867, %swap3A_868, %swap3A_869] {strides = array<i32>} : memref<2x40x128xf32, #tpu.memory_space<vmem>>, vector<1x1x16xf32>,
        %swap3A_871 = vector.shape_cast %swap3A_870 : vector<1x1x16xf32> to vector<16xf32>
        %swap3A_872 = vector.shape_cast %max3A_865 : vector<16xf32> to vector<1x1x16xf32>
        tpu.vector_store %arg11[%swap3A_867, %swap3A_868, %swap3A_869], %swap3A_872 {strides = array<i32>} : memref<2x40x128xf32, #tpu.memory_space<vmem>>, vector<1x1x16xf32>,
        %mul3A_873 = arith.constant 4 : i32
        %mul3A_874 = arith.muli %mul3A_873, %scan3A_290 : i32
        %add3A_875 = arith.constant 3 : i32
        %add3A_876 = arith.addi %mul3A_874, %add3A_875 : i32
        %get3A_877 = arith.constant 1 : i32
        %get3A_878 = arith.index_cast %get3A_877 : i32 to index
        %get3A_879 = arith.index_cast %add3A_876 : i32 to index
        %get3A_880 = arith.constant 0 : index
        %get3A_881 = tpu.vector_load %arg10[%get3A_878, %get3A_879, %get3A_880] {strides = array<i32>} : memref<2x40x64xi32, #tpu.memory_space<vmem>>, vector<1x1x16xi32>,
        %get3A_882 = vector.shape_cast %get3A_881 : vector<1x1x16xi32> to vector<16xi32>
        %shift_left3A_883 = arith.constant 16 : i32
        %shift_left3A_884 = vector.broadcast %shift_left3A_883 : i32 to vector<16xi32>
        %shift_left3A_885 = arith.shli %get3A_882, %shift_left3A_884 : vector<16xi32>
        %bitcast_convert_type3A_886 = tpu.bitcast %shift_left3A_885 : vector<16xi32> -> vector<16xf32>
        %and3A_887 = arith.constant -65536 : i32
        %and3A_888 = vector.broadcast %and3A_887 : i32 to vector<16xi32>
        %and3A_889 = arith.andi %get3A_882, %and3A_888 : vector<16xi32>
        %bitcast_convert_type3A_890 = tpu.bitcast %and3A_889 : vector<16xi32> -> vector<16xf32>
        %get3A_891 = arith.constant 1 : i32
        %get3A_892 = arith.index_cast %get3A_891 : i32 to index
        %get3A_893 = arith.index_cast %add3A_876 : i32 to index
        %get3A_894 = arith.constant 0 : index
        %get3A_895 = tpu.vector_load %arg9[%get3A_892, %get3A_893, %get3A_894] {strides = array<i32>} : memref<2x40x128xf32, #tpu.memory_space<vmem>>, vector<1x1x16xf32>,
        %get3A_896 = vector.shape_cast %get3A_895 : vector<1x1x16xf32> to vector<16xf32>
        %add3A_897 = arith.addf %get3A_896, %bitcast_convert_type3A_886 : vector<16xf32>
        %max3A_898 = arith.constant 0.000000e+00 : f32
        %max3A_899 = vector.broadcast %max3A_898 : f32 to vector<16xf32>
        %max3A_900 = arith.maximumf %add3A_897, %max3A_899 : vector<16xf32>
        %swap3A_901 = arith.constant 1 : i32
        %swap3A_902 = arith.index_cast %swap3A_901 : i32 to index
        %swap3A_903 = arith.index_cast %add3A_876 : i32 to index
        %swap3A_904 = arith.constant 0 : index
        %swap3A_905 = tpu.vector_load %arg11[%swap3A_902, %swap3A_903, %swap3A_904] {strides = array<i32>} : memref<2x40x128xf32, #tpu.memory_space<vmem>>, vector<1x1x16xf32>,
        %swap3A_906 = vector.shape_cast %swap3A_905 : vector<1x1x16xf32> to vector<16xf32>
        %swap3A_907 = vector.shape_cast %max3A_900 : vector<16xf32> to vector<1x1x16xf32>
        tpu.vector_store %arg11[%swap3A_902, %swap3A_903, %swap3A_904], %swap3A_907 {strides = array<i32>} : memref<2x40x128xf32, #tpu.memory_space<vmem>>, vector<1x1x16xf32>,
        %get3A_908 = arith.constant 1 : i32
        %get3A_909 = arith.index_cast %get3A_908 : i32 to index
        %get3A_910 = arith.index_cast %add3A_876 : i32 to index
        %get3A_911 = arith.constant 64 : index
        %get3A_912 = tpu.vector_load %arg9[%get3A_909, %get3A_910, %get3A_911] {strides = array<i32>} : memref<2x40x128xf32, #tpu.memory_space<vmem>>, vector<1x1x16xf32>,
        %get3A_913 = vector.shape_cast %get3A_912 : vector<1x1x16xf32> to vector<16xf32>
        %add3A_914 = arith.addf %get3A_913, %bitcast_convert_type3A_890 : vector<16xf32>
        %max3A_915 = arith.constant 0.000000e+00 : f32
        %max3A_916 = vector.broadcast %max3A_915 : f32 to vector<16xf32>
        %max3A_917 = arith.maximumf %add3A_914, %max3A_916 : vector<16xf32>
        %swap3A_918 = arith.constant 1 : i32
        %swap3A_919 = arith.index_cast %swap3A_918 : i32 to index
        %swap3A_920 = arith.index_cast %add3A_876 : i32 to index
        %swap3A_921 = arith.constant 64 : index
        %swap3A_922 = tpu.vector_load %arg11[%swap3A_919, %swap3A_920, %swap3A_921] {strides = array<i32>} : memref<2x40x128xf32, #tpu.memory_space<vmem>>, vector<1x1x16xf32>,
        %swap3A_923 = vector.shape_cast %swap3A_922 : vector<1x1x16xf32> to vector<16xf32>
        %swap3A_924 = vector.shape_cast %max3A_917 : vector<16xf32> to vector<1x1x16xf32>
        tpu.vector_store %arg11[%swap3A_919, %swap3A_920, %swap3A_921], %swap3A_924 {strides = array<i32>} : memref<2x40x128xf32, #tpu.memory_space<vmem>>, vector<1x1x16xf32>,
        %get3A_925 = arith.constant 1 : i32
        %get3A_926 = arith.index_cast %get3A_925 : i32 to index
        %get3A_927 = arith.index_cast %add3A_876 : i32 to index
        %get3A_928 = arith.constant 16 : index
        %get3A_929 = tpu.vector_load %arg10[%get3A_926, %get3A_927, %get3A_928] {strides = array<i32>} : memref<2x40x64xi32, #tpu.memory_space<vmem>>, vector<1x1x16xi32>,
        %get3A_930 = vector.shape_cast %get3A_929 : vector<1x1x16xi32> to vector<16xi32>
        %shift_left3A_931 = arith.constant 16 : i32
        %shift_left3A_932 = vector.broadcast %shift_left3A_931 : i32 to vector<16xi32>
        %shift_left3A_933 = arith.shli %get3A_930, %shift_left3A_932 : vector<16xi32>
        %bitcast_convert_type3A_934 = tpu.bitcast %shift_left3A_933 : vector<16xi32> -> vector<16xf32>
        %and3A_935 = arith.constant -65536 : i32
        %and3A_936 = vector.broadcast %and3A_935 : i32 to vector<16xi32>
        %and3A_937 = arith.andi %get3A_930, %and3A_936 : vector<16xi32>
        %bitcast_convert_type3A_938 = tpu.bitcast %and3A_937 : vector<16xi32> -> vector<16xf32>
        %get3A_939 = arith.constant 1 : i32
        %get3A_940 = arith.index_cast %get3A_939 : i32 to index
        %get3A_941 = arith.index_cast %add3A_876 : i32 to index
        %get3A_942 = arith.constant 16 : index
        %get3A_943 = tpu.vector_load %arg9[%get3A_940, %get3A_941, %get3A_942] {strides = array<i32>} : memref<2x40x128xf32, #tpu.memory_space<vmem>>, vector<1x1x16xf32>,
        %get3A_944 = vector.shape_cast %get3A_943 : vector<1x1x16xf32> to vector<16xf32>
        %add3A_945 = arith.addf %get3A_944, %bitcast_convert_type3A_934 : vector<16xf32>
        %max3A_946 = arith.constant 0.000000e+00 : f32
        %max3A_947 = vector.broadcast %max3A_946 : f32 to vector<16xf32>
        %max3A_948 = arith.maximumf %add3A_945, %max3A_947 : vector<16xf32>
        %swap3A_949 = arith.constant 1 : i32
        %swap3A_950 = arith.index_cast %swap3A_949 : i32 to index
        %swap3A_951 = arith.index_cast %add3A_876 : i32 to index
        %swap3A_952 = arith.constant 16 : index
        %swap3A_953 = tpu.vector_load %arg11[%swap3A_950, %swap3A_951, %swap3A_952] {strides = array<i32>} : memref<2x40x128xf32, #tpu.memory_space<vmem>>, vector<1x1x16xf32>,
        %swap3A_954 = vector.shape_cast %swap3A_953 : vector<1x1x16xf32> to vector<16xf32>
        %swap3A_955 = vector.shape_cast %max3A_948 : vector<16xf32> to vector<1x1x16xf32>
        tpu.vector_store %arg11[%swap3A_950, %swap3A_951, %swap3A_952], %swap3A_955 {strides = array<i32>} : memref<2x40x128xf32, #tpu.memory_space<vmem>>, vector<1x1x16xf32>,
        %get3A_956 = arith.constant 1 : i32
        %get3A_957 = arith.index_cast %get3A_956 : i32 to index
        %get3A_958 = arith.index_cast %add3A_876 : i32 to index
        %get3A_959 = arith.constant 80 : index
        %get3A_960 = tpu.vector_load %arg9[%get3A_957, %get3A_958, %get3A_959] {strides = array<i32>} : memref<2x40x128xf32, #tpu.memory_space<vmem>>, vector<1x1x16xf32>,
        %get3A_961 = vector.shape_cast %get3A_960 : vector<1x1x16xf32> to vector<16xf32>
        %add3A_962 = arith.addf %get3A_961, %bitcast_convert_type3A_938 : vector<16xf32>
        %max3A_963 = arith.constant 0.000000e+00 : f32
        %max3A_964 = vector.broadcast %max3A_963 : f32 to vector<16xf32>
        %max3A_965 = arith.maximumf %add3A_962, %max3A_964 : vector<16xf32>
        %swap3A_966 = arith.constant 1 : i32
        %swap3A_967 = arith.index_cast %swap3A_966 : i32 to index
        %swap3A_968 = arith.index_cast %add3A_876 : i32 to index
        %swap3A_969 = arith.constant 80 : index
        %swap3A_970 = tpu.vector_load %arg11[%swap3A_967, %swap3A_968, %swap3A_969] {strides = array<i32>} : memref<2x40x128xf32, #tpu.memory_space<vmem>>, vector<1x1x16xf32>,
        %swap3A_971 = vector.shape_cast %swap3A_970 : vector<1x1x16xf32> to vector<16xf32>
        %swap3A_972 = vector.shape_cast %max3A_965 : vector<16xf32> to vector<1x1x16xf32>
        tpu.vector_store %arg11[%swap3A_967, %swap3A_968, %swap3A_969], %swap3A_972 {strides = array<i32>} : memref<2x40x128xf32, #tpu.memory_space<vmem>>, vector<1x1x16xf32>,
        %get3A_973 = arith.constant 1 : i32
        %get3A_974 = arith.index_cast %get3A_973 : i32 to index
        %get3A_975 = arith.index_cast %add3A_876 : i32 to index
        %get3A_976 = arith.constant 32 : index
        %get3A_977 = tpu.vector_load %arg10[%get3A_974, %get3A_975, %get3A_976] {strides = array<i32>} : memref<2x40x64xi32, #tpu.memory_space<vmem>>, vector<1x1x16xi32>,
        %get3A_978 = vector.shape_cast %get3A_977 : vector<1x1x16xi32> to vector<16xi32>
        %shift_left3A_979 = arith.constant 16 : i32
        %shift_left3A_980 = vector.broadcast %shift_left3A_979 : i32 to vector<16xi32>
        %shift_left3A_981 = arith.shli %get3A_978, %shift_left3A_980 : vector<16xi32>
        %bitcast_convert_type3A_982 = tpu.bitcast %shift_left3A_981 : vector<16xi32> -> vector<16xf32>
        %and3A_983 = arith.constant -65536 : i32
        %and3A_984 = vector.broadcast %and3A_983 : i32 to vector<16xi32>
        %and3A_985 = arith.andi %get3A_978, %and3A_984 : vector<16xi32>
        %bitcast_convert_type3A_986 = tpu.bitcast %and3A_985 : vector<16xi32> -> vector<16xf32>
        %get3A_987 = arith.constant 1 : i32
        %get3A_988 = arith.index_cast %get3A_987 : i32 to index
        %get3A_989 = arith.index_cast %add3A_876 : i32 to index
        %get3A_990 = arith.constant 32 : index
        %get3A_991 = tpu.vector_load %arg9[%get3A_988, %get3A_989, %get3A_990] {strides = array<i32>} : memref<2x40x128xf32, #tpu.memory_space<vmem>>, vector<1x1x16xf32>,
        %get3A_992 = vector.shape_cast %get3A_991 : vector<1x1x16xf32> to vector<16xf32>
        %add3A_993 = arith.addf %get3A_992, %bitcast_convert_type3A_982 : vector<16xf32>
        %max3A_994 = arith.constant 0.000000e+00 : f32
        %max3A_995 = vector.broadcast %max3A_994 : f32 to vector<16xf32>
        %max3A_996 = arith.maximumf %add3A_993, %max3A_995 : vector<16xf32>
        %swap3A_997 = arith.constant 1 : i32
        %swap3A_998 = arith.index_cast %swap3A_997 : i32 to index
        %swap3A_999 = arith.index_cast %add3A_876 : i32 to index
        %swap3A_1000 = arith.constant 32 : index
        %swap3A_1001 = tpu.vector_load %arg11[%swap3A_998, %swap3A_999, %swap3A_1000] {strides = array<i32>} : memref<2x40x128xf32, #tpu.memory_space<vmem>>, vector<1x1x16xf32>,
        %swap3A_1002 = vector.shape_cast %swap3A_1001 : vector<1x1x16xf32> to vector<16xf32>
        %swap3A_1003 = vector.shape_cast %max3A_996 : vector<16xf32> to vector<1x1x16xf32>
        tpu.vector_store %arg11[%swap3A_998, %swap3A_999, %swap3A_1000], %swap3A_1003 {strides = array<i32>} : memref<2x40x128xf32, #tpu.memory_space<vmem>>, vector<1x1x16xf32>,
        %get3A_1004 = arith.constant 1 : i32
        %get3A_1005 = arith.index_cast %get3A_1004 : i32 to index
        %get3A_1006 = arith.index_cast %add3A_876 : i32 to index
        %get3A_1007 = arith.constant 96 : index
        %get3A_1008 = tpu.vector_load %arg9[%get3A_1005, %get3A_1006, %get3A_1007] {strides = array<i32>} : memref<2x40x128xf32, #tpu.memory_space<vmem>>, vector<1x1x16xf32>,
        %get3A_1009 = vector.shape_cast %get3A_1008 : vector<1x1x16xf32> to vector<16xf32>
        %add3A_1010 = arith.addf %get3A_1009, %bitcast_convert_type3A_986 : vector<16xf32>
        %max3A_1011 = arith.constant 0.000000e+00 : f32
        %max3A_1012 = vector.broadcast %max3A_1011 : f32 to vector<16xf32>
        %max3A_1013 = arith.maximumf %add3A_1010, %max3A_1012 : vector<16xf32>
        %swap3A_1014 = arith.constant 1 : i32
        %swap3A_1015 = arith.index_cast %swap3A_1014 : i32 to index
        %swap3A_1016 = arith.index_cast %add3A_876 : i32 to index
        %swap3A_1017 = arith.constant 96 : index
        %swap3A_1018 = tpu.vector_load %arg11[%swap3A_1015, %swap3A_1016, %swap3A_1017] {strides = array<i32>} : memref<2x40x128xf32, #tpu.memory_space<vmem>>, vector<1x1x16xf32>,
        %swap3A_1019 = vector.shape_cast %swap3A_1018 : vector<1x1x16xf32> to vector<16xf32>
        %swap3A_1020 = vector.shape_cast %max3A_1013 : vector<16xf32> to vector<1x1x16xf32>
        tpu.vector_store %arg11[%swap3A_1015, %swap3A_1016, %swap3A_1017], %swap3A_1020 {strides = array<i32>} : memref<2x40x128xf32, #tpu.memory_space<vmem>>, vector<1x1x16xf32>,
        %get3A_1021 = arith.constant 1 : i32
        %get3A_1022 = arith.index_cast %get3A_1021 : i32 to index
        %get3A_1023 = arith.index_cast %add3A_876 : i32 to index
        %get3A_1024 = arith.constant 48 : index
        %get3A_1025 = tpu.vector_load %arg10[%get3A_1022, %get3A_1023, %get3A_1024] {strides = array<i32>} : memref<2x40x64xi32, #tpu.memory_space<vmem>>, vector<1x1x16xi32>,
        %get3A_1026 = vector.shape_cast %get3A_1025 : vector<1x1x16xi32> to vector<16xi32>
        %shift_left3A_1027 = arith.constant 16 : i32
        %shift_left3A_1028 = vector.broadcast %shift_left3A_1027 : i32 to vector<16xi32>
        %shift_left3A_1029 = arith.shli %get3A_1026, %shift_left3A_1028 : vector<16xi32>
        %bitcast_convert_type3A_1030 = tpu.bitcast %shift_left3A_1029 : vector<16xi32> -> vector<16xf32>
        %and3A_1031 = arith.constant -65536 : i32
        %and3A_1032 = vector.broadcast %and3A_1031 : i32 to vector<16xi32>
        %and3A_1033 = arith.andi %get3A_1026, %and3A_1032 : vector<16xi32>
        %bitcast_convert_type3A_1034 = tpu.bitcast %and3A_1033 : vector<16xi32> -> vector<16xf32>
        %get3A_1035 = arith.constant 1 : i32
        %get3A_1036 = arith.index_cast %get3A_1035 : i32 to index
        %get3A_1037 = arith.index_cast %add3A_876 : i32 to index
        %get3A_1038 = arith.constant 48 : index
        %get3A_1039 = tpu.vector_load %arg9[%get3A_1036, %get3A_1037, %get3A_1038] {strides = array<i32>} : memref<2x40x128xf32, #tpu.memory_space<vmem>>, vector<1x1x16xf32>,
        %get3A_1040 = vector.shape_cast %get3A_1039 : vector<1x1x16xf32> to vector<16xf32>
        %add3A_1041 = arith.addf %get3A_1040, %bitcast_convert_type3A_1030 : vector<16xf32>
        %max3A_1042 = arith.constant 0.000000e+00 : f32
        %max3A_1043 = vector.broadcast %max3A_1042 : f32 to vector<16xf32>
        %max3A_1044 = arith.maximumf %add3A_1041, %max3A_1043 : vector<16xf32>
        %swap3A_1045 = arith.constant 1 : i32
        %swap3A_1046 = arith.index_cast %swap3A_1045 : i32 to index
        %swap3A_1047 = arith.index_cast %add3A_876 : i32 to index
        %swap3A_1048 = arith.constant 48 : index
        %swap3A_1049 = tpu.vector_load %arg11[%swap3A_1046, %swap3A_1047, %swap3A_1048] {strides = array<i32>} : memref<2x40x128xf32, #tpu.memory_space<vmem>>, vector<1x1x16xf32>,
        %swap3A_1050 = vector.shape_cast %swap3A_1049 : vector<1x1x16xf32> to vector<16xf32>
        %swap3A_1051 = vector.shape_cast %max3A_1044 : vector<16xf32> to vector<1x1x16xf32>
        tpu.vector_store %arg11[%swap3A_1046, %swap3A_1047, %swap3A_1048], %swap3A_1051 {strides = array<i32>} : memref<2x40x128xf32, #tpu.memory_space<vmem>>, vector<1x1x16xf32>,
        %get3A_1052 = arith.constant 1 : i32
        %get3A_1053 = arith.index_cast %get3A_1052 : i32 to index
        %get3A_1054 = arith.index_cast %add3A_876 : i32 to index
        %get3A_1055 = arith.constant 112 : index
        %get3A_1056 = tpu.vector_load %arg9[%get3A_1053, %get3A_1054, %get3A_1055] {strides = array<i32>} : memref<2x40x128xf32, #tpu.memory_space<vmem>>, vector<1x1x16xf32>,
        %get3A_1057 = vector.shape_cast %get3A_1056 : vector<1x1x16xf32> to vector<16xf32>
        %add3A_1058 = arith.addf %get3A_1057, %bitcast_convert_type3A_1034 : vector<16xf32>
        %max3A_1059 = arith.constant 0.000000e+00 : f32
        %max3A_1060 = vector.broadcast %max3A_1059 : f32 to vector<16xf32>
        %max3A_1061 = arith.maximumf %add3A_1058, %max3A_1060 : vector<16xf32>
        %swap3A_1062 = arith.constant 1 : i32
        %swap3A_1063 = arith.index_cast %swap3A_1062 : i32 to index
        %swap3A_1064 = arith.index_cast %add3A_876 : i32 to index
        %swap3A_1065 = arith.constant 112 : index
        %swap3A_1066 = tpu.vector_load %arg11[%swap3A_1063, %swap3A_1064, %swap3A_1065] {strides = array<i32>} : memref<2x40x128xf32, #tpu.memory_space<vmem>>, vector<1x1x16xf32>,
        %swap3A_1067 = vector.shape_cast %swap3A_1066 : vector<1x1x16xf32> to vector<16xf32>
        %swap3A_1068 = vector.shape_cast %max3A_1061 : vector<16xf32> to vector<1x1x16xf32>
        tpu.vector_store %arg11[%swap3A_1063, %swap3A_1064, %swap3A_1065], %swap3A_1068 {strides = array<i32>} : memref<2x40x128xf32, #tpu.memory_space<vmem>>, vector<1x1x16xf32>,
      }
      %scan3A_265 = arith.constant 10 : i32
      %mul3A_266 = arith.constant 40 : i32
      %mul3A_267 = arith.muli %add3A_212, %mul3A_266 : i32
      %add3A_268 = arith.addi %add3A_15, %mul3A_267 : i32
      %dma_wait3A_269 = arith.constant 1 : i32
      %dma_wait3A_270 = arith.constant 0 : i32
      %dma_wait3A_271 = tpu.memref_slice %arg8[%dma_wait3A_269, %dma_wait3A_270] : memref<2x40xi32, #tpu.memory_space<vmem>> -> memref<1x40xi32, #tpu.memory_space<vmem>>
      %dma_wait3A_272 = tpu.memref_squeeze %dma_wait3A_271 : memref<1x40xi32, #tpu.memory_space<vmem>> -> memref<40xi32, #tpu.memory_space<vmem>>
      %dma_wait3A_273 = tpu.memref_slice %arg5[%add3A_268] : memref<320000xi32, #tpu.memory_space<hbm>> -> memref<40xi32, #tpu.memory_space<hbm>>
      %dma_wait3A_274 = arith.constant 0 : i32
      %dma_wait3A_275 = tpu.memref_slice %arg8[%dma_wait3A_269, %dma_wait3A_274] : memref<2x40xi32, #tpu.memory_space<vmem>> -> memref<1x40xi32, #tpu.memory_space<vmem>>
      %dma_wait3A_276 = tpu.memref_squeeze %dma_wait3A_275 : memref<1x40xi32, #tpu.memory_space<vmem>> -> memref<40xi32, #tpu.memory_space<vmem>>
      %dma_wait3A_277 = tpu.memref_slice %arg5[%add3A_268] : memref<320000xi32, #tpu.memory_space<hbm>> -> memref<40xi32, #tpu.memory_space<hbm>>
      tpu.wait_dma2 semaphore(%arg20 : memref<!tpu.dma_semaphore, #tpu.memory_space<semaphore_mem>>) src(%dma_wait3A_277 : memref<40xi32, #tpu.memory_space<hbm>>) dst(%dma_wait3A_276 : memref<40xi32, #tpu.memory_space<vmem>>)
      %dma_start3A_278 = arith.constant 1 : i32
      %dma_start3A_279 = arith.constant 1 : i32
      %dma_start3A_280 = arith.constant 0 : i32
      %dma_start3A_281 = arith.constant 0 : i32
      %dma_start3A_282 = tpu.memref_slice %arg11[%dma_start3A_278, %dma_start3A_280, %dma_start3A_281] : memref<2x40x128xf32, #tpu.memory_space<vmem>> -> memref<1x40x128xf32, #tpu.memory_space<vmem>>
      %dma_start3A_283 = tpu.memref_squeeze %dma_start3A_282 : memref<1x40x128xf32, #tpu.memory_space<vmem>> -> memref<40x128xf32, #tpu.memory_space<vmem>>
      %dma_start3A_284 = arith.constant 0 : i32
      %dma_start3A_285 = tpu.memref_slice %arg8[%dma_start3A_279, %dma_start3A_284] : memref<2x40xi32, #tpu.memory_space<vmem>> -> memref<1x40xi32, #tpu.memory_space<vmem>>
      %dma_start3A_286 = tpu.memref_squeeze %dma_start3A_285 : memref<1x40xi32, #tpu.memory_space<vmem>> -> memref<40xi32, #tpu.memory_space<vmem>>
      %dma_start3A_287 = arith.constant 0 : i32
      %dma_start3A_288 = arith.constant 0 : i32
      %dma_start3A_289 = tpu.memref_slice %arg12[%dma_start3A_287, %dma_start3A_288] : memref<10240x128xf32, #tpu.memory_space<vmem_shared>> -> memref<10240x128xf32, #tpu.memory_space<vmem_shared>>
      tpu.enqueue_indirect_dma source(%dma_start3A_283 : memref<40x128xf32, #tpu.memory_space<vmem>>) target(%dma_start3A_289 : memref<10240x128xf32, #tpu.memory_space<vmem_shared>>) offsets(%dma_start3A_286 : memref<40xi32, #tpu.memory_space<vmem>>) semaphore(%arg22 : memref<!tpu.dma_semaphore, #tpu.memory_space<semaphore_mem>>) {add = true}
    }
    %scan3A_103 = arith.constant 125 : i32
    %dma_wait3A_104 = arith.constant 0 : i32
    %dma_wait3A_105 = arith.constant 0 : i32
    %dma_wait3A_106 = arith.constant 0 : i32
    %dma_wait3A_107 = arith.constant 0 : i32
    %dma_wait3A_108 = tpu.memref_slice %arg11[%dma_wait3A_104, %dma_wait3A_106, %dma_wait3A_107] : memref<2x40x128xf32, #tpu.memory_space<vmem>> -> memref<1x40x128xf32, #tpu.memory_space<vmem>>
    %dma_wait3A_109 = tpu.memref_squeeze %dma_wait3A_108 : memref<1x40x128xf32, #tpu.memory_space<vmem>> -> memref<40x128xf32, #tpu.memory_space<vmem>>
    %dma_wait3A_110 = arith.constant 0 : i32
    %dma_wait3A_111 = tpu.memref_slice %arg8[%dma_wait3A_105, %dma_wait3A_110] : memref<2x40xi32, #tpu.memory_space<vmem>> -> memref<1x40xi32, #tpu.memory_space<vmem>>
    %dma_wait3A_112 = tpu.memref_squeeze %dma_wait3A_111 : memref<1x40xi32, #tpu.memory_space<vmem>> -> memref<40xi32, #tpu.memory_space<vmem>>
    %dma_wait3A_113 = arith.constant 0 : i32
    %dma_wait3A_114 = arith.constant 0 : i32
    %dma_wait3A_115 = tpu.memref_slice %arg12[%dma_wait3A_113, %dma_wait3A_114] : memref<10240x128xf32, #tpu.memory_space<vmem_shared>> -> memref<10240x128xf32, #tpu.memory_space<vmem_shared>>
    tpu.wait_indirect_dma semaphore(%arg21 : memref<!tpu.dma_semaphore, #tpu.memory_space<semaphore_mem>>) src(%dma_wait3A_109 : memref<40x128xf32, #tpu.memory_space<vmem>>) dst(%dma_wait3A_115 : memref<10240x128xf32, #tpu.memory_space<vmem_shared>>)
    %dma_wait3A_116 = arith.constant 1 : i32
    %dma_wait3A_117 = arith.constant 1 : i32
    %dma_wait3A_118 = arith.constant 0 : i32
    %dma_wait3A_119 = arith.constant 0 : i32
    %dma_wait3A_120 = tpu.memref_slice %arg11[%dma_wait3A_116, %dma_wait3A_118, %dma_wait3A_119] : memref<2x40x128xf32, #tpu.memory_space<vmem>> -> memref<1x40x128xf32, #tpu.memory_space<vmem>>
    %dma_wait3A_121 = tpu.memref_squeeze %dma_wait3A_120 : memref<1x40x128xf32, #tpu.memory_space<vmem>> -> memref<40x128xf32, #tpu.memory_space<vmem>>
    %dma_wait3A_122 = arith.constant 0 : i32
    %dma_wait3A_123 = tpu.memref_slice %arg8[%dma_wait3A_117, %dma_wait3A_122] : memref<2x40xi32, #tpu.memory_space<vmem>> -> memref<1x40xi32, #tpu.memory_space<vmem>>
    %dma_wait3A_124 = tpu.memref_squeeze %dma_wait3A_123 : memref<1x40xi32, #tpu.memory_space<vmem>> -> memref<40xi32, #tpu.memory_space<vmem>>
    %dma_wait3A_125 = arith.constant 0 : i32
    %dma_wait3A_126 = arith.constant 0 : i32
    %dma_wait3A_127 = tpu.memref_slice %arg12[%dma_wait3A_125, %dma_wait3A_126] : memref<10240x128xf32, #tpu.memory_space<vmem_shared>> -> memref<10240x128xf32, #tpu.memory_space<vmem_shared>>
    tpu.wait_indirect_dma semaphore(%arg22 : memref<!tpu.dma_semaphore, #tpu.memory_space<semaphore_mem>>) src(%dma_wait3A_121 : memref<40x128xf32, #tpu.memory_space<vmem>>) dst(%dma_wait3A_127 : memref<10240x128xf32, #tpu.memory_space<vmem_shared>>)
    %barrier3A_128 = arith.constant 0 : index
    tpu.barrier barrier_id(%barrier3A_128)
    %mul3A_129 = arith.constant 640 : i32
    %mul3A_130 = arith.muli %arg1, %mul3A_129 : i32
    %mul3A_131 = arith.constant 640 : i32
    %mul3A_132 = arith.muli %arg1, %mul3A_131 : i32
    "tpu.region"() ({
      %run_scoped3A = tpu.sem_alloc : memref<!tpu.dma_semaphore, #tpu.memory_space<semaphore_mem>>
      %dma_start3A_133 = arith.constant 0 : i32
      %dma_start3A_134 = tpu.memref_slice %arg6[%arg0, %mul3A_132, %dma_start3A_133] : memref<2x10240x128xf32, #tpu.memory_space<hbm>> -> memref<1x640x128xf32, #tpu.memory_space<hbm>>
      %dma_start3A_135 = tpu.memref_squeeze %dma_start3A_134 : memref<1x640x128xf32, #tpu.memory_space<hbm>> -> memref<640x128xf32, #tpu.memory_space<hbm>>
      %dma_start3A_136 = arith.constant 0 : i32
      %dma_start3A_137 = tpu.memref_slice %arg12[%mul3A_130, %dma_start3A_136] : memref<10240x128xf32, #tpu.memory_space<vmem_shared>> -> memref<640x128xf32, #tpu.memory_space<vmem_shared>>
      tpu.enqueue_dma source(%dma_start3A_137 : memref<640x128xf32, #tpu.memory_space<vmem_shared>>) target(%dma_start3A_135 : memref<640x128xf32, #tpu.memory_space<hbm>>) target_semaphore(%run_scoped3A : memref<!tpu.dma_semaphore, #tpu.memory_space<semaphore_mem>>)
      %dma_wait3A_138 = arith.constant 0 : i32
      %dma_wait3A_139 = tpu.memref_slice %arg6[%arg0, %mul3A_132, %dma_wait3A_138] : memref<2x10240x128xf32, #tpu.memory_space<hbm>> -> memref<1x640x128xf32, #tpu.memory_space<hbm>>
      %dma_wait3A_140 = tpu.memref_squeeze %dma_wait3A_139 : memref<1x640x128xf32, #tpu.memory_space<hbm>> -> memref<640x128xf32, #tpu.memory_space<hbm>>
      %dma_wait3A_141 = arith.constant 0 : i32
      %dma_wait3A_142 = tpu.memref_slice %arg12[%mul3A_130, %dma_wait3A_141] : memref<10240x128xf32, #tpu.memory_space<vmem_shared>> -> memref<640x128xf32, #tpu.memory_space<vmem_shared>>
      tpu.wait_dma2 semaphore(%run_scoped3A : memref<!tpu.dma_semaphore, #tpu.memory_space<semaphore_mem>>) src(%dma_wait3A_142 : memref<640x128xf32, #tpu.memory_space<vmem_shared>>) dst(%dma_wait3A_140 : memref<640x128xf32, #tpu.memory_space<hbm>>)
      tpu.yield
    }) : () -> ()
    return
  }
}

module attributes {stable_mosaic.version = 14 : i64} {
  func.func @_proj_body(%arg0: i32, %arg1: memref<6400x128xf32, #tpu.memory_space<vmem>>, %arg2: memref<128x128xf32, #tpu.memory_space<vmem>>, %arg3: memref<1x128xf32, #tpu.memory_space<vmem>>, %arg4: memref<6400x64xi32, #tpu.memory_space<vmem>>) attributes {dimension_semantics = [#tpu.dimension_semantics<arbitrary>], iteration_bounds = array<i64: 50>, scalar_prefetch = 0 : i64, scratch_operands = 0 : i64, tpu.core_type = #tpu.core_type<tc>, window_params = [{transform_indices = @transform_0, window_bounds = array<i64: 6400, 128>}, {pipeline_mode = #tpu.pipeline_mode<synchronous>, transform_indices = @transform_1, window_bounds = array<i64: 128, 128>}, {pipeline_mode = #tpu.pipeline_mode<synchronous>, transform_indices = @transform_2, window_bounds = array<i64: 1, 128>}, {transform_indices = @transform_3, window_bounds = array<i64: 6400, 64>}]} {
    %get3A = arith.constant 0 : index
    %get3A_0 = arith.constant 0 : index
    %get3A_1 = vector.load %arg1[%get3A, %get3A_0] : memref<6400x128xf32, #tpu.memory_space<vmem>>, vector<6400x128xf32>
    %get3A_2 = arith.constant 0 : index
    %get3A_3 = arith.constant 0 : index
    %get3A_4 = vector.load %arg2[%get3A_2, %get3A_3] : memref<128x128xf32, #tpu.memory_space<vmem>>, vector<128x128xf32>
    %dot_general3A = arith.constant dense<0.000000e+00> : vector<6400x128xf32>
    %dot_general3A_5 = tpu.matmul %get3A_1, %get3A_4, %dot_general3A {dimension_numbers = #tpu.dot_dimension_numbers<[1], [0], [0], [1], [0, 0, 1, 1], [], []>, transpose_lhs_hint = false} : vector<6400x128xf32>, vector<128x128xf32>, vector<6400x128xf32> -> vector<6400x128xf32>
    %get3A_6 = arith.constant 0 : index
    %get3A_7 = arith.constant 0 : index
    %get3A_8 = vector.load %arg3[%get3A_6, %get3A_7] : memref<1x128xf32, #tpu.memory_space<vmem>>, vector<1x128xf32>
    %add3A = vector.broadcast %get3A_8 : vector<1x128xf32> to vector<6400x128xf32>
    %add3A_9 = arith.addf %dot_general3A_5, %add3A : vector<6400x128xf32>
    %slice3A = vector.extract_strided_slice %add3A_9 {offsets = [0, 0], sizes = [6400, 64], strides = [1, 1]} : vector<6400x128xf32> to vector<6400x64xf32>
    %bitcast_convert_type3A = tpu.bitcast %slice3A : vector<6400x64xf32> -> vector<6400x64xi32>
    %add3A_10 = arith.constant 32767 : i32
    %add3A_11 = vector.broadcast %add3A_10 : i32 to vector<6400x64xi32>
    %add3A_12 = arith.addi %bitcast_convert_type3A, %add3A_11 : vector<6400x64xi32>
    %shift_right_arithmetic3A = arith.constant 16 : i32
    %shift_right_arithmetic3A_13 = vector.broadcast %shift_right_arithmetic3A : i32 to vector<6400x64xi32>
    %shift_right_arithmetic3A_14 = arith.shrsi %bitcast_convert_type3A, %shift_right_arithmetic3A_13 : vector<6400x64xi32>
    %and3A = arith.constant 1 : i32
    %and3A_15 = vector.broadcast %and3A : i32 to vector<6400x64xi32>
    %and3A_16 = arith.andi %shift_right_arithmetic3A_14, %and3A_15 : vector<6400x64xi32>
    %add3A_17 = arith.addi %add3A_12, %and3A_16 : vector<6400x64xi32>
    %slice3A_18 = vector.extract_strided_slice %add3A_9 {offsets = [0, 64], sizes = [6400, 64], strides = [1, 1]} : vector<6400x128xf32> to vector<6400x64xf32>
    %bitcast_convert_type3A_19 = tpu.bitcast %slice3A_18 : vector<6400x64xf32> -> vector<6400x64xi32>
    %add3A_20 = arith.constant 32767 : i32
    %add3A_21 = vector.broadcast %add3A_20 : i32 to vector<6400x64xi32>
    %add3A_22 = arith.addi %bitcast_convert_type3A_19, %add3A_21 : vector<6400x64xi32>
    %shift_right_arithmetic3A_23 = arith.constant 16 : i32
    %shift_right_arithmetic3A_24 = vector.broadcast %shift_right_arithmetic3A_23 : i32 to vector<6400x64xi32>
    %shift_right_arithmetic3A_25 = arith.shrsi %bitcast_convert_type3A_19, %shift_right_arithmetic3A_24 : vector<6400x64xi32>
    %and3A_26 = arith.constant 1 : i32
    %and3A_27 = vector.broadcast %and3A_26 : i32 to vector<6400x64xi32>
    %and3A_28 = arith.andi %shift_right_arithmetic3A_25, %and3A_27 : vector<6400x64xi32>
    %add3A_29 = arith.addi %add3A_22, %and3A_28 : vector<6400x64xi32>
    %shift_right_arithmetic3A_30 = arith.constant 16 : i32
    %shift_right_arithmetic3A_31 = vector.broadcast %shift_right_arithmetic3A_30 : i32 to vector<6400x64xi32>
    %shift_right_arithmetic3A_32 = arith.shrsi %add3A_17, %shift_right_arithmetic3A_31 : vector<6400x64xi32>
    %and3A_33 = arith.constant 65535 : i32
    %and3A_34 = vector.broadcast %and3A_33 : i32 to vector<6400x64xi32>
    %and3A_35 = arith.andi %shift_right_arithmetic3A_32, %and3A_34 : vector<6400x64xi32>
    %and3A_36 = arith.constant -65536 : i32
    %and3A_37 = vector.broadcast %and3A_36 : i32 to vector<6400x64xi32>
    %and3A_38 = arith.andi %add3A_29, %and3A_37 : vector<6400x64xi32>
    %or3A = arith.ori %and3A_35, %and3A_38 : vector<6400x64xi32>
    %swap3A = arith.constant 0 : index
    %swap3A_39 = arith.constant 0 : index
    %swap3A_40 = vector.load %arg4[%swap3A, %swap3A_39] : memref<6400x64xi32, #tpu.memory_space<vmem>>, vector<6400x64xi32>
    tpu.vector_store %arg4[%swap3A, %swap3A_39], %or3A {strides = array<i32>} : memref<6400x64xi32, #tpu.memory_space<vmem>>, vector<6400x64xi32>,
    return
  }
  func.func @transform_0(%arg0: i32) -> (i32, i32) {
    %add3A = arith.constant 0 : i32
    %add3A_0 = arith.addi %arg0, %add3A : i32
    %c0_i32 = arith.constant 0 : i32
    %c0_i32_1 = arith.constant 0 : i32
    return %add3A_0, %c0_i32 : i32, i32
  }
  func.func @transform_1(%arg0: i32) -> (i32, i32) {
    %c0_i32 = arith.constant 0 : i32
    %c0_i32_0 = arith.constant 0 : i32
    %c0_i32_1 = arith.constant 0 : i32
    return %c0_i32, %c0_i32_0 : i32, i32
  }
  func.func @transform_2(%arg0: i32) -> (i32, i32) {
    %c0_i32 = arith.constant 0 : i32
    %c0_i32_0 = arith.constant 0 : i32
    %c0_i32_1 = arith.constant 0 : i32
    return %c0_i32, %c0_i32_0 : i32, i32
  }
  func.func @transform_3(%arg0: i32) -> (i32, i32) {
    %c0_i32 = arith.constant 0 : i32
    %c0_i32_0 = arith.constant 0 : i32
    return %arg0, %c0_i32 : i32, i32
  }
}

module attributes {stable_mosaic.version = 14 : i64} {
  func.func @_mlp_body(%arg0: memref<10000x128xf32, #tpu.memory_space<vmem>>, %arg1: memref<2x10240x128xf32, #tpu.memory_space<vmem>>, %arg2: memref<128x128xf32, #tpu.memory_space<vmem>>, %arg3: memref<1x128xf32, #tpu.memory_space<vmem>>, %arg4: memref<1x128xf32, #tpu.memory_space<vmem>>, %arg5: memref<1x128xf32, #tpu.memory_space<vmem>>, %arg6: memref<128x128xf32, #tpu.memory_space<vmem>>, %arg7: memref<1x128xf32, #tpu.memory_space<vmem>>, %arg8: memref<1x1xf32, #tpu.memory_space<vmem>>, %arg9: memref<10000x128xf32, #tpu.memory_space<vmem>>) attributes {dimension_semantics = [], scalar_prefetch = 0 : i64, scratch_operands = 0 : i64, tpu.core_type = #tpu.core_type<tc>} {
    %get3A = arith.constant 0 : index
    %get3A_0 = arith.constant 0 : index
    %get3A_1 = vector.load %arg0[%get3A, %get3A_0] : memref<10000x128xf32, #tpu.memory_space<vmem>>, vector<10000x128xf32>
    %get3A_2 = arith.constant 0 : index
    %get3A_3 = arith.constant 0 : index
    %get3A_4 = arith.constant 0 : index
    %get3A_5 = vector.load %arg1[%get3A_2, %get3A_3, %get3A_4] : memref<2x10240x128xf32, #tpu.memory_space<vmem>>, vector<1x10000x128xf32>
    %get3A_6 = vector.shape_cast %get3A_5 : vector<1x10000x128xf32> to vector<10000x128xf32>
    %get3A_7 = arith.constant 1 : index
    %get3A_8 = arith.constant 0 : index
    %get3A_9 = arith.constant 0 : index
    %get3A_10 = vector.load %arg1[%get3A_7, %get3A_8, %get3A_9] : memref<2x10240x128xf32, #tpu.memory_space<vmem>>, vector<1x10000x128xf32>
    %get3A_11 = vector.shape_cast %get3A_10 : vector<1x10000x128xf32> to vector<10000x128xf32>
    %add3A = arith.addf %get3A_6, %get3A_11 : vector<10000x128xf32>
    %get3A_12 = arith.constant 0 : index
    %get3A_13 = arith.constant 0 : index
    %get3A_14 = vector.load %arg8[%get3A_12, %get3A_13] : memref<1x1xf32, #tpu.memory_space<vmem>>, vector<1x1xf32>
    %add3A_15 = arith.constant 1.000000e+00 : f32
    %add3A_16 = vector.broadcast %add3A_15 : f32 to vector<1x1xf32>
    %add3A_17 = arith.addf %add3A_16, %get3A_14 : vector<1x1xf32>
    %mul3A = vector.broadcast %add3A_17 : vector<1x1xf32> to vector<10000x128xf32>
    %mul3A_18 = arith.mulf %mul3A, %get3A_1 : vector<10000x128xf32>
    %add3A_19 = arith.addf %mul3A_18, %add3A : vector<10000x128xf32>
    %get3A_20 = arith.constant 0 : index
    %get3A_21 = arith.constant 0 : index
    %get3A_22 = vector.load %arg2[%get3A_20, %get3A_21] : memref<128x128xf32, #tpu.memory_space<vmem>>, vector<128x128xf32>
    %dot_general3A = arith.constant dense<0.000000e+00> : vector<10000x128xf32>
    %dot_general3A_23 = tpu.matmul %add3A_19, %get3A_22, %dot_general3A {dimension_numbers = #tpu.dot_dimension_numbers<[1], [0], [0], [1], [0, 0, 1, 1], [], []>, transpose_lhs_hint = false} : vector<10000x128xf32>, vector<128x128xf32>, vector<10000x128xf32> -> vector<10000x128xf32>
    %get3A_24 = arith.constant 0 : index
    %get3A_25 = arith.constant 0 : index
    %get3A_26 = vector.load %arg3[%get3A_24, %get3A_25] : memref<1x128xf32, #tpu.memory_space<vmem>>, vector<1x128xf32>
    %add3A_27 = vector.broadcast %get3A_26 : vector<1x128xf32> to vector<10000x128xf32>
    %add3A_28 = arith.addf %dot_general3A_23, %add3A_27 : vector<10000x128xf32>
    %reduce_sum3A = arith.constant dense<0.000000e+00> : vector<128xf32>
    %reduce_sum3A_29 = vector.multi_reduction <add>, %add3A_28, %reduce_sum3A [0] : vector<10000x128xf32> to vector<128xf32>
    %broadcast_in_dim3A = vector.shape_cast %reduce_sum3A_29 : vector<128xf32> to vector<1x128xf32>
    %div3A = arith.constant 1.000000e+04 : f32
    %div3A_30 = vector.broadcast %div3A : f32 to vector<1x128xf32>
    %div3A_31 = arith.divf %broadcast_in_dim3A, %div3A_30 : vector<1x128xf32>
    %sub3A = vector.broadcast %div3A_31 : vector<1x128xf32> to vector<10000x128xf32>
    %sub3A_32 = arith.subf %add3A_28, %sub3A : vector<10000x128xf32>
    %mul3A_33 = arith.mulf %sub3A_32, %sub3A_32 : vector<10000x128xf32>
    %reduce_sum3A_34 = arith.constant dense<0.000000e+00> : vector<128xf32>
    %reduce_sum3A_35 = vector.multi_reduction <add>, %mul3A_33, %reduce_sum3A_34 [0] : vector<10000x128xf32> to vector<128xf32>
    %broadcast_in_dim3A_36 = vector.shape_cast %reduce_sum3A_35 : vector<128xf32> to vector<1x128xf32>
    %div3A_37 = arith.constant 1.000000e+04 : f32
    %div3A_38 = vector.broadcast %div3A_37 : f32 to vector<1x128xf32>
    %div3A_39 = arith.divf %broadcast_in_dim3A_36, %div3A_38 : vector<1x128xf32>
    %add3A_40 = arith.constant 9.99999974E-6 : f32
    %add3A_41 = vector.broadcast %add3A_40 : f32 to vector<1x128xf32>
    %add3A_42 = arith.addf %div3A_39, %add3A_41 : vector<1x128xf32>
    %rsqrt3A = math.rsqrt %add3A_42 : vector<1x128xf32>
    %mul3A_43 = vector.broadcast %rsqrt3A : vector<1x128xf32> to vector<10000x128xf32>
    %mul3A_44 = arith.mulf %sub3A_32, %mul3A_43 : vector<10000x128xf32>
    %get3A_45 = arith.constant 0 : index
    %get3A_46 = arith.constant 0 : index
    %get3A_47 = vector.load %arg4[%get3A_45, %get3A_46] : memref<1x128xf32, #tpu.memory_space<vmem>>, vector<1x128xf32>
    %mul3A_48 = vector.broadcast %get3A_47 : vector<1x128xf32> to vector<10000x128xf32>
    %mul3A_49 = arith.mulf %mul3A_44, %mul3A_48 : vector<10000x128xf32>
    %get3A_50 = arith.constant 0 : index
    %get3A_51 = arith.constant 0 : index
    %get3A_52 = vector.load %arg5[%get3A_50, %get3A_51] : memref<1x128xf32, #tpu.memory_space<vmem>>, vector<1x128xf32>
    %add3A_53 = vector.broadcast %get3A_52 : vector<1x128xf32> to vector<10000x128xf32>
    %add3A_54 = arith.addf %mul3A_49, %add3A_53 : vector<10000x128xf32>
    %max3A = arith.constant 0.000000e+00 : f32
    %max3A_55 = vector.broadcast %max3A : f32 to vector<10000x128xf32>
    %max3A_56 = arith.maximumf %add3A_54, %max3A_55 : vector<10000x128xf32>
    %get3A_57 = arith.constant 0 : index
    %get3A_58 = arith.constant 0 : index
    %get3A_59 = vector.load %arg6[%get3A_57, %get3A_58] : memref<128x128xf32, #tpu.memory_space<vmem>>, vector<128x128xf32>
    %dot_general3A_60 = arith.constant dense<0.000000e+00> : vector<10000x128xf32>
    %dot_general3A_61 = tpu.matmul %max3A_56, %get3A_59, %dot_general3A_60 {dimension_numbers = #tpu.dot_dimension_numbers<[1], [0], [0], [1], [0, 0, 1, 1], [], []>, transpose_lhs_hint = false} : vector<10000x128xf32>, vector<128x128xf32>, vector<10000x128xf32> -> vector<10000x128xf32>
    %add3A_62 = arith.addf %get3A_1, %dot_general3A_61 : vector<10000x128xf32>
    %get3A_63 = arith.constant 0 : index
    %get3A_64 = arith.constant 0 : index
    %get3A_65 = vector.load %arg7[%get3A_63, %get3A_64] : memref<1x128xf32, #tpu.memory_space<vmem>>, vector<1x128xf32>
    %add3A_66 = vector.broadcast %get3A_65 : vector<1x128xf32> to vector<10000x128xf32>
    %add3A_67 = arith.addf %add3A_62, %add3A_66 : vector<10000x128xf32>
    %swap3A = arith.constant 0 : index
    %swap3A_68 = arith.constant 0 : index
    %swap3A_69 = vector.load %arg9[%swap3A, %swap3A_68] : memref<10000x128xf32, #tpu.memory_space<vmem>>, vector<10000x128xf32>
    tpu.vector_store %arg9[%swap3A, %swap3A_68], %add3A_67 {strides = array<i32>} : memref<10000x128xf32, #tpu.memory_space<vmem>>, vector<10000x128xf32>,
    return
  }
}

</mosaic_0001>

<sc_bundles>
// kernel: kernel.5.cloned.1.call-start
scs
__scs_entry_jumppad:
0x0: {  	(pc) =	sbr.rel $0x88, $3  }
0x1: {  	(tag) =	ssettag $0x0;
	lr =	simm.s32 $0x1  }
0x2: {  	[smem:$0x3F95] =	sst lr;
	_ =	strace $0xD0000000  }
0x3: {  	_ = 	snop  }
0x4: {  	_ = 	snop  }
0x5: {  	_ = 	snop  }
0x6: {  	_ = 	snop  }
0x7: {  	_ = 	snop  }
__scs_overlays_trampoline_lowered:
0x8: {  	[smem:$0x3FA4] =	sst s0  }
0x9: {  	[smem:$0x3FA5] =	sst s1  }
0xa: {  	[smem:$0x3FA6] =	sst s2  }
0xb: {  	[smem:$0x3FA7] =	sst s3  }
0xc: {  	[smem:$0x3FA8] =	sst s4  }
0xd: {  	[smem:$0x3FA9] =	sst s5  }
0xe: {  	[smem:$0x3FAA] =	sst s6  }
0xf: {  	[smem:$0x3FAB] =	sst s7  }
0x10: {  	[smem:$0x3FAC] =	sst s8  }
0x11: {  	[smem:$0x3FAD] =	sst s9;
	s0 =	simm.s32 @!p0 $0x0  }
0x12: {  	s1 =	sld [smem:$0x3F93];
	s0 =	simm.s32 @p0 $0x1  }
0x13: {  	[smem:$0x3FAE] =	sst s0;
	s0 =	simm.s32 @!p1 $0x0  }
0x14: {  	s2 =	sld [smem:$0x3F92];
	s0 =	simm.s32 @p1 $0x1  }
0x15: {  	[smem:$0x3FAF] =	sst s0;
	s0 =	simm.s32 @!p2 $0x0  }
0x16: {  	s3 =	sld [smem:$0x3FDB];
	s0 =	simm.s32 @p2 $0x1  }
0x17: {  	s4 =	simm.s32 $0x1BF5;
	[smem:$0x3FB1] =	sst s0  }
0x18: {  	s0 =	sld [smem:$0x3F94];
	_ =	swait.ge [sflag:s4], $0x0  }
0x19: {  	s7 =	sld [smem:$0x3F95]  }
0x1a: {  	s8 =	sadd.s32 $0xFFFFE003, lr  }
0x1b: {  	s9 =	sadd.s32 $0xFFFFFEF7, lr;
	s5 =	simm.s32 $0xFFFFFFFF;
	p2 =	slt.u32 s8, $0xFFFFF086  }
0x1c: {  	p1 =	slt.u32 s9, $0xF7A;
	s5 =	simm.s32 @!p2 $0x0  }
0x1d: {  	s5 =	simm.s32 @p1 $0x1;
	p0 =	seq.s32 s7, s2  }
0x1e: {  	s7 =	smul.u32 @!p0 $0xF7A, s2;
	p2 =	seq.s32 @!p0 s5, $0x0  }
0x1f: {  	s9 =	smul.u32 $0xF7A, s1;
	s8 =	simm.s32 @!p0 $0x1BF5;
	p2 =	por !p2, p0  }
0x20: {  	[sflag:s8] =	ssyncset.s32 @!p0 $0xFFFFF086;
	s6 =	sadd.s32 @!p0 s3, s7;
	s7 =	simm.s32 @!p0 $0x108  }
0x21: {  	s3 =	sadd.s32 s3, s9;
	s6 =	sadd.s32 @!p0 $0x88, s6;
	s7 =	simm.s32 @p2 $0x1082  }
0x22: {  	[simem:s7], [sflag:s8] =	dma.local @!p0 [hbm:s6], $0xF7A  }
0x23: {  	s9 =	sor.u32 $0xD0000000, s2;
	s6 =	simm.s32 $0x108;
	_ =	swait.ge @!p0 [sflag:s8], $0x0  }
0x24: {  	s3 =	sadd.s32 $0x88, s3;
	s6 =	simm.s32 @!p1 $0x1082;
	[sflag:s4] =	ssyncset.s32 $0xFFFFF086  }
0x25: {  	[simem:s6], [sflag:s4] =	dma.local [hbm:s3], $0xF7A  }
0x26: {  	[smem:$0x3F95] =	sst s1;
	(tag) =	ssettag s2;
	_ =	strace s9  }
0x27: {  	s1 =	sld [smem:$0x3FA5]  }
0x28: {  	s2 =	sld [smem:$0x3FA6]  }
0x29: {  	s4 =	sld [smem:$0x3FA8]  }
0x2a: {  	p0 =	seq.s32 s5, $0x0;
	s5 =	sld [smem:$0x3FA9]  }
0x2b: {  	s6 =	sld [smem:$0x3FAA]  }
0x2c: {  	s7 =	sld [smem:$0x3FAB]  }
0x2d: {  	s3 =	simm.s32 $0x108;
	s8 =	sld [smem:$0x3FAC]  }
0x2e: {  	s3 =	simm.s32 @!p0 $0x1082;
	s9 =	sld [smem:$0x3FAD]  }
0x2f: {  	lr =	sadd.s32 s0, s3;
	s0 =	sld [smem:$0x3FA4]  }
0x30: {  	s3 =	sld [smem:$0x3FA7]  }
0x31: {  	[smem:$0x3FB0] =	sst s10  }
0x32: {  	s10 =	sld [smem:$0x3FAE];
	_ =	sdelay $0x3  }
0x33: {  	p0 =	seq.s32 s10, $0x1;
	s10 =	sld [smem:$0x3FB0];
	_ =	sdelay $0x3  }
0x34: {  	[smem:$0x3FB0] =	sst s10  }
0x35: {  	s10 =	sld [smem:$0x3FAF];
	_ =	sdelay $0x3  }
0x36: {  	p1 =	seq.s32 s10, $0x1;
	s10 =	sld [smem:$0x3FB0];
	_ =	sdelay $0x3  }
0x37: {  	[smem:$0x3FB0] =	sst s10  }
0x38: {  	s10 =	sld [smem:$0x3FB1]  }
0x39: {  	_ = 	snop;
	(pc) =	sbr.ind lr, $3  }
0x3a: {  	_ = 	snop  }
0x3b: {  	_ = 	snop  }
0x3c: {  	p2 =	seq.s32 s10, $0x1;
	s10 =	sld [smem:$0x3FB0]  }
0x3d: {  	_ =	shalt  }
0x3e: {  	_ =	shalt  }
0x3f: {  	_ =	shalt  }
0x40: {  	_ =	shalt  }
0x41: {  	_ =	shalt  }
0x42: {  	_ =	shalt  }
0x43: {  	_ =	shalt  }
0x44: {  	_ =	shalt  }
0x45: {  	_ =	shalt  }
0x46: {  	_ =	shalt  }
0x47: {  	_ =	shalt  }
0x48: {  	_ =	shalt  }
0x49: {  	_ =	shalt  }
0x4a: {  	_ =	shalt  }
0x4b: {  	_ =	shalt  }
0x4c: {  	_ =	shalt  }
0x4d: {  	_ =	shalt  }
0x4e: {  	_ =	shalt  }
0x4f: {  	_ =	shalt  }
0x50: {  	_ =	shalt  }
0x51: {  	_ =	shalt  }
0x52: {  	_ =	shalt  }
0x53: {  	_ =	shalt  }
0x54: {  	_ =	shalt  }
0x55: {  	_ =	shalt  }
0x56: {  	_ =	shalt  }
0x57: {  	_ =	shalt  }
0x58: {  	_ =	shalt  }
0x59: {  	_ =	shalt  }
0x5a: {  	_ =	shalt  }
0x5b: {  	_ =	shalt  }
0x5c: {  	_ =	shalt  }
0x5d: {  	_ =	shalt  }
0x5e: {  	_ =	shalt  }
0x5f: {  	_ =	shalt  }
0x60: {  	_ =	shalt  }
0x61: {  	_ =	shalt  }
0x62: {  	_ =	shalt  }
0x63: {  	_ =	shalt  }
0x64: {  	_ =	shalt  }
0x65: {  	_ =	shalt  }
0x66: {  	_ =	shalt  }
0x67: {  	_ =	shalt  }
0x68: {  	_ =	shalt  }
0x69: {  	_ =	shalt  }
0x6a: {  	_ =	shalt  }
0x6b: {  	_ =	shalt  }
0x6c: {  	_ =	shalt  }
0x6d: {  	_ =	shalt  }
0x6e: {  	_ =	shalt  }
0x6f: {  	_ =	shalt  }
0x70: {  	_ =	shalt  }
0x71: {  	_ =	shalt  }
0x72: {  	_ =	shalt  }
0x73: {  	_ =	shalt  }
0x74: {  	_ =	shalt  }
0x75: {  	_ =	shalt  }
0x76: {  	_ =	shalt  }
0x77: {  	_ =	shalt  }
0x78: {  	_ =	shalt  }
0x79: {  	_ =	shalt  }
0x7a: {  	_ =	shalt  }
0x7b: {  	_ =	shalt  }
0x7c: {  	_ =	shalt  }
0x7d: {  	_ =	shalt  }
0x7e: {  	_ =	shalt  }
0x7f: {  	_ =	shalt  }
0x80: {  	_ =	shalt  }
0x81: {  	_ =	shalt  }
0x82: {  	_ =	shalt  }
0x83: {  	_ =	shalt  }
0x84: {  	_ =	shalt  }
0x85: {  	_ =	shalt  }
0x86: {  	_ =	shalt  }
0x87: {  	_ =	shalt  }
.Lfunc_end0:
.L_simem_size_0:
called_computation_lowered:
.L_overlay_start_0:
0x88: {  	s2 =	sld [smem:$0x3FD9]  }
0x89: {  	s3 =	sld [smem:$0x3FFE];
	_ =	sdelay $0x1  }
0x8a: {  	s1 =	srdreg.scid  }
0x8b: {  	s0 =	sand.u32 $0x1, s1  }
0x8c: {  	s14 =	sshll.u32 s0, $0xA;
	s2 =	sadd.s32 s3, s2  }
0x8d: {  	s2 =	sadd.s32 s2, s14  }
0x8e: {  	[smem:$0x3FBC] =	sst s2  }
0x8f: {  	_ = 	snop  }
0x90: {  	s2 =	sld [smem:$0x3FD0];
	_ =	sdelay $0x2  }
0x91: {  	s4 =	simm.s32 $0xA;
	s5 =	simm.s32 $0x10;
	s15 =	sld [smem:$0x3FC9]  }
0x92: {  	[smem:s5], [sflag:s4] =	dma.local [hbm:s2], $0x1  }
0x93: {  	_ =	swait.eq [sflag:s4], $0x1  }
0x94: {  	[sflag:s4] =	ssyncset.done $0x0  }
0x95: {  	s16 =	sld [smem:$0x10];
	[sflag:s4] =	ssyncadd.s32 $0xFFFFFFFF  }
0x96: {  	s17 =	sld [smem:$0x11];
	(tm) =	ssettm $0x1  }
0x97: {  	s18 =	sld [smem:$0x3FFB];
	_ =	sdelay $0x3  }
0x98: {  	_ =	strace s18  }
0x99: {  	s5 =	sld [smem:$0x3FFC];
	_ =	sdelay $0x3  }
0x9a: {  	_ =	strace s5  }
0x9b: {  	s5 =	sld [smem:$0x3FFD];
	_ =	sdelay $0x3  }
0x9c: {  	_ =	strace s5  }
0x9d: {  	_ =	strace $0x8FFFFFFF  }
0x9e: {  	s19 =	sld [smem:$0x3FDB];
	_ =	sdelay $0x1  }
0x9f: {  	s6 =	simm.s32 $_scs_section_size  }
0xa0: {  	s7 =	simm.s32 $_size__tile_overlayer_lowered;
	s8 =	simm.s32 $_tile_overlayer_lowered  }
0xa1: {  	s22 =	simm.s32 $0x1BFF;
	s21 =	sshll.u32 s8, $0x1;
	s5 =	sadd.s32 s6, s19  }
0xa2: {  	s9 =	simm.s32 $0x0;
	s20 =	sshll.u32 s7, $0x1;
	s7 =	sadd.s32 s21, s5  }
0xa3: {  	[timem:s9], [sflag:s22] =	dma.local [hbm:s7], s20  }
0xa4: {  	_ =	swait.ge [sflag:s22], s20  }
0xa5: {  	s6 =	ssub.s32 $0x0, s20;
	[sflag:s22] =	ssyncset.done $0x0  }
0xa6: {  	[sflag:s22] =	ssyncadd.s32 s6;
	_ =	sdelay $0x1  }
0xa7: {  	s23 =	simm.s32 $0x1B8B  }
0xa8: {  	_ =	swait.ge [sflag:s23], $0x1  }
0xa9: {  	[sflag:s23] =	ssyncset.done $0x0  }
0xaa: {  	s25 =	simm.s32 $0x1B8E;
	s24 =	sld [smem:$0x3FFE];
	[sflag:s23] =	ssyncadd.s32 $0xFFFFFFFF  }
0xab: {  	s26 =	simm.s32 $execute0_lowered;
	[smem:$0x3FD2] =	sst s25  }
0xac: {  	s7 =	sshll.u32 s26, $0x1;
	_ =	strace $0x80000046;
	[dreg:$0x1] =	wrdreg $0xFFFFFFFF  }
0xad: {  	s28 =	simm.s32 $_size_execute0_lowered;
	s5 =	sadd.s32 s5, s7;
	[dreg:$0x0] =	wrdreg $0x0  }
0xae: {  	s7 =	sshll.u32 s28, $0x1;
	[dreg:$0x2] =	wrdreg s5  }
0xaf: {  	[dreg:$0x3] =	wrdreg s7  }
0xb0: {  	[dreg:$0x4] =	wrdreg $0xC0  }
0xb1: {  	_ =	task [dreg:s9], $0x5FFFF  }
0xb2: {  	[dreg:$0x1] =	wrdreg $0xFFFFFFFF  }
0xb3: {  	[dreg:$0x0] =	wrdreg $0x60  }
0xb4: {  	[dreg:$0x2] =	wrdreg s15  }
0xb5: {  	[dreg:$0x3] =	wrdreg s17  }
0xb6: {  	[dreg:$0x4] =	wrdreg s24  }
0xb7: {  	[dreg:$0x5] =	wrdreg s16  }
0xb8: {  	[dreg:$0x6] =	wrdreg $0x7A000  }
0xb9: {  	[dreg:$0x7] =	wrdreg $0x9  }
0xba: {  	_ =	task.clear_ibuf [dreg:s9], $0x8FFFF;
	_ =	strace $0x90000046  }
0xbb: {  	s29 =	simm.s32 $0x9;
	_ =	strace $0x80000048  }
0xbc: {  	_ =	swait.ge [sflag:s29], $0x1  }
0xbd: {  	[sflag:s29] =	ssyncadd.s32 $0xFFFFFFFF  }
0xbe: {  	_ =	strace $0x90000048  }
0xbf: {  	_ =	sfence  }
0xc0: {  	s30 =	sld [smem:$0x0];
	_ =	sdelay $0x2  }
0xc1: {  	s31 =	sshll.u32 s1, $0xD;
	s1 =	sshrl.u32 s1, $0x2  }
0xc2: {  	s3 =	sand.u32 $0x4000, s31;
	s1 =	sadd.s32 s1, s30  }
0xc3: {  	s0 =	sor.u32 s3, s0;
	s1 =	sshll.u32 s1, $0x11  }
0xc4: {  	s0 =	sor.u32 s1, s0  }
0xc5: {  	s0 =	sadd.s32 $0x8F2B, s0  }
0xc6: {  	[sflag:s0] =	ssyncadd.remote.s32 $0x1  }
0xc7: {  	_ =	sfence.sel $0xFFFF  }
0xc8: {  	[dreg:$0x0] =	wrdreg $0xFFFFFFFF;
	(pc) =	sbr.abs _section_cstart, $3  }
0xc9: {  	[dreg:$0x1] =	wrdreg $0xFFFFFFFF  }
0xca: {  	_ =	task.clear_ibuf [dreg:s9], $0x2FFFF;
	_ =	strace $0x9FFFFFFF  }
0xcb: {  	(tm) =	ssettm $0x7FFFFFFF  }
tec
execute0_lowered:
.L_overlay_start_1:
0x0: {  	(tag) =	ssettag $0x1  }
0x1: {  	s1 =	rddreg [dreg:$0x0]  }
0x2: {  	s2 =	rddreg [dreg:$0x1]  }
0x3: {  	s0 =	rddreg [dreg:$0x2]  }
0x4: {  	s3 =	rddreg [dreg:$0x3]  }
0x5: {  	s4 =	rddreg [dreg:$0x4];
	s5 =	srdreg.scid  }
0x6: {  	s7 =	simm.s32 $0x0;
	s11 =	stileid.u32;
	s5 =	sand.u32 $0x1, s5  }
0x7: {  	[smem:$0x7FF] =	sst s7;
	s8 =	smul.u32 $0x14000, s11;
	s7 =	sadd.s32 $0x1000, s0  }
0x8: {  	s6 =	smul.u32 $0x140000, s5;
	_ =	strace $0x80000047;
	s9 =	sshll.u32 s5, $0x4  }
0x9: {  	s5 =	ssub.s32 $0x2, s5;
	s9 =	sor.u32 s11, s9;
	s11 =	smul.u32 $0x50000, s11  }
0xa: {  	s10 =	sshrl.u32 s5, $0x1;
	s6 =	sadd.s32 s8, s6;
	s8 =	smul.u32 $0x2710, s9  }
0xb: {  	s5 =	ssub.s32 s5, s10;
	s23 =	smul.u32 $0x27100, s9;
	s6 =	sshrl.u32 s6, $0x3  }
0xc: {  	s31 =	sshrl.u32 s11, $0x2;
	s11 =	smax.u32 s5, $0x1;
	s0 =	sadd.s32 s6, s0  }
0xd: {  	s24 =	sshrl.u32 s8, $0x3;
	s6 =	sadd.s32 s2, s23;
	[dreg:$0xd] =	wrdreg s11  }
0xe: {  	s12 =	sadd.s32 s7, s24;
	[dreg:$0x8] =	wrdreg s6  }
0xf: {  	s9 =	sadd.s32 $0x28, s8;
	s10 =	sadd.s32 s3, s24;
	[dreg:$0x6] =	wrdreg s12  }
0x10: {  	s25 =	sshrl.u32 s9, $0x3;
	s0 =	sadd.s32 $0xAE00, s0;
	[dreg:$0x7] =	wrdreg s10  }
0x11: {  	s26 =	sadd.s32 s7, s25;
	[dreg:$0xc] =	wrdreg s0  }
0x12: {  	s10 =	sadd.s32 s3, s25;
	[dreg:$0x9] =	wrdreg s26  }
0x13: {  	[dreg:$0xa] =	wrdreg s10;
	s10 =	sadd.s32 s31, s4  }
0x14: {  	s12 =	sadd.s32 $0x1400, s10;
	[dreg:$0xb] =	wrdreg s10  }
0x15: {  	s13 =	sadd.s32 $0x2800, s10;
	[dreg:$0xe] =	wrdreg s12  }
0x16: {  	s14 =	sadd.s32 $0x3C00, s10;
	[dreg:$0xf] =	wrdreg s13  }
0x17: {  	s16 =	sadd.s32 $0x5000, s10;
	[dreg:$0x10] =	wrdreg s14  }
0x18: {  	s17 =	sadd.s32 $0x6400, s10;
	[dreg:$0x11] =	wrdreg s16  }
0x19: {  	s18 =	sadd.s32 $0x7800, s10;
	[dreg:$0x12] =	wrdreg s17  }
0x1a: {  	s19 =	sadd.s32 $0x8C00, s10;
	[dreg:$0x13] =	wrdreg s18  }
0x1b: {  	s20 =	sadd.s32 $0xA000, s10;
	[dreg:$0x14] =	wrdreg s19  }
0x1c: {  	s21 =	sadd.s32 $0xB400, s10;
	[dreg:$0x15] =	wrdreg s20  }
0x1d: {  	s22 =	sadd.s32 $0xC800, s10;
	[dreg:$0x16] =	wrdreg s21  }
0x1e: {  	s28 =	simm.s32 $0x4;
	s23 =	sadd.s32 $0xDC00, s10;
	[dreg:$0x17] =	wrdreg s22  }
0x1f: {  	s29 =	simm.s32 $0x8;
	s24 =	sadd.s32 $0xF000, s10;
	[dreg:$0x18] =	wrdreg s23  }
0x20: {  	s30 =	simm.s32 $0x6600;
	s25 =	sadd.s32 $0x10400, s10;
	[dreg:$0x19] =	wrdreg s24  }
0x21: {  	s15 =	sadd.s32 $0x78, s8;
	s26 =	sadd.s32 $0x11800, s10;
	[dreg:$0x1a] =	wrdreg s25  }
0x22: {  	s11 =	simm.s32 $0x5200;
	s31 =	sadd.s32 $0x12C00, s10;
	[dreg:$0x1b] =	wrdreg s26  }
0x23: {  	s6 =	simm.s32 $0x0;
	s0 =	simm.s32 $0xA;
	[dreg:$0x1c] =	wrdreg s31  }
0x24: {  	s12 =	simm.s32 $0xB;
	s13 =	simm.s32 $0x100;
	s17 =	simm.s32 $0x28  }
0x25: {  	s18 =	simm.s32 $0x80;
	s19 =	simm.s32 $0x180;
	s20 =	simm.s32 $0x6  }
0x26: {  	s21 =	simm.s32 $0x1600;
	s22 =	simm.s32 $0x3E00;
	s23 =	simm.s32 $0x1  }
0x27: {  	v0 =	vimm.f32 $0.0e+00;
	s24 =	simm.s32 $0x3;
	s25 =	simm.s32 $0x7;
	s26 =	simm.s32 $0x2  }
.LBB2_1:
0x28: {  	[dreg:$0x1d] =	wrdreg s6;
	s5 =	simm.s32 $0x0;
	s6 =	simm.s32 $0x200  }
.LBB2_2:
0x29: {  	p0 =	sne.s32 s6, $0x4E00;
	[tilespmem:s5+$0x5270] =	vst v0  }
0x2a: {  	[tilespmem:s5+$0x5200] =	vst v0  }
0x2b: {  	[tilespmem:s5+$0x5210] =	vst v0  }
.Ltmp0:
0x2c: {  	[tilespmem:s5+$0x5220] =	vst v0;
	(pc) =	sbr.rel @p0 .LBB2_2-.Ltmp0, $4  }
0x2d: {  	[tilespmem:s5+$0x5230] =	vst v0  }
0x2e: {  	[tilespmem:s5+$0x5240] =	vst v0  }
0x2f: {  	[tilespmem:s5+$0x5250] =	vst v0  }
0x30: {  	[tilespmem:s5+$0x5260] =	vst v0;
	s5 =	sshra.s32 s6, $0x2;
	s6 =	sadd.s32 $0x200, s6  }
0x31: {  	[tilespmem:s5+$0x5270] =	vst v0  }
0x32: {  	[tilespmem:s5+$0x5200] =	vst v0  }
0x33: {  	[tilespmem:s5+$0x5210] =	vst v0  }
0x34: {  	[tilespmem:s5+$0x5220] =	vst v0  }
0x35: {  	[tilespmem:s5+$0x5230] =	vst v0  }
0x36: {  	[tilespmem:s5+$0x5240] =	vst v0  }
0x37: {  	[tilespmem:s5+$0x5250] =	vst v0  }
0x38: {  	[tilespmem:s5+$0x5260] =	vst v0  }
0x39: {  	[spmem:s10] =	stream.linear.scatter [tilespmem:s11], [sflag:$0xB], $0x1400, $0x38;
	[tilespmem:$0x1BA00] =	vst v63  }
0x3a: {  	_ =	swait.ge [sflag:s12], $0x1400  }
0x3b: {  	[sflag:s12] =	ssyncset.done $0x0  }
0x3c: {  	s14 =	rddreg [dreg:$0xe];
	[sflag:s12] =	ssyncadd.s32 $0xFFFFEC00  }
0x3d: {  	[spmem:s14] =	stream.linear.scatter [tilespmem:s11], [sflag:$0xB], $0x1400, $0x38;
	[tilespmem:$0x1BA00] =	vst v63  }
0x3e: {  	_ =	swait.ge [sflag:s12], $0x1400  }
0x3f: {  	[sflag:s12] =	ssyncset.done $0x0  }
0x40: {  	s16 =	rddreg [dreg:$0xf];
	[sflag:s12] =	ssyncadd.s32 $0xFFFFEC00  }
0x41: {  	[spmem:s16] =	stream.linear.scatter [tilespmem:s11], [sflag:$0xB], $0x1400, $0x38;
	[tilespmem:$0x1BA00] =	vst v63  }
0x42: {  	_ =	swait.ge [sflag:s12], $0x1400  }
0x43: {  	[sflag:s12] =	ssyncset.done $0x0  }
0x44: {  	s31 =	rddreg [dreg:$0x10];
	[sflag:s12] =	ssyncadd.s32 $0xFFFFEC00  }
0x45: {  	[spmem:s31] =	stream.linear.scatter [tilespmem:s11], [sflag:$0xB], $0x1400, $0x38;
	[tilespmem:$0x1BA00] =	vst v63  }
0x46: {  	_ =	swait.ge [sflag:s12], $0x1400  }
0x47: {  	[sflag:s12] =	ssyncset.done $0x0  }
0x48: {  	s6 =	rddreg [dreg:$0x11];
	[sflag:s12] =	ssyncadd.s32 $0xFFFFEC00  }
0x49: {  	[spmem:s6] =	stream.linear.scatter [tilespmem:s11], [sflag:$0xB], $0x1400, $0x38;
	[tilespmem:$0x1BA00] =	vst v63  }
0x4a: {  	_ =	swait.ge [sflag:s12], $0x1400  }
0x4b: {  	[sflag:s12] =	ssyncset.done $0x0  }
0x4c: {  	s10 =	rddreg [dreg:$0x12];
	[sflag:s12] =	ssyncadd.s32 $0xFFFFEC00  }
0x4d: {  	[spmem:s10] =	stream.linear.scatter [tilespmem:s11], [sflag:$0xB], $0x1400, $0x38;
	[tilespmem:$0x1BA00] =	vst v63  }
0x4e: {  	_ =	swait.ge [sflag:s12], $0x1400  }
0x4f: {  	[sflag:s12] =	ssyncset.done $0x0  }
0x50: {  	s14 =	rddreg [dreg:$0x13];
	[sflag:s12] =	ssyncadd.s32 $0xFFFFEC00  }
0x51: {  	[spmem:s14] =	stream.linear.scatter [tilespmem:s11], [sflag:$0xB], $0x1400, $0x38;
	[tilespmem:$0x1BA00] =	vst v63  }
0x52: {  	_ =	swait.ge [sflag:s12], $0x1400  }
0x53: {  	[sflag:s12] =	ssyncset.done $0x0  }
0x54: {  	s16 =	rddreg [dreg:$0x14];
	[sflag:s12] =	ssyncadd.s32 $0xFFFFEC00  }
0x55: {  	[spmem:s16] =	stream.linear.scatter [tilespmem:s11], [sflag:$0xB], $0x1400, $0x38;
	[tilespmem:$0x1BA00] =	vst v63  }
0x56: {  	_ =	swait.ge [sflag:s12], $0x1400  }
0x57: {  	[sflag:s12] =	ssyncset.done $0x0  }
0x58: {  	s31 =	rddreg [dreg:$0x15];
	[sflag:s12] =	ssyncadd.s32 $0xFFFFEC00  }
0x59: {  	[spmem:s31] =	stream.linear.scatter [tilespmem:s11], [sflag:$0xB], $0x1400, $0x38;
	[tilespmem:$0x1BA00] =	vst v63  }
0x5a: {  	_ =	swait.ge [sflag:s12], $0x1400  }
0x5b: {  	[sflag:s12] =	ssyncset.done $0x0  }
0x5c: {  	s6 =	rddreg [dreg:$0x16];
	[sflag:s12] =	ssyncadd.s32 $0xFFFFEC00  }
0x5d: {  	[spmem:s6] =	stream.linear.scatter [tilespmem:s11], [sflag:$0xB], $0x1400, $0x38;
	[tilespmem:$0x1BA00] =	vst v63  }
0x5e: {  	_ =	swait.ge [sflag:s12], $0x1400  }
0x5f: {  	[sflag:s12] =	ssyncset.done $0x0  }
0x60: {  	s10 =	rddreg [dreg:$0x17];
	[sflag:s12] =	ssyncadd.s32 $0xFFFFEC00  }
0x61: {  	[spmem:s10] =	stream.linear.scatter [tilespmem:s11], [sflag:$0xB], $0x1400, $0x38;
	[tilespmem:$0x1BA00] =	vst v63  }
0x62: {  	_ =	swait.ge [sflag:s12], $0x1400  }
0x63: {  	[sflag:s12] =	ssyncset.done $0x0  }
0x64: {  	s14 =	rddreg [dreg:$0x18];
	[sflag:s12] =	ssyncadd.s32 $0xFFFFEC00  }
0x65: {  	[spmem:s14] =	stream.linear.scatter [tilespmem:s11], [sflag:$0xB], $0x1400, $0x38;
	[tilespmem:$0x1BA00] =	vst v63  }
0x66: {  	_ =	swait.ge [sflag:s12], $0x1400  }
0x67: {  	[sflag:s12] =	ssyncset.done $0x0  }
0x68: {  	s16 =	rddreg [dreg:$0x19];
	[sflag:s12] =	ssyncadd.s32 $0xFFFFEC00  }
0x69: {  	[spmem:s16] =	stream.linear.scatter [tilespmem:s11], [sflag:$0xB], $0x1400, $0x38;
	[tilespmem:$0x1BA00] =	vst v63  }
0x6a: {  	_ =	swait.ge [sflag:s12], $0x1400  }
0x6b: {  	[sflag:s12] =	ssyncset.done $0x0  }
0x6c: {  	s31 =	rddreg [dreg:$0x1a];
	[sflag:s12] =	ssyncadd.s32 $0xFFFFEC00  }
0x6d: {  	[spmem:s31] =	stream.linear.scatter [tilespmem:s11], [sflag:$0xB], $0x1400, $0x38;
	[tilespmem:$0x1BA00] =	vst v63  }
0x6e: {  	_ =	swait.ge [sflag:s12], $0x1400  }
0x6f: {  	[sflag:s12] =	ssyncset.done $0x0  }
0x70: {  	s6 =	rddreg [dreg:$0x1b];
	[sflag:s12] =	ssyncadd.s32 $0xFFFFEC00  }
0x71: {  	[spmem:s6] =	stream.linear.scatter [tilespmem:s11], [sflag:$0xB], $0x1400, $0x38;
	[tilespmem:$0x1BA00] =	vst v63  }
0x72: {  	_ =	swait.ge [sflag:s12], $0x1400  }
0x73: {  	[sflag:s12] =	ssyncset.done $0x0  }
0x74: {  	s10 =	rddreg [dreg:$0x1c];
	[sflag:s12] =	ssyncadd.s32 $0xFFFFEC00  }
0x75: {  	[spmem:s10] =	stream.linear.scatter [tilespmem:s11], [sflag:$0xB], $0x1400, $0x38;
	[tilespmem:$0x1BA00] =	vst v63  }
0x76: {  	_ =	swait.ge [sflag:s12], $0x1400  }
0x77: {  	[sflag:s12] =	ssyncset.done $0x0  }
0x78: {  	[sflag:s12] =	ssyncadd.s32 $0xFFFFEC00  }
0x79: {  	[bflag:$0x0] =	sbarrier.arrive $0xFFFF  }
0x7a: {  	s10 =	simm.s32 $0x0;
	s14 =	rddreg [dreg:$0x6]  }
0x7b: {  	[tilespmem:s10], [sflag:$0x5] =	stream.linear.gather [hbm4b:s14+s10], $0x28, $0x38;
	[tilespmem:$0x1BA00] =	vst v63  }
0x7c: {  	s31 =	simm.s32 $0x5;
	s16 =	rddreg [dreg:$0x7]  }
0x7d: {  	[tilespmem:s13], [sflag:$0x7] =	stream.linear.gather [hbm4b:s16+s10], $0x28, $0x38;
	[tilespmem:$0x1BA00] =	vst v63  }
0x7e: {  	_ =	swait.ge [sflag:s31], $0x28  }
0x7f: {  	[sflag:s31] =	ssyncset.done $0x0  }
0x80: {  	s6 =	simm.s32 $0x200;
	[sflag:s31] =	ssyncadd.s32 $0xFFFFFFD8  }
0x81: {  	[tilespmem:s6], [sflag:$0x1] =	stream.indirect.gather [hbm4b:s1+s17], $0x80, s10, s17, $0xb8;
	[tilespmem:$0x1BA00] =	vst v63  }
0x82: {  	s14 =	rddreg [dreg:$0x8];
	s6 =	simm.s32 $0x2A00  }
0x83: {  	[tilespmem:s6], [sflag:$0x3] =	stream.linear.gather [hbm4b:s14+s10], $0x1400, $0x38;
	[tilespmem:$0x1BA00] =	vst v63  }
0x84: {  	s16 =	rddreg [dreg:$0x9]  }
0x85: {  	[tilespmem:s18], [sflag:$0x6] =	stream.linear.gather [hbm4b:s16+s10], $0x28, $0x38;
	[tilespmem:$0x1BA00] =	vst v63  }
0x86: {  	s31 =	rddreg [dreg:$0xa]  }
0x87: {  	[tilespmem:s19], [sflag:$0x8] =	stream.linear.gather [hbm4b:s31+s10], $0x28, $0x38;
	[tilespmem:$0x1BA00] =	vst v63  }
.LBB2_4:
0x88: {  	_ =	swait.ge [sflag:s20], $0x28;
	s14 =	smul.u32 $0x50, s10  }
0x89: {  	[sflag:s20] =	ssyncset.done $0x0  }
0x8a: {  	[sflag:s20] =	ssyncadd.s32 $0xFFFFFFD8;
	s5 =	sadd.s32 s14, s9  }
0x8b: {  	[tilespmem:s21], [sflag:$0x2] =	stream.indirect.gather [hbm4b:s1+s17], $0x80, s18, s17, $0xb8;
	[tilespmem:$0x1BA00] =	vst v63  }
0x8c: {  	s5 =	sshll.u32 s5, $0x4  }
0x8d: {  	s6 =	simm.s32 $0x0;
	p0 =	seq.s32 s10, $0x0;
	s5 =	sadd.s32 s2, s5  }
0x8e: {  	[tilespmem:s22], [sflag:$0x4] =	stream.linear.gather [hbm4b:s5+s6], $0x1400, $0x38;
	[tilespmem:$0x1BA00] =	vst v63  }
0x8f: {  	s5 =	simm.s32 @!p0 $0x9  }
0x90: {  	_ =	swait.ge @!p0 [sflag:s5], $0x1400  }
0x91: {  	[sflag:s5] =	ssyncset.done @!p0 $0x0  }
0x92: {  	s16 =	sshll.u32 s10, $0x1;
	[sflag:s5] =	ssyncadd.s32 @!p0 $0xFFFFEC00  }
0x93: {  	s5 =	sadd.s32 $0x2, s16;
	p0 =	seq.s32 s10, $0x7C;
	_ =	swait.ge [sflag:s23], $0x1400  }
0x94: {  	s5 =	smul.u32 @!p0 $0x28, s5;
	[sflag:s23] =	ssyncset.done $0x0  }
0x95: {  	[sflag:s23] =	ssyncadd.s32 $0xFFFFEC00  }
0x96: {  	s31 =	sadd.s32 @!p0 s8, s5;
	_ =	swait.ge [sflag:s24], $0x1400  }
0x97: {  	s5 =	sshrl.u32 @!p0 s31, $0x3;
	[sflag:s24] =	ssyncset.done $0x0  }
0x98: {  	s16 =	simm.s32 @!p0 $0x0;
	s6 =	sadd.s32 @!p0 s7, s5;
	[sflag:s24] =	ssyncadd.s32 $0xFFFFEC00  }
0x99: {  	[tilespmem:s16], [sflag:$0x5] =	stream.linear.gather @!p0 [hbm4b:s6+s16], $0x28, $0x38;
	[tilespmem:$0x1BA00] =	vst v63  }
0x9a: {  	s5 =	sadd.s32 @!p0 s3, s5;
	s6 =	simm.s32 @!p0 $0x100  }
0x9b: {  	[tilespmem:s6], [sflag:$0x7] =	stream.linear.gather @!p0 [hbm4b:s5+s16], $0x28, $0x38;
	[tilespmem:$0x1BA00] =	vst v63  }
0x9c: {  	s16 =	simm.s32 $0x0  }
0x9d: {  	v1 =	vld [tilespmem:s16+$0x2BB0]  }
0x9e: {  	v2 =	vld [tilespmem:s16+$0x3F0]  }
0x9f: {  	v4 =	vld [tilespmem:s16+$0x2A00]  }
0xa0: {  	v5 =	vld [tilespmem:s16+$0x2A10]  }
0xa1: {  	v6 =	vld [tilespmem:s16+$0x2A20]  }
0xa2: {  	v7 =	vld [tilespmem:s16+$0x2A30]  }
0xa3: {  	v8 =	vld [tilespmem:s16+$0x2A80]  }
0xa4: {  	v18 =	vld [tilespmem:s16+$0x240]  }
0xa5: {  	v19 =	vld [tilespmem:s16+$0x210]  }
0xa6: {  	v9 =	vld [tilespmem:s16+$0x2A90]  }
0xa7: {  	v20 =	vld [tilespmem:s16+$0x250]  }
0xa8: {  	v22 =	vld [tilespmem:s16+$0x220];
	v21 =	vshll.u32 v4, $0x10;
	v4 =	vand.u32 $0xFFFF0000, v4  }
0xa9: {  	v10 =	vld [tilespmem:s16+$0x2AA0];
	v24 =	vshll.u32 v5, $0x10;
	v4 =	vadd.f32 v4, v18  }
0xaa: {  	v50 =	vld [tilespmem:s16+$0x260];
	v52 =	vadd.f32 v24, v19  }
0xab: {  	v23 =	vld [tilespmem:s16+$0x230];
	v5 =	vand.u32 $0xFFFF0000, v5;
	v4 =	vmax.f32 v4, $0.0e+00  }
0xac: {  	v11 =	vld [tilespmem:s16+$0x2AB0];
	v55 =	vshll.u32 v6, $0x10;
	[tilespmem:s16+$0x5240] =	vst v4;
	v4 =	vadd.f32 v5, v20;
	v5 =	vmax.f32 v52, $0.0e+00  }
0xad: {  	v51 =	vld [tilespmem:s16+$0x270];
	[tilespmem:s16+$0x5210] =	vst v5;
	v5 =	vadd.f32 v55, v22  }
0xae: {  	v53 =	vld [tilespmem:s16+$0x280];
	v6 =	vand.u32 $0xFFFF0000, v6;
	v4 =	vmax.f32 v4, $0.0e+00  }
0xaf: {  	v12 =	vld [tilespmem:s16+$0x2B00];
	v57 =	vshll.u32 v7, $0x10;
	[tilespmem:s16+$0x5250] =	vst v4;
	v4 =	vadd.f32 v6, v50;
	v5 =	vmax.f32 v5, $0.0e+00  }
0xb0: {  	v54 =	vld [tilespmem:s16+$0x2C0];
	[tilespmem:s16+$0x5220] =	vst v5;
	v5 =	vadd.f32 v57, v23  }
0xb1: {  	v56 =	vld [tilespmem:s16+$0x290];
	v7 =	vand.u32 $0xFFFF0000, v7;
	v4 =	vmax.f32 v4, $0.0e+00  }
0xb2: {  	v13 =	vld [tilespmem:s16+$0x2B10];
	v59 =	vshll.u32 v8, $0x10;
	[tilespmem:s16+$0x5260] =	vst v4;
	v4 =	vadd.f32 v7, v51;
	v5 =	vmax.f32 v5, $0.0e+00  }
0xb3: {  	v6 =	vld [tilespmem:s16+$0x2D0];
	[tilespmem:s16+$0x5230] =	vst v5;
	v5 =	vadd.f32 v59, v53  }
0xb4: {  	v58 =	vld [tilespmem:s16+$0x2A0];
	v8 =	vand.u32 $0xFFFF0000, v8;
	v4 =	vmax.f32 v4, $0.0e+00  }
0xb5: {  	v14 =	vld [tilespmem:s16+$0x2B20];
	v61 =	vshll.u32 v9, $0x10;
	[tilespmem:s16+$0x5270] =	vst v4;
	v4 =	vadd.f32 v8, v54;
	v5 =	vmax.f32 v5, $0.0e+00  }
0xb6: {  	v7 =	vld [tilespmem:s16+$0x2E0];
	[tilespmem:s16+$0x5280] =	vst v5;
	v5 =	vadd.f32 v61, v56  }
0xb7: {  	v60 =	vld [tilespmem:s16+$0x2B0];
	v9 =	vand.u32 $0xFFFF0000, v9;
	v4 =	vmax.f32 v4, $0.0e+00  }
0xb8: {  	v15 =	vld [tilespmem:s16+$0x2B30];
	[tilespmem:s16+$0x52C0] =	vst v4;
	v4 =	vadd.f32 v9, v6;
	v5 =	vmax.f32 v5, $0.0e+00;
	v9 =	vshll.u32 v10, $0x10  }
0xb9: {  	v8 =	vld [tilespmem:s16+$0x2F0];
	[tilespmem:s16+$0x5290] =	vst v5;
	v5 =	vadd.f32 v9, v58  }
0xba: {  	v62 =	vld [tilespmem:s16+$0x300];
	v10 =	vand.u32 $0xFFFF0000, v10;
	v4 =	vmax.f32 v4, $0.0e+00  }
0xbb: {  	v16 =	vld [tilespmem:s16+$0x2B80];
	[tilespmem:s16+$0x52D0] =	vst v4;
	v4 =	vadd.f32 v10, v7;
	v5 =	vmax.f32 v5, $0.0e+00;
	v10 =	vshll.u32 v11, $0x10  }
0xbc: {  	v6 =	vld [tilespmem:s16+$0x340];
	[tilespmem:s16+$0x52A0] =	vst v5;
	v5 =	vadd.f32 v10, v60  }
0xbd: {  	v9 =	vld [tilespmem:s16+$0x310];
	v11 =	vand.u32 $0xFFFF0000, v11;
	v4 =	vmax.f32 v4, $0.0e+00  }
0xbe: {  	v17 =	vld [tilespmem:s16+$0x200];
	[tilespmem:s16+$0x52E0] =	vst v4;
	v4 =	vadd.f32 v11, v8;
	v5 =	vmax.f32 v5, $0.0e+00;
	v11 =	vshll.u32 v12, $0x10  }
0xbf: {  	v7 =	vld [tilespmem:s16+$0x350];
	[tilespmem:s16+$0x52B0] =	vst v5;
	v5 =	vadd.f32 v11, v62  }
0xc0: {  	v10 =	vld [tilespmem:s16+$0x320];
	v12 =	vand.u32 $0xFFFF0000, v12;
	v4 =	vmax.f32 v4, $0.0e+00  }
0xc1: {  	v8 =	vld [tilespmem:s16+$0x360];
	[tilespmem:s16+$0x52F0] =	vst v4;
	v4 =	vadd.f32 v12, v6;
	v5 =	vmax.f32 v5, $0.0e+00;
	v6 =	vshll.u32 v13, $0x10  }
0xc2: {  	v3 =	vand.u32 $0xFFFF0000, v1;
	v11 =	vld [tilespmem:s16+$0x330];
	[tilespmem:s16+$0x5300] =	vst v5;
	v5 =	vadd.f32 v6, v9  }
0xc3: {  	v2 =	vadd.f32 v3, v2;
	v12 =	vld [tilespmem:s16+$0x370];
	v6 =	vand.u32 $0xFFFF0000, v13;
	v4 =	vmax.f32 v4, $0.0e+00  }
0xc4: {  	v63 =	vld [tilespmem:s16+$0x380];
	[tilespmem:s16+$0x5340] =	vst v4;
	v4 =	vadd.f32 v6, v7;
	v5 =	vmax.f32 v5, $0.0e+00;
	v6 =	vshll.u32 v14, $0x10  }
0xc5: {  	v3 =	vld [tilespmem:s16+$0x2B90];
	v17 =	vadd.f32 v21, v17;
	v2 =	vmax.f32 v2, $0.0e+00;
	[tilespmem:s16+$0x5310] =	vst v5;
	v5 =	vadd.f32 v6, v10  }
0xc6: {  	[tilespmem:s16+$0x53F0] =	vst v2;
	v13 =	vld [tilespmem:s16+$0x3C0];
	v6 =	vand.u32 $0xFFFF0000, v14;
	v10 =	vand.u32 $0xFFFF0000, v15;
	v4 =	vmax.f32 v4, $0.0e+00  }
0xc7: {  	v2 =	vld [tilespmem:s16+$0x2BA0];
	[tilespmem:s16+$0x5350] =	vst v4;
	v4 =	vadd.f32 v6, v8;
	v5 =	vmax.f32 v5, $0.0e+00;
	v6 =	vshll.u32 v15, $0x10  }
0xc8: {  	v1 =	vshll.u32 v1, $0x10;
	v7 =	vld [tilespmem:s16+$0x390];
	v14 =	vadd.f32 v10, v12;
	[tilespmem:s16+$0x5320] =	vst v5;
	v5 =	vadd.f32 v6, v11  }
0xc9: {  	v17 =	vmax.f32 v17, $0.0e+00;
	v8 =	vld [tilespmem:s16+$0x3D0];
	v15 =	vand.u32 $0xFFFF0000, v16;
	v11 =	vshll.u32 v16, $0x10  }
0xca: {  	[tilespmem:s16+$0x5200] =	vst v17;
	v9 =	vld [tilespmem:s16+$0x3A0];
	v6 =	vshll.u32 v3, $0x10;
	v14 =	vmax.f32 v14, $0.0e+00;
	v12 =	vmax.f32 v5, $0.0e+00  }
0xcb: {  	v10 =	vld [tilespmem:s16+$0x3E0];
	v13 =	vadd.f32 v15, v13;
	v4 =	vmax.f32 v4, $0.0e+00;
	[tilespmem:s16+$0x5330] =	vst v12;
	v12 =	vadd.f32 v11, v63  }
0xcc: {  	s5 =	simm.s32 $0x200;
	s6 =	simm.s32 $0x1000;
	[tilespmem:s16+$0x5360] =	vst v4;
	v5 =	vand.u32 $0xFFFF0000, v3;
	v4 =	vshll.u32 v2, $0x10;
	v3 =	vand.u32 $0xFFFF0000, v2;
	v11 =	vld [tilespmem:s16+$0x3B0]  }
.LBB2_5:
0xcd: {  	p1 =	sne.s32 s6, $0x4800;
	v2 =	vld [tilespmem:s5+$0x2BB0];
	[tilespmem:s16+$0x5370] =	vst v14;
	v12 =	vmax.f32 v12, $0.0e+00;
	v6 =	vadd.f32 v6, v7  }
0xce: {  	v7 =	vld [tilespmem:s5+$0x3F0];
	[tilespmem:s16+$0x5380] =	vst v12;
	v12 =	vmax.f32 v13, $0.0e+00;
	v5 =	vadd.f32 v5, v8  }
0xcf: {  	v8 =	vld [tilespmem:s5+$0x2A00];
	[tilespmem:s16+$0x53C0] =	vst v12;
	v6 =	vmax.f32 v6, $0.0e+00;
	v4 =	vadd.f32 v4, v9  }
0xd0: {  	v9 =	vld [tilespmem:s5+$0x2A10];
	[tilespmem:s16+$0x5390] =	vst v6;
	v5 =	vmax.f32 v5, $0.0e+00;
	v3 =	vadd.f32 v3, v10  }
0xd1: {  	v6 =	vld [tilespmem:s5+$0x2A20];
	[tilespmem:s16+$0x53D0] =	vst v5;
	v4 =	vmax.f32 v4, $0.0e+00;
	v5 =	vadd.f32 v1, v11  }
0xd2: {  	v10 =	vld [tilespmem:s5+$0x2A30];
	v1 =	vshll.u32 v2, $0x10;
	v2 =	vand.u32 $0xFFFF0000, v2;
	[tilespmem:s16+$0x53A0] =	vst v4;
	v3 =	vmax.f32 v3, $0.0e+00  }
0xd3: {  	v4 =	vld [tilespmem:s5+$0x2A80];
	v2 =	vadd.f32 v2, v7;
	[tilespmem:s16+$0x53E0] =	vst v3;
	v3 =	vmax.f32 v5, $0.0e+00  }
0xd4: {  	v7 =	vshll.u32 v8, $0x10;
	v8 =	vand.u32 $0xFFFF0000, v8;
	v5 =	vld [tilespmem:s5+$0x2A90];
	[tilespmem:s16+$0x53B0] =	vst v3;
	s16 =	smov.u32 s5  }
0xd5: {  	v11 =	vshll.u32 v9, $0x10;
	v9 =	vand.u32 $0xFFFF0000, v9;
	v3 =	vld [tilespmem:s16+$0x2AA0];
	v2 =	vmax.f32 v2, $0.0e+00  }
0xd6: {  	v12 =	vshll.u32 v6, $0x10;
	v13 =	vand.u32 $0xFFFF0000, v6;
	v6 =	vld [tilespmem:s16+$0x2AB0];
	[tilespmem:s16+$0x53F0] =	vst v2  }
0xd7: {  	v14 =	vshll.u32 v10, $0x10;
	v10 =	vand.u32 $0xFFFF0000, v10;
	v2 =	vld [tilespmem:s16+$0x2B00]  }
0xd8: {  	v15 =	vshll.u32 v4, $0x10;
	v16 =	vand.u32 $0xFFFF0000, v4;
	v4 =	vld [tilespmem:s16+$0x2B10]  }
0xd9: {  	v17 =	vshll.u32 v5, $0x10;
	v18 =	vand.u32 $0xFFFF0000, v5;
	v5 =	vld [tilespmem:s16+$0x2B20]  }
0xda: {  	v19 =	vshll.u32 v3, $0x10;
	v20 =	vand.u32 $0xFFFF0000, v3;
	v3 =	vld [tilespmem:s16+$0x2B30]  }
0xdb: {  	v21 =	vshll.u32 v6, $0x10;
	v22 =	vand.u32 $0xFFFF0000, v6;
	v6 =	vld [tilespmem:s16+$0x2B80]  }
0xdc: {  	v23 =	vshll.u32 v2, $0x10;
	v24 =	vand.u32 $0xFFFF0000, v2;
	v25 =	vld [tilespmem:s16+$0x2B90]  }
0xdd: {  	v26 =	vshll.u32 v4, $0x10;
	v27 =	vand.u32 $0xFFFF0000, v4;
	v28 =	vld [tilespmem:s16+$0x2BA0]  }
0xde: {  	v29 =	vld [tilespmem:s16+$0x200];
	v30 =	vshll.u32 v5, $0x10;
	v31 =	vand.u32 $0xFFFF0000, v5  }
0xdf: {  	v32 =	vld [tilespmem:s16+$0x240];
	v33 =	vshll.u32 v3, $0x10;
	v34 =	vand.u32 $0xFFFF0000, v3  }
0xe0: {  	v35 =	vld [tilespmem:s16+$0x210];
	v36 =	vshll.u32 v6, $0x10;
	v2 =	vand.u32 $0xFFFF0000, v6  }
0xe1: {  	v37 =	vld [tilespmem:s16+$0x250];
	v6 =	vshll.u32 v25, $0x10;
	v5 =	vand.u32 $0xFFFF0000, v25  }
0xe2: {  	v25 =	vld [tilespmem:s16+$0x220];
	v4 =	vshll.u32 v28, $0x10;
	v3 =	vand.u32 $0xFFFF0000, v28  }
0xe3: {  	v7 =	vadd.f32 v7, v29;
	v28 =	vld [tilespmem:s16+$0x260]  }
0xe4: {  	v8 =	vadd.f32 v8, v32;
	v29 =	vld [tilespmem:s16+$0x230]  }
0xe5: {  	v7 =	vmax.f32 v7, $0.0e+00;
	v11 =	vadd.f32 v11, v35;
	v32 =	vld [tilespmem:s16+$0x270]  }
0xe6: {  	[tilespmem:s16+$0x5200] =	vst v7;
	v7 =	vmax.f32 v8, $0.0e+00;
	v8 =	vadd.f32 v9, v37;
	v9 =	vld [tilespmem:s16+$0x280]  }
0xe7: {  	[tilespmem:s16+$0x5240] =	vst v7;
	v7 =	vmax.f32 v11, $0.0e+00;
	v11 =	vadd.f32 v12, v25;
	v12 =	vld [tilespmem:s16+$0x2C0]  }
0xe8: {  	[tilespmem:s16+$0x5210] =	vst v7;
	v7 =	vmax.f32 v8, $0.0e+00;
	v8 =	vadd.f32 v13, v28;
	v13 =	vld [tilespmem:s16+$0x290]  }
0xe9: {  	[tilespmem:s16+$0x5250] =	vst v7;
	v7 =	vmax.f32 v11, $0.0e+00;
	v11 =	vadd.f32 v14, v29;
	v14 =	vld [tilespmem:s16+$0x2D0]  }
0xea: {  	[tilespmem:s16+$0x5220] =	vst v7;
	v7 =	vmax.f32 v8, $0.0e+00;
	v8 =	vadd.f32 v10, v32;
	v10 =	vld [tilespmem:s16+$0x2A0]  }
0xeb: {  	[tilespmem:s16+$0x5260] =	vst v7;
	v7 =	vmax.f32 v11, $0.0e+00;
	v9 =	vadd.f32 v15, v9;
	v11 =	vld [tilespmem:s16+$0x2E0]  }
0xec: {  	[tilespmem:s16+$0x5230] =	vst v7;
	v7 =	vmax.f32 v8, $0.0e+00;
	v8 =	vadd.f32 v16, v12;
	v12 =	vld [tilespmem:s16+$0x2B0]  }
0xed: {  	[tilespmem:s16+$0x5270] =	vst v7;
	v7 =	vmax.f32 v9, $0.0e+00;
	v9 =	vadd.f32 v17, v13;
	v13 =	vld [tilespmem:s16+$0x2F0]  }
0xee: {  	[tilespmem:s16+$0x5280] =	vst v7;
	v7 =	vmax.f32 v8, $0.0e+00;
	v8 =	vadd.f32 v18, v14;
	v14 =	vld [tilespmem:s16+$0x300]  }
0xef: {  	[tilespmem:s16+$0x52C0] =	vst v7;
	v7 =	vmax.f32 v9, $0.0e+00;
	v9 =	vadd.f32 v19, v10;
	v10 =	vld [tilespmem:s16+$0x340]  }
0xf0: {  	[tilespmem:s16+$0x5290] =	vst v7;
	v7 =	vmax.f32 v8, $0.0e+00;
	v8 =	vadd.f32 v20, v11;
	v11 =	vld [tilespmem:s16+$0x310]  }
0xf1: {  	[tilespmem:s16+$0x52D0] =	vst v7;
	v7 =	vmax.f32 v9, $0.0e+00;
	v9 =	vadd.f32 v21, v12;
	v12 =	vld [tilespmem:s16+$0x350]  }
0xf2: {  	[tilespmem:s16+$0x52A0] =	vst v7;
	v7 =	vmax.f32 v8, $0.0e+00;
	v8 =	vadd.f32 v22, v13;
	v13 =	vld [tilespmem:s16+$0x320]  }
0xf3: {  	[tilespmem:s16+$0x52E0] =	vst v7;
	v7 =	vmax.f32 v9, $0.0e+00;
	v9 =	vadd.f32 v23, v14;
	v14 =	vld [tilespmem:s16+$0x360]  }
0xf4: {  	[tilespmem:s16+$0x52B0] =	vst v7;
	v7 =	vmax.f32 v8, $0.0e+00;
	v8 =	vadd.f32 v24, v10;
	v10 =	vld [tilespmem:s16+$0x330]  }
0xf5: {  	[tilespmem:s16+$0x52F0] =	vst v7;
	v7 =	vmax.f32 v9, $0.0e+00;
	v9 =	vadd.f32 v26, v11;
	v11 =	vld [tilespmem:s16+$0x370]  }
0xf6: {  	[tilespmem:s16+$0x5300] =	vst v7;
	v7 =	vmax.f32 v8, $0.0e+00;
	v8 =	vadd.f32 v27, v12;
	v12 =	vld [tilespmem:s16+$0x380]  }
0xf7: {  	[tilespmem:s16+$0x5340] =	vst v7;
	v7 =	vmax.f32 v9, $0.0e+00;
	v9 =	vadd.f32 v30, v13;
	v13 =	vld [tilespmem:s16+$0x3C0]  }
.Ltmp1:
0xf8: {  	[tilespmem:s16+$0x5310] =	vst v7;
	v8 =	vmax.f32 v8, $0.0e+00;
	v14 =	vadd.f32 v31, v14;
	v7 =	vld [tilespmem:s16+$0x390];
	(pc) =	sbr.rel @p1 .LBB2_5-.Ltmp1, $4  }
0xf9: {  	[tilespmem:s16+$0x5350] =	vst v8;
	v9 =	vmax.f32 v9, $0.0e+00;
	v10 =	vadd.f32 v33, v10;
	v8 =	vld [tilespmem:s16+$0x3D0]  }
0xfa: {  	[tilespmem:s16+$0x5320] =	vst v9;
	v14 =	vmax.f32 v14, $0.0e+00;
	v11 =	vadd.f32 v34, v11;
	v9 =	vld [tilespmem:s16+$0x3A0]  }
0xfb: {  	[tilespmem:s16+$0x5360] =	vst v14;
	v14 =	vmax.f32 v10, $0.0e+00;
	v12 =	vadd.f32 v36, v12;
	v10 =	vld [tilespmem:s16+$0x3E0]  }
0xfc: {  	s5 =	sshra.s32 s6, $0x2;
	s6 =	sadd.s32 $0x800, s6;
	[tilespmem:s16+$0x5330] =	vst v14;
	v14 =	vmax.f32 v11, $0.0e+00;
	v13 =	vadd.f32 v2, v13;
	v11 =	vld [tilespmem:s16+$0x3B0]  }
0xfd: {  	v2 =	vld [tilespmem:s5+$0x2BB0];
	[tilespmem:s16+$0x5370] =	vst v14;
	v12 =	vmax.f32 v12, $0.0e+00;
	v6 =	vadd.f32 v6, v7  }
0xfe: {  	v14 =	vld [tilespmem:s5+$0x3F0];
	[tilespmem:s16+$0x5380] =	vst v12;
	v7 =	vmax.f32 v13, $0.0e+00;
	v5 =	vadd.f32 v5, v8  }
0xff: {  	v12 =	vld [tilespmem:s5+$0x2A00];
	[tilespmem:s16+$0x53C0] =	vst v7;
	v6 =	vmax.f32 v6, $0.0e+00;
	v4 =	vadd.f32 v4, v9  }
0x100: {  	v7 =	vld [tilespmem:s5+$0x2A10];
	[tilespmem:s16+$0x5390] =	vst v6;
	v5 =	vmax.f32 v5, $0.0e+00;
	v3 =	vadd.f32 v3, v10  }
0x101: {  	v6 =	vld [tilespmem:s5+$0x2A20];
	[tilespmem:s16+$0x53D0] =	vst v5;
	v4 =	vmax.f32 v4, $0.0e+00;
	v1 =	vadd.f32 v1, v11  }
0x102: {  	v5 =	vld [tilespmem:s5+$0x2A30];
	[tilespmem:s16+$0x53A0] =	vst v4;
	v3 =	vmax.f32 v3, $0.0e+00  }
0x103: {  	v4 =	vld [tilespmem:s5+$0x2A80];
	[tilespmem:s16+$0x53E0] =	vst v3;
	v1 =	vmax.f32 v1, $0.0e+00  }
0x104: {  	v8 =	vld [tilespmem:s5+$0x2A90];
	[tilespmem:s16+$0x53B0] =	vst v1  }
0x105: {  	v18 =	vld [tilespmem:s5+$0x240]  }
0x106: {  	v19 =	vld [tilespmem:s5+$0x210]  }
0x107: {  	v9 =	vld [tilespmem:s5+$0x2AA0]  }
0x108: {  	v20 =	vld [tilespmem:s5+$0x250]  }
0x109: {  	v21 =	vshll.u32 v12, $0x10;
	v12 =	vand.u32 $0xFFFF0000, v12;
	v22 =	vld [tilespmem:s5+$0x220]  }
0x10a: {  	v10 =	vld [tilespmem:s5+$0x2AB0];
	v24 =	vshll.u32 v7, $0x10;
	v12 =	vadd.f32 v12, v18  }
0x10b: {  	v28 =	vld [tilespmem:s5+$0x260];
	v30 =	vadd.f32 v24, v19  }
0x10c: {  	v23 =	vld [tilespmem:s5+$0x230];
	v7 =	vand.u32 $0xFFFF0000, v7;
	v12 =	vmax.f32 v12, $0.0e+00  }
0x10d: {  	v11 =	vld [tilespmem:s5+$0x2B00];
	v33 =	vshll.u32 v6, $0x10;
	v7 =	vadd.f32 v7, v20;
	[tilespmem:s5+$0x5240] =	vst v12;
	v12 =	vmax.f32 v30, $0.0e+00  }
0x10e: {  	v29 =	vld [tilespmem:s5+$0x270];
	[tilespmem:s5+$0x5210] =	vst v12;
	v12 =	vadd.f32 v33, v22  }
0x10f: {  	v31 =	vld [tilespmem:s5+$0x280];
	v6 =	vand.u32 $0xFFFF0000, v6;
	v7 =	vmax.f32 v7, $0.0e+00  }
0x110: {  	v32 =	vld [tilespmem:s5+$0x2C0];
	v35 =	vshll.u32 v5, $0x10;
	v6 =	vadd.f32 v6, v28;
	[tilespmem:s5+$0x5250] =	vst v7;
	v7 =	vmax.f32 v12, $0.0e+00  }
0x111: {  	v13 =	vld [tilespmem:s5+$0x2B10];
	[tilespmem:s5+$0x5220] =	vst v7;
	v7 =	vadd.f32 v35, v23  }
0x112: {  	v3 =	vand.u32 $0xFFFF0000, v2;
	v34 =	vld [tilespmem:s5+$0x290];
	v5 =	vand.u32 $0xFFFF0000, v5;
	v6 =	vmax.f32 v6, $0.0e+00  }
0x113: {  	v37 =	vshll.u32 v4, $0x10;
	v5 =	vadd.f32 v5, v29;
	[tilespmem:s5+$0x5260] =	vst v6;
	v12 =	vld [tilespmem:s5+$0x2D0];
	v6 =	vmax.f32 v7, $0.0e+00  }
0x114: {  	v3 =	vadd.f32 v3, v14;
	v14 =	vld [tilespmem:s5+$0x2B20];
	v4 =	vand.u32 $0xFFFF0000, v4;
	[tilespmem:s5+$0x5230] =	vst v6;
	v6 =	vadd.f32 v37, v31  }
0x115: {  	v36 =	vld [tilespmem:s5+$0x2A0];
	v4 =	vadd.f32 v4, v32;
	v5 =	vmax.f32 v5, $0.0e+00  }
0x116: {  	v39 =	vshll.u32 v8, $0x10;
	[tilespmem:s5+$0x5270] =	vst v5;
	v7 =	vld [tilespmem:s5+$0x2E0];
	v5 =	vmax.f32 v6, $0.0e+00  }
0x117: {  	v15 =	vld [tilespmem:s5+$0x2B30];
	v8 =	vand.u32 $0xFFFF0000, v8;
	v4 =	vmax.f32 v4, $0.0e+00;
	[tilespmem:s5+$0x5280] =	vst v5;
	v5 =	vadd.f32 v39, v34  }
0x118: {  	v38 =	vld [tilespmem:s5+$0x2B0];
	[tilespmem:s5+$0x52C0] =	vst v4;
	v4 =	vadd.f32 v8, v12  }
0x119: {  	v12 =	vshll.u32 v9, $0x10;
	v6 =	vld [tilespmem:s5+$0x2F0];
	v5 =	vmax.f32 v5, $0.0e+00  }
0x11a: {  	v16 =	vld [tilespmem:s5+$0x2B80];
	v9 =	vand.u32 $0xFFFF0000, v9;
	v4 =	vmax.f32 v4, $0.0e+00;
	[tilespmem:s5+$0x5290] =	vst v5;
	v5 =	vadd.f32 v12, v36  }
0x11b: {  	v40 =	vld [tilespmem:s5+$0x300];
	[tilespmem:s5+$0x52D0] =	vst v4;
	v4 =	vadd.f32 v9, v7  }
0x11c: {  	v8 =	vld [tilespmem:s5+$0x340];
	v9 =	vshll.u32 v10, $0x10;
	v5 =	vmax.f32 v5, $0.0e+00  }
0x11d: {  	v17 =	vld [tilespmem:s5+$0x200];
	v10 =	vand.u32 $0xFFFF0000, v10;
	v4 =	vmax.f32 v4, $0.0e+00;
	[tilespmem:s5+$0x52A0] =	vst v5;
	v5 =	vadd.f32 v9, v38  }
0x11e: {  	v12 =	vld [tilespmem:s5+$0x310];
	[tilespmem:s5+$0x52E0] =	vst v4;
	v4 =	vadd.f32 v10, v6  }
0x11f: {  	v1 =	vmax.f32 v3, $0.0e+00;
	v7 =	vld [tilespmem:s5+$0x350];
	v10 =	vshll.u32 v11, $0x10;
	v5 =	vmax.f32 v5, $0.0e+00  }
0x120: {  	v3 =	vld [tilespmem:s5+$0x2B90];
	v11 =	vand.u32 $0xFFFF0000, v11;
	v4 =	vmax.f32 v4, $0.0e+00;
	[tilespmem:s5+$0x52B0] =	vst v5;
	v5 =	vadd.f32 v10, v40  }
0x121: {  	v9 =	vld [tilespmem:s5+$0x320];
	[tilespmem:s5+$0x52F0] =	vst v4;
	v4 =	vadd.f32 v11, v8  }
0x122: {  	[tilespmem:s5+$0x53F0] =	vst v1;
	v6 =	vld [tilespmem:s5+$0x360];
	v11 =	vshll.u32 v13, $0x10;
	v5 =	vmax.f32 v5, $0.0e+00  }
0x123: {  	v1 =	vld [tilespmem:s5+$0x2BA0];
	v4 =	vmax.f32 v4, $0.0e+00;
	[tilespmem:s5+$0x5300] =	vst v5;
	v5 =	vadd.f32 v11, v12;
	v12 =	vand.u32 $0xFFFF0000, v13  }
0x124: {  	v10 =	vld [tilespmem:s5+$0x330];
	[tilespmem:s5+$0x5340] =	vst v4;
	v4 =	vadd.f32 v12, v7  }
0x125: {  	v8 =	vld [tilespmem:s5+$0x370];
	v12 =	vshll.u32 v14, $0x10;
	v5 =	vmax.f32 v5, $0.0e+00  }
0x126: {  	v11 =	vld [tilespmem:s5+$0x380];
	[tilespmem:s5+$0x5310] =	vst v5;
	v5 =	vadd.f32 v12, v9;
	v4 =	vmax.f32 v4, $0.0e+00;
	v12 =	vand.u32 $0xFFFF0000, v14  }
0x127: {  	v7 =	vld [tilespmem:s5+$0x3C0];
	[tilespmem:s5+$0x5350] =	vst v4;
	v4 =	vadd.f32 v12, v6  }
0x128: {  	v17 =	vadd.f32 v21, v17;
	v9 =	vld [tilespmem:s5+$0x390];
	v12 =	vshll.u32 v15, $0x10;
	v5 =	vmax.f32 v5, $0.0e+00  }
0x129: {  	v6 =	vld [tilespmem:s5+$0x3D0];
	[tilespmem:s5+$0x5320] =	vst v5;
	v5 =	vadd.f32 v12, v10;
	v4 =	vmax.f32 v4, $0.0e+00;
	v12 =	vand.u32 $0xFFFF0000, v15  }
0x12a: {  	v17 =	vmax.f32 v17, $0.0e+00;
	v10 =	vld [tilespmem:s5+$0x3A0];
	[tilespmem:s5+$0x5360] =	vst v4;
	v4 =	vshll.u32 v16, $0x10;
	v8 =	vadd.f32 v12, v8  }
0x12b: {  	[tilespmem:s5+$0x5200] =	vst v17;
	v13 =	vand.u32 $0xFFFF0000, v16;
	v12 =	vld [tilespmem:s5+$0x3E0];
	v5 =	vmax.f32 v5, $0.0e+00;
	v4 =	vadd.f32 v4, v11  }
0x12c: {  	v7 =	vadd.f32 v13, v7;
	v11 =	vld [tilespmem:s5+$0x3B0];
	[tilespmem:s5+$0x5330] =	vst v5;
	v5 =	vshll.u32 v3, $0x10;
	v8 =	vmax.f32 v8, $0.0e+00  }
0x12d: {  	v3 =	vand.u32 $0xFFFF0000, v3;
	[tilespmem:s5+$0x5370] =	vst v8;
	v4 =	vmax.f32 v4, $0.0e+00;
	v5 =	vadd.f32 v5, v9  }
0x12e: {  	v8 =	vshll.u32 v1, $0x10;
	v3 =	vadd.f32 v3, v6;
	[tilespmem:s5+$0x5380] =	vst v4;
	v4 =	vmax.f32 v7, $0.0e+00  }
0x12f: {  	v1 =	vand.u32 $0xFFFF0000, v1;
	[tilespmem:s5+$0x53C0] =	vst v4;
	v4 =	vmax.f32 v5, $0.0e+00;
	v5 =	vadd.f32 v8, v10  }
0x130: {  	v2 =	vshll.u32 v2, $0x10;
	v3 =	vmax.f32 v3, $0.0e+00;
	v1 =	vadd.f32 v1, v12;
	[tilespmem:s5+$0x5390] =	vst v4  }
0x131: {  	[tilespmem:s5+$0x53D0] =	vst v3;
	v2 =	vadd.f32 v2, v11;
	v3 =	vmax.f32 v5, $0.0e+00  }
0x132: {  	v1 =	vmax.f32 v1, $0.0e+00;
	[tilespmem:s5+$0x53A0] =	vst v3  }
0x133: {  	[tilespmem:s5+$0x53E0] =	vst v1;
	v1 =	vmax.f32 v2, $0.0e+00  }
0x134: {  	[tilespmem:s5+$0x53B0] =	vst v1  }
0x135: {  	_ =	swait.ge [sflag:s25], $0x28  }
0x136: {  	[sflag:s25] =	ssyncset.done $0x0  }
0x137: {  	s5 =	simm.s32 @!p0 $0x5;
	[sflag:s25] =	ssyncadd.s32 $0xFFFFFFD8  }
0x138: {  	[spmem:s4] =	stream.indirect.scatter.add.f32 [tilespmem:s11], [sflag:$0x9], $0x80, s13, s17, $0xb8;
	[tilespmem:$0x1BA00] =	vst v63  }
0x139: {  	_ =	swait.ge @!p0 [sflag:s5], $0x28  }
0x13a: {  	s6 =	simm.s32 @!p0 $0x28;
	[sflag:s5] =	ssyncset.done @!p0 $0x0  }
0x13b: {  	s16 =	simm.s32 @!p0 $0x200;
	[sflag:s5] =	ssyncadd.s32 @!p0 $0xFFFFFFD8;
	s5 =	simm.s32 @!p0 $0x0  }
0x13c: {  	[tilespmem:s16], [sflag:$0x1] =	stream.indirect.gather @!p0 [hbm4b:s1+s6], $0x80, s5, s6, $0xb8;
	[tilespmem:$0x1BA00] =	vst v63  }
0x13d: {  	p1 =	seq.s32 @!p0 s10, $0x0;
	s6 =	sshll.u32 @!p0 s31, $0x4  }
0x13e: {  	p1 =	por p0, !p1;
	s16 =	simm.s32 @!p0 $0x2A00;
	s6 =	sadd.s32 @!p0 s2, s6  }
0x13f: {  	[tilespmem:s16], [sflag:$0x3] =	stream.linear.gather @!p0 [hbm4b:s6+s5], $0x1400, $0x38;
	[tilespmem:$0x1BA00] =	vst v63  }
0x140: {  	_ =	swait.ge @p1 [sflag:s0], $0x1400  }
0x141: {  	[sflag:s0] =	ssyncset.done @p1 $0x0  }
0x142: {  	[sflag:s0] =	ssyncadd.s32 @p1 $0xFFFFEC00  }
0x143: {  	_ =	swait.ge [sflag:s26], $0x1400  }
0x144: {  	[sflag:s26] =	ssyncset.done $0x0  }
0x145: {  	[sflag:s26] =	ssyncadd.s32 $0xFFFFEC00  }
0x146: {  	s6 =	sadd.s32 @!p0 s14, s15;
	_ =	swait.ge [sflag:s28], $0x1400  }
0x147: {  	s6 =	sshrl.u32 @!p0 s6, $0x3;
	[sflag:s28] =	ssyncset.done $0x0  }
0x148: {  	s16 =	simm.s32 @!p0 $0x80;
	s14 =	sadd.s32 @!p0 s7, s6;
	[sflag:s28] =	ssyncadd.s32 $0xFFFFEC00  }
0x149: {  	[tilespmem:s16], [sflag:$0x6] =	stream.linear.gather @!p0 [hbm4b:s14+s5], $0x28, $0x38;
	[tilespmem:$0x1BA00] =	vst v63  }
0x14a: {  	s6 =	sadd.s32 @!p0 s3, s6;
	s14 =	simm.s32 @!p0 $0x180  }
0x14b: {  	[tilespmem:s14], [sflag:$0x8] =	stream.linear.gather @!p0 [hbm4b:s6+s5], $0x28, $0x38;
	[tilespmem:$0x1BA00] =	vst v63  }
0x14c: {  	s14 =	simm.s32 $0x0  }
0x14d: {  	v1 =	vld [tilespmem:s14+$0x3FB0]  }
0x14e: {  	v2 =	vld [tilespmem:s14+$0x17F0]  }
0x14f: {  	v4 =	vld [tilespmem:s14+$0x3E00]  }
0x150: {  	v5 =	vld [tilespmem:s14+$0x3E10]  }
0x151: {  	v6 =	vld [tilespmem:s14+$0x3E20]  }
0x152: {  	v7 =	vld [tilespmem:s14+$0x3E30]  }
0x153: {  	v8 =	vld [tilespmem:s14+$0x3E80]  }
0x154: {  	v43 =	vld [tilespmem:s14+$0x1640]  }
0x155: {  	v44 =	vld [tilespmem:s14+$0x1610]  }
0x156: {  	v9 =	vld [tilespmem:s14+$0x3E90]  }
0x157: {  	v45 =	vld [tilespmem:s14+$0x1650]  }
0x158: {  	v47 =	vld [tilespmem:s14+$0x1620];
	v46 =	vshll.u32 v4, $0x10;
	v4 =	vand.u32 $0xFFFF0000, v4  }
0x159: {  	v10 =	vld [tilespmem:s14+$0x3EA0];
	v51 =	vshll.u32 v5, $0x10;
	v4 =	vadd.f32 v4, v43  }
0x15a: {  	v48 =	vld [tilespmem:s14+$0x1660];
	v52 =	vadd.f32 v51, v44  }
0x15b: {  	v49 =	vld [tilespmem:s14+$0x1630];
	v5 =	vand.u32 $0xFFFF0000, v5;
	v4 =	vmax.f32 v4, $0.0e+00  }
0x15c: {  	v11 =	vld [tilespmem:s14+$0x3EB0];
	v55 =	vshll.u32 v6, $0x10;
	[tilespmem:s14+$0x6640] =	vst v4;
	v4 =	vadd.f32 v5, v45;
	v5 =	vmax.f32 v52, $0.0e+00  }
0x15d: {  	v50 =	vld [tilespmem:s14+$0x1670];
	[tilespmem:s14+$0x6610] =	vst v5;
	v5 =	vadd.f32 v55, v47  }
0x15e: {  	v53 =	vld [tilespmem:s14+$0x1680];
	v6 =	vand.u32 $0xFFFF0000, v6;
	v4 =	vmax.f32 v4, $0.0e+00  }
0x15f: {  	v12 =	vld [tilespmem:s14+$0x3F00];
	v57 =	vshll.u32 v7, $0x10;
	[tilespmem:s14+$0x6650] =	vst v4;
	v4 =	vadd.f32 v6, v48;
	v5 =	vmax.f32 v5, $0.0e+00  }
0x160: {  	v54 =	vld [tilespmem:s14+$0x16C0];
	[tilespmem:s14+$0x6620] =	vst v5;
	v5 =	vadd.f32 v57, v49  }
0x161: {  	v56 =	vld [tilespmem:s14+$0x1690];
	v7 =	vand.u32 $0xFFFF0000, v7;
	v4 =	vmax.f32 v4, $0.0e+00  }
0x162: {  	v13 =	vld [tilespmem:s14+$0x3F10];
	v59 =	vshll.u32 v8, $0x10;
	[tilespmem:s14+$0x6660] =	vst v4;
	v4 =	vadd.f32 v7, v50;
	v5 =	vmax.f32 v5, $0.0e+00  }
0x163: {  	v6 =	vld [tilespmem:s14+$0x16D0];
	[tilespmem:s14+$0x6630] =	vst v5;
	v5 =	vadd.f32 v59, v53  }
0x164: {  	v58 =	vld [tilespmem:s14+$0x16A0];
	v8 =	vand.u32 $0xFFFF0000, v8;
	v4 =	vmax.f32 v4, $0.0e+00  }
0x165: {  	v14 =	vld [tilespmem:s14+$0x3F20];
	v61 =	vshll.u32 v9, $0x10;
	[tilespmem:s14+$0x6670] =	vst v4;
	v4 =	vadd.f32 v8, v54;
	v5 =	vmax.f32 v5, $0.0e+00  }
0x166: {  	v7 =	vld [tilespmem:s14+$0x16E0];
	[tilespmem:s14+$0x6680] =	vst v5;
	v5 =	vadd.f32 v61, v56  }
0x167: {  	v60 =	vld [tilespmem:s14+$0x16B0];
	v9 =	vand.u32 $0xFFFF0000, v9;
	v4 =	vmax.f32 v4, $0.0e+00  }
0x168: {  	v15 =	vld [tilespmem:s14+$0x3F30];
	[tilespmem:s14+$0x66C0] =	vst v4;
	v4 =	vadd.f32 v9, v6;
	v5 =	vmax.f32 v5, $0.0e+00;
	v9 =	vshll.u32 v10, $0x10  }
0x169: {  	v8 =	vld [tilespmem:s14+$0x16F0];
	[tilespmem:s14+$0x6690] =	vst v5;
	v5 =	vadd.f32 v9, v58  }
0x16a: {  	v62 =	vld [tilespmem:s14+$0x1700];
	v10 =	vand.u32 $0xFFFF0000, v10;
	v4 =	vmax.f32 v4, $0.0e+00  }
0x16b: {  	v41 =	vld [tilespmem:s14+$0x3F80];
	[tilespmem:s14+$0x66D0] =	vst v4;
	v4 =	vadd.f32 v10, v7;
	v5 =	vmax.f32 v5, $0.0e+00;
	v10 =	vshll.u32 v11, $0x10  }
0x16c: {  	v6 =	vld [tilespmem:s14+$0x1740];
	[tilespmem:s14+$0x66A0] =	vst v5;
	v5 =	vadd.f32 v10, v60  }
0x16d: {  	v9 =	vld [tilespmem:s14+$0x1710];
	v11 =	vand.u32 $0xFFFF0000, v11;
	v4 =	vmax.f32 v4, $0.0e+00  }
0x16e: {  	v42 =	vld [tilespmem:s14+$0x1600];
	[tilespmem:s14+$0x66E0] =	vst v4;
	v4 =	vadd.f32 v11, v8;
	v5 =	vmax.f32 v5, $0.0e+00;
	v11 =	vshll.u32 v12, $0x10  }
0x16f: {  	v7 =	vld [tilespmem:s14+$0x1750];
	[tilespmem:s14+$0x66B0] =	vst v5;
	v5 =	vadd.f32 v11, v62  }
0x170: {  	v10 =	vld [tilespmem:s14+$0x1720];
	v12 =	vand.u32 $0xFFFF0000, v12;
	v4 =	vmax.f32 v4, $0.0e+00  }
0x171: {  	v8 =	vld [tilespmem:s14+$0x1760];
	[tilespmem:s14+$0x66F0] =	vst v4;
	v4 =	vadd.f32 v12, v6;
	v5 =	vmax.f32 v5, $0.0e+00;
	v6 =	vshll.u32 v13, $0x10  }
0x172: {  	v3 =	vand.u32 $0xFFFF0000, v1;
	v11 =	vld [tilespmem:s14+$0x1730];
	[tilespmem:s14+$0x6700] =	vst v5;
	v5 =	vadd.f32 v6, v9  }
0x173: {  	v2 =	vadd.f32 v3, v2;
	v12 =	vld [tilespmem:s14+$0x1770];
	v6 =	vand.u32 $0xFFFF0000, v13;
	v4 =	vmax.f32 v4, $0.0e+00  }
0x174: {  	v63 =	vld [tilespmem:s14+$0x1780];
	[tilespmem:s14+$0x6740] =	vst v4;
	v4 =	vadd.f32 v6, v7;
	v5 =	vmax.f32 v5, $0.0e+00;
	v6 =	vshll.u32 v14, $0x10  }
0x175: {  	v3 =	vld [tilespmem:s14+$0x3F90];
	v17 =	vadd.f32 v46, v42;
	v2 =	vmax.f32 v2, $0.0e+00;
	[tilespmem:s14+$0x6710] =	vst v5;
	v5 =	vadd.f32 v6, v10  }
0x176: {  	[tilespmem:s14+$0x67F0] =	vst v2;
	v13 =	vld [tilespmem:s14+$0x17C0];
	v6 =	vand.u32 $0xFFFF0000, v14;
	v10 =	vand.u32 $0xFFFF0000, v15;
	v4 =	vmax.f32 v4, $0.0e+00  }
0x177: {  	v2 =	vld [tilespmem:s14+$0x3FA0];
	[tilespmem:s14+$0x6750] =	vst v4;
	v4 =	vadd.f32 v6, v8;
	v5 =	vmax.f32 v5, $0.0e+00;
	v6 =	vshll.u32 v15, $0x10  }
0x178: {  	v1 =	vshll.u32 v1, $0x10;
	v7 =	vld [tilespmem:s14+$0x1790];
	v14 =	vadd.f32 v10, v12;
	[tilespmem:s14+$0x6720] =	vst v5;
	v5 =	vadd.f32 v6, v11  }
0x179: {  	v17 =	vmax.f32 v17, $0.0e+00;
	v8 =	vld [tilespmem:s14+$0x17D0];
	v15 =	vand.u32 $0xFFFF0000, v41;
	v11 =	vshll.u32 v41, $0x10  }
0x17a: {  	[tilespmem:s14+$0x6600] =	vst v17;
	v9 =	vld [tilespmem:s14+$0x17A0];
	v6 =	vshll.u32 v3, $0x10;
	v14 =	vmax.f32 v14, $0.0e+00;
	v12 =	vmax.f32 v5, $0.0e+00  }
0x17b: {  	v10 =	vld [tilespmem:s14+$0x17E0];
	v13 =	vadd.f32 v15, v13;
	v4 =	vmax.f32 v4, $0.0e+00;
	[tilespmem:s14+$0x6730] =	vst v12;
	v12 =	vadd.f32 v11, v63  }
0x17c: {  	s5 =	simm.s32 $0x200;
	s6 =	simm.s32 $0x1000;
	[tilespmem:s14+$0x6760] =	vst v4;
	v5 =	vand.u32 $0xFFFF0000, v3;
	v4 =	vshll.u32 v2, $0x10;
	v3 =	vand.u32 $0xFFFF0000, v2;
	v11 =	vld [tilespmem:s14+$0x17B0]  }
.LBB2_7:
0x17d: {  	p0 =	sne.s32 s6, $0x4800;
	v2 =	vld [tilespmem:s5+$0x3FB0];
	[tilespmem:s14+$0x6770] =	vst v14;
	v12 =	vmax.f32 v12, $0.0e+00;
	v6 =	vadd.f32 v6, v7  }
0x17e: {  	v7 =	vld [tilespmem:s5+$0x17F0];
	[tilespmem:s14+$0x6780] =	vst v12;
	v12 =	vmax.f32 v13, $0.0e+00;
	v5 =	vadd.f32 v5, v8  }
0x17f: {  	v8 =	vld [tilespmem:s5+$0x3E00];
	[tilespmem:s14+$0x67C0] =	vst v12;
	v6 =	vmax.f32 v6, $0.0e+00;
	v4 =	vadd.f32 v4, v9  }
0x180: {  	v9 =	vld [tilespmem:s5+$0x3E10];
	[tilespmem:s14+$0x6790] =	vst v6;
	v5 =	vmax.f32 v5, $0.0e+00;
	v3 =	vadd.f32 v3, v10  }
0x181: {  	v6 =	vld [tilespmem:s5+$0x3E20];
	[tilespmem:s14+$0x67D0] =	vst v5;
	v4 =	vmax.f32 v4, $0.0e+00;
	v5 =	vadd.f32 v1, v11  }
0x182: {  	v10 =	vld [tilespmem:s5+$0x3E30];
	v1 =	vshll.u32 v2, $0x10;
	v2 =	vand.u32 $0xFFFF0000, v2;
	[tilespmem:s14+$0x67A0] =	vst v4;
	v3 =	vmax.f32 v3, $0.0e+00  }
0x183: {  	v4 =	vld [tilespmem:s5+$0x3E80];
	v2 =	vadd.f32 v2, v7;
	[tilespmem:s14+$0x67E0] =	vst v3;
	v3 =	vmax.f32 v5, $0.0e+00  }
0x184: {  	v7 =	vshll.u32 v8, $0x10;
	v8 =	vand.u32 $0xFFFF0000, v8;
	v5 =	vld [tilespmem:s5+$0x3E90];
	[tilespmem:s14+$0x67B0] =	vst v3;
	s14 =	smov.u32 s5  }
0x185: {  	v11 =	vshll.u32 v9, $0x10;
	v9 =	vand.u32 $0xFFFF0000, v9;
	v3 =	vld [tilespmem:s14+$0x3EA0];
	v2 =	vmax.f32 v2, $0.0e+00  }
0x186: {  	v12 =	vshll.u32 v6, $0x10;
	v13 =	vand.u32 $0xFFFF0000, v6;
	v6 =	vld [tilespmem:s14+$0x3EB0];
	[tilespmem:s14+$0x67F0] =	vst v2  }
0x187: {  	v14 =	vshll.u32 v10, $0x10;
	v10 =	vand.u32 $0xFFFF0000, v10;
	v2 =	vld [tilespmem:s14+$0x3F00]  }
0x188: {  	v15 =	vshll.u32 v4, $0x10;
	v16 =	vand.u32 $0xFFFF0000, v4;
	v4 =	vld [tilespmem:s14+$0x3F10]  }
0x189: {  	v17 =	vshll.u32 v5, $0x10;
	v18 =	vand.u32 $0xFFFF0000, v5;
	v5 =	vld [tilespmem:s14+$0x3F20]  }
0x18a: {  	v19 =	vshll.u32 v3, $0x10;
	v20 =	vand.u32 $0xFFFF0000, v3;
	v3 =	vld [tilespmem:s14+$0x3F30]  }
0x18b: {  	v21 =	vshll.u32 v6, $0x10;
	v22 =	vand.u32 $0xFFFF0000, v6;
	v6 =	vld [tilespmem:s14+$0x3F80]  }
0x18c: {  	v23 =	vshll.u32 v2, $0x10;
	v24 =	vand.u32 $0xFFFF0000, v2;
	v25 =	vld [tilespmem:s14+$0x3F90]  }
0x18d: {  	v26 =	vshll.u32 v4, $0x10;
	v27 =	vand.u32 $0xFFFF0000, v4;
	v28 =	vld [tilespmem:s14+$0x3FA0]  }
0x18e: {  	v29 =	vld [tilespmem:s14+$0x1600];
	v30 =	vshll.u32 v5, $0x10;
	v31 =	vand.u32 $0xFFFF0000, v5  }
0x18f: {  	v32 =	vld [tilespmem:s14+$0x1640];
	v33 =	vshll.u32 v3, $0x10;
	v34 =	vand.u32 $0xFFFF0000, v3  }
0x190: {  	v35 =	vld [tilespmem:s14+$0x1610];
	v36 =	vshll.u32 v6, $0x10;
	v2 =	vand.u32 $0xFFFF0000, v6  }
0x191: {  	v37 =	vld [tilespmem:s14+$0x1650];
	v6 =	vshll.u32 v25, $0x10;
	v5 =	vand.u32 $0xFFFF0000, v25  }
0x192: {  	v25 =	vld [tilespmem:s14+$0x1620];
	v4 =	vshll.u32 v28, $0x10;
	v3 =	vand.u32 $0xFFFF0000, v28  }
0x193: {  	v7 =	vadd.f32 v7, v29;
	v28 =	vld [tilespmem:s14+$0x1660]  }
0x194: {  	v8 =	vadd.f32 v8, v32;
	v29 =	vld [tilespmem:s14+$0x1630]  }
0x195: {  	v7 =	vmax.f32 v7, $0.0e+00;
	v11 =	vadd.f32 v11, v35;
	v32 =	vld [tilespmem:s14+$0x1670]  }
0x196: {  	[tilespmem:s14+$0x6600] =	vst v7;
	v7 =	vmax.f32 v8, $0.0e+00;
	v8 =	vadd.f32 v9, v37;
	v9 =	vld [tilespmem:s14+$0x1680]  }
0x197: {  	[tilespmem:s14+$0x6640] =	vst v7;
	v7 =	vmax.f32 v11, $0.0e+00;
	v11 =	vadd.f32 v12, v25;
	v12 =	vld [tilespmem:s14+$0x16C0]  }
0x198: {  	[tilespmem:s14+$0x6610] =	vst v7;
	v7 =	vmax.f32 v8, $0.0e+00;
	v8 =	vadd.f32 v13, v28;
	v13 =	vld [tilespmem:s14+$0x1690]  }
0x199: {  	[tilespmem:s14+$0x6650] =	vst v7;
	v7 =	vmax.f32 v11, $0.0e+00;
	v11 =	vadd.f32 v14, v29;
	v14 =	vld [tilespmem:s14+$0x16D0]  }
0x19a: {  	[tilespmem:s14+$0x6620] =	vst v7;
	v7 =	vmax.f32 v8, $0.0e+00;
	v8 =	vadd.f32 v10, v32;
	v10 =	vld [tilespmem:s14+$0x16A0]  }
0x19b: {  	[tilespmem:s14+$0x6660] =	vst v7;
	v7 =	vmax.f32 v11, $0.0e+00;
	v9 =	vadd.f32 v15, v9;
	v11 =	vld [tilespmem:s14+$0x16E0]  }
0x19c: {  	[tilespmem:s14+$0x6630] =	vst v7;
	v7 =	vmax.f32 v8, $0.0e+00;
	v8 =	vadd.f32 v16, v12;
	v12 =	vld [tilespmem:s14+$0x16B0]  }
0x19d: {  	[tilespmem:s14+$0x6670] =	vst v7;
	v7 =	vmax.f32 v9, $0.0e+00;
	v9 =	vadd.f32 v17, v13;
	v13 =	vld [tilespmem:s14+$0x16F0]  }
0x19e: {  	[tilespmem:s14+$0x6680] =	vst v7;
	v7 =	vmax.f32 v8, $0.0e+00;
	v8 =	vadd.f32 v18, v14;
	v14 =	vld [tilespmem:s14+$0x1700]  }
0x19f: {  	[tilespmem:s14+$0x66C0] =	vst v7;
	v7 =	vmax.f32 v9, $0.0e+00;
	v9 =	vadd.f32 v19, v10;
	v10 =	vld [tilespmem:s14+$0x1740]  }
0x1a0: {  	[tilespmem:s14+$0x6690] =	vst v7;
	v7 =	vmax.f32 v8, $0.0e+00;
	v8 =	vadd.f32 v20, v11;
	v11 =	vld [tilespmem:s14+$0x1710]  }
0x1a1: {  	[tilespmem:s14+$0x66D0] =	vst v7;
	v7 =	vmax.f32 v9, $0.0e+00;
	v9 =	vadd.f32 v21, v12;
	v12 =	vld [tilespmem:s14+$0x1750]  }
0x1a2: {  	[tilespmem:s14+$0x66A0] =	vst v7;
	v7 =	vmax.f32 v8, $0.0e+00;
	v8 =	vadd.f32 v22, v13;
	v13 =	vld [tilespmem:s14+$0x1720]  }
0x1a3: {  	[tilespmem:s14+$0x66E0] =	vst v7;
	v7 =	vmax.f32 v9, $0.0e+00;
	v9 =	vadd.f32 v23, v14;
	v14 =	vld [tilespmem:s14+$0x1760]  }
0x1a4: {  	[tilespmem:s14+$0x66B0] =	vst v7;
	v7 =	vmax.f32 v8, $0.0e+00;
	v8 =	vadd.f32 v24, v10;
	v10 =	vld [tilespmem:s14+$0x1730]  }
0x1a5: {  	[tilespmem:s14+$0x66F0] =	vst v7;
	v7 =	vmax.f32 v9, $0.0e+00;
	v9 =	vadd.f32 v26, v11;
	v11 =	vld [tilespmem:s14+$0x1770]  }
0x1a6: {  	[tilespmem:s14+$0x6700] =	vst v7;
	v7 =	vmax.f32 v8, $0.0e+00;
	v8 =	vadd.f32 v27, v12;
	v12 =	vld [tilespmem:s14+$0x1780]  }
0x1a7: {  	[tilespmem:s14+$0x6740] =	vst v7;
	v7 =	vmax.f32 v9, $0.0e+00;
	v9 =	vadd.f32 v30, v13;
	v13 =	vld [tilespmem:s14+$0x17C0]  }
.Ltmp2:
0x1a8: {  	[tilespmem:s14+$0x6710] =	vst v7;
	v8 =	vmax.f32 v8, $0.0e+00;
	v14 =	vadd.f32 v31, v14;
	v7 =	vld [tilespmem:s14+$0x1790];
	(pc) =	sbr.rel @p0 .LBB2_7-.Ltmp2, $4  }
0x1a9: {  	[tilespmem:s14+$0x6750] =	vst v8;
	v9 =	vmax.f32 v9, $0.0e+00;
	v10 =	vadd.f32 v33, v10;
	v8 =	vld [tilespmem:s14+$0x17D0]  }
0x1aa: {  	[tilespmem:s14+$0x6720] =	vst v9;
	v14 =	vmax.f32 v14, $0.0e+00;
	v11 =	vadd.f32 v34, v11;
	v9 =	vld [tilespmem:s14+$0x17A0]  }
0x1ab: {  	[tilespmem:s14+$0x6760] =	vst v14;
	v14 =	vmax.f32 v10, $0.0e+00;
	v12 =	vadd.f32 v36, v12;
	v10 =	vld [tilespmem:s14+$0x17E0]  }
0x1ac: {  	s5 =	sshra.s32 s6, $0x2;
	s6 =	sadd.s32 $0x800, s6;
	[tilespmem:s14+$0x6730] =	vst v14;
	v14 =	vmax.f32 v11, $0.0e+00;
	v13 =	vadd.f32 v2, v13;
	v11 =	vld [tilespmem:s14+$0x17B0]  }
0x1ad: {  	v2 =	vld [tilespmem:s5+$0x3FB0];
	[tilespmem:s14+$0x6770] =	vst v14;
	v12 =	vmax.f32 v12, $0.0e+00;
	v6 =	vadd.f32 v6, v7  }
0x1ae: {  	v14 =	vld [tilespmem:s5+$0x17F0];
	[tilespmem:s14+$0x6780] =	vst v12;
	v36 =	vmax.f32 v13, $0.0e+00;
	v5 =	vadd.f32 v5, v8  }
0x1af: {  	v12 =	vld [tilespmem:s5+$0x3E00];
	[tilespmem:s14+$0x67C0] =	vst v36;
	v6 =	vmax.f32 v6, $0.0e+00;
	v4 =	vadd.f32 v4, v9  }
0x1b0: {  	v7 =	vld [tilespmem:s5+$0x3E10];
	[tilespmem:s14+$0x6790] =	vst v6;
	v5 =	vmax.f32 v5, $0.0e+00;
	v3 =	vadd.f32 v3, v10  }
0x1b1: {  	v6 =	vld [tilespmem:s5+$0x3E20];
	[tilespmem:s14+$0x67D0] =	vst v5;
	v4 =	vmax.f32 v4, $0.0e+00;
	v1 =	vadd.f32 v1, v11  }
0x1b2: {  	v5 =	vld [tilespmem:s5+$0x3E30];
	[tilespmem:s14+$0x67A0] =	vst v4;
	v3 =	vmax.f32 v3, $0.0e+00  }
0x1b3: {  	v4 =	vld [tilespmem:s5+$0x3E80];
	[tilespmem:s14+$0x67E0] =	vst v3;
	v1 =	vmax.f32 v1, $0.0e+00  }
0x1b4: {  	v37 =	vld [tilespmem:s5+$0x3E90];
	[tilespmem:s14+$0x67B0] =	vst v1  }
0x1b5: {  	v38 =	vld [tilespmem:s5+$0x3EA0]  }
0x1b6: {  	v39 =	vld [tilespmem:s5+$0x3EB0]  }
0x1b7: {  	v40 =	vld [tilespmem:s5+$0x3F00]  }
0x1b8: {  	v3 =	vand.u32 $0xFFFF0000, v2;
	v13 =	vld [tilespmem:s5+$0x3F10]  }
0x1b9: {  	v3 =	vadd.f32 v3, v14;
	v14 =	vld [tilespmem:s5+$0x3F20]  }
0x1ba: {  	v15 =	vld [tilespmem:s5+$0x3F30]  }
0x1bb: {  	v16 =	vld [tilespmem:s5+$0x3F80]  }
0x1bc: {  	v17 =	vld [tilespmem:s5+$0x1600]  }
0x1bd: {  	v18 =	vld [tilespmem:s5+$0x1640]  }
0x1be: {  	v19 =	vld [tilespmem:s5+$0x1610]  }
0x1bf: {  	v20 =	vld [tilespmem:s5+$0x1650]  }
0x1c0: {  	v22 =	vld [tilespmem:s5+$0x1620]  }
0x1c1: {  	v41 =	vld [tilespmem:s5+$0x1660]  }
0x1c2: {  	v2 =	vshll.u32 v2, $0x10;
	v21 =	vshll.u32 v12, $0x10;
	v23 =	vld [tilespmem:s5+$0x1630]  }
0x1c3: {  	v12 =	vand.u32 $0xFFFF0000, v12;
	v42 =	vld [tilespmem:s5+$0x1670];
	v24 =	vshll.u32 v7, $0x10;
	v17 =	vadd.f32 v21, v17  }
0x1c4: {  	v44 =	vld [tilespmem:s5+$0x1680];
	v7 =	vand.u32 $0xFFFF0000, v7;
	v1 =	vmax.f32 v3, $0.0e+00;
	v12 =	vadd.f32 v12, v18  }
0x1c5: {  	v46 =	vld [tilespmem:s5+$0x16C0];
	v47 =	vshll.u32 v6, $0x10;
	[tilespmem:s5+$0x67F0] =	vst v1;
	v43 =	vadd.f32 v24, v19;
	v17 =	vmax.f32 v17, $0.0e+00  }
0x1c6: {  	v49 =	vld [tilespmem:s5+$0x1690];
	v6 =	vand.u32 $0xFFFF0000, v6;
	v7 =	vadd.f32 v7, v20;
	v12 =	vmax.f32 v12, $0.0e+00;
	[tilespmem:s5+$0x6600] =	vst v17  }
0x1c7: {  	v51 =	vld [tilespmem:s5+$0x16D0];
	v52 =	vshll.u32 v5, $0x10;
	v48 =	vadd.f32 v47, v22;
	v45 =	vmax.f32 v43, $0.0e+00;
	[tilespmem:s5+$0x6640] =	vst v12  }
0x1c8: {  	v54 =	vld [tilespmem:s5+$0x16A0];
	v5 =	vand.u32 $0xFFFF0000, v5;
	v6 =	vadd.f32 v6, v41;
	v7 =	vmax.f32 v7, $0.0e+00;
	[tilespmem:s5+$0x6610] =	vst v45  }
0x1c9: {  	v56 =	vld [tilespmem:s5+$0x16E0];
	v57 =	vshll.u32 v4, $0x10;
	v53 =	vadd.f32 v52, v23;
	v50 =	vmax.f32 v48, $0.0e+00;
	[tilespmem:s5+$0x6650] =	vst v7  }
0x1ca: {  	v59 =	vld [tilespmem:s5+$0x16B0];
	v4 =	vand.u32 $0xFFFF0000, v4;
	v5 =	vadd.f32 v5, v42;
	v6 =	vmax.f32 v6, $0.0e+00;
	[tilespmem:s5+$0x6620] =	vst v50  }
0x1cb: {  	v61 =	vld [tilespmem:s5+$0x16F0];
	v62 =	vshll.u32 v37, $0x10;
	v58 =	vadd.f32 v57, v44;
	v55 =	vmax.f32 v53, $0.0e+00;
	[tilespmem:s5+$0x6660] =	vst v6  }
0x1cc: {  	v26 =	vld [tilespmem:s5+$0x1710];
	v8 =	vand.u32 $0xFFFF0000, v37;
	v4 =	vadd.f32 v4, v46;
	v5 =	vmax.f32 v5, $0.0e+00;
	[tilespmem:s5+$0x6630] =	vst v55  }
0x1cd: {  	v28 =	vld [tilespmem:s5+$0x1750];
	v63 =	vadd.f32 v62, v49;
	v22 =	vadd.f32 v8, v51;
	v60 =	vmax.f32 v58, $0.0e+00;
	[tilespmem:s5+$0x6670] =	vst v5  }
0x1ce: {  	v20 =	vld [tilespmem:s5+$0x1700];
	v24 =	vshll.u32 v38, $0x10;
	v9 =	vand.u32 $0xFFFF0000, v38;
	v4 =	vmax.f32 v4, $0.0e+00;
	[tilespmem:s5+$0x6680] =	vst v60  }
0x1cf: {  	v23 =	vld [tilespmem:s5+$0x1740];
	v29 =	vshll.u32 v39, $0x10;
	v25 =	vadd.f32 v24, v54;
	[tilespmem:s5+$0x66C0] =	vst v4;
	v5 =	vmax.f32 v63, $0.0e+00  }
0x1d0: {  	v10 =	vand.u32 $0xFFFF0000, v39;
	v38 =	vld [tilespmem:s5+$0x1770];
	v27 =	vadd.f32 v9, v56;
	v4 =	vmax.f32 v22, $0.0e+00;
	[tilespmem:s5+$0x6690] =	vst v5  }
0x1d1: {  	v34 =	vshll.u32 v40, $0x10;
	v44 =	vld [tilespmem:s5+$0x17C0];
	v30 =	vadd.f32 v29, v59;
	[tilespmem:s5+$0x66D0] =	vst v4;
	v5 =	vmax.f32 v25, $0.0e+00  }
0x1d2: {  	v31 =	vld [tilespmem:s5+$0x1720];
	v11 =	vand.u32 $0xFFFF0000, v40;
	v32 =	vadd.f32 v10, v61;
	v4 =	vmax.f32 v27, $0.0e+00;
	[tilespmem:s5+$0x66A0] =	vst v5  }
0x1d3: {  	v1 =	vld [tilespmem:s5+$0x3FA0];
	v39 =	vshll.u32 v13, $0x10;
	[tilespmem:s5+$0x66E0] =	vst v4;
	v5 =	vmax.f32 v30, $0.0e+00;
	v35 =	vadd.f32 v34, v20  }
0x1d4: {  	v54 =	vand.u32 $0xFFFF0000, v15;
	v56 =	vld [tilespmem:s5+$0x17E0];
	v4 =	vmax.f32 v32, $0.0e+00;
	v37 =	vadd.f32 v11, v23;
	[tilespmem:s5+$0x66B0] =	vst v5  }
0x1d5: {  	v33 =	vld [tilespmem:s5+$0x1760];
	v57 =	vand.u32 $0xFFFF0000, v16;
	v8 =	vadd.f32 v54, v38;
	[tilespmem:s5+$0x66F0] =	vst v4;
	v5 =	vmax.f32 v35, $0.0e+00  }
0x1d6: {  	v36 =	vld [tilespmem:s5+$0x1730];
	v42 =	vand.u32 $0xFFFF0000, v13;
	v7 =	vadd.f32 v57, v44;
	v4 =	vmax.f32 v37, $0.0e+00;
	[tilespmem:s5+$0x6700] =	vst v5  }
0x1d7: {  	v40 =	vadd.f32 v39, v26;
	v59 =	vld [tilespmem:s5+$0x17B0];
	v43 =	vadd.f32 v42, v28;
	v8 =	vmax.f32 v8, $0.0e+00;
	[tilespmem:s5+$0x6740] =	vst v4  }
0x1d8: {  	v3 =	vld [tilespmem:s5+$0x3F90];
	v60 =	vshll.u32 v1, $0x10;
	v1 =	vand.u32 $0xFFFF0000, v1;
	v61 =	vmax.f32 v7, $0.0e+00;
	[tilespmem:s5+$0x6770] =	vst v8  }
0x1d9: {  	v45 =	vshll.u32 v14, $0x10;
	v50 =	vld [tilespmem:s5+$0x17D0];
	v1 =	vadd.f32 v1, v56;
	v5 =	vmax.f32 v40, $0.0e+00;
	[tilespmem:s5+$0x67C0] =	vst v61  }
0x1da: {  	v48 =	vand.u32 $0xFFFF0000, v14;
	v53 =	vld [tilespmem:s5+$0x17A0];
	v46 =	vadd.f32 v45, v31;
	v4 =	vmax.f32 v43, $0.0e+00;
	[tilespmem:s5+$0x6710] =	vst v5  }
0x1db: {  	v41 =	vld [tilespmem:s5+$0x1780];
	v51 =	vshll.u32 v15, $0x10;
	v49 =	vadd.f32 v48, v33;
	v1 =	vmax.f32 v1, $0.0e+00;
	[tilespmem:s5+$0x6750] =	vst v4  }
0x1dc: {  	v47 =	vld [tilespmem:s5+$0x1790];
	v52 =	vadd.f32 v51, v36;
	v2 =	vadd.f32 v2, v59;
	v5 =	vmax.f32 v46, $0.0e+00;
	[tilespmem:s5+$0x67E0] =	vst v1  }
0x1dd: {  	v58 =	vshll.u32 v3, $0x10;
	v3 =	vand.u32 $0xFFFF0000, v3;
	v4 =	vmax.f32 v49, $0.0e+00;
	[tilespmem:s5+$0x6720] =	vst v5  }
0x1de: {  	v3 =	vadd.f32 v3, v50;
	v1 =	vmax.f32 v2, $0.0e+00;
	[tilespmem:s5+$0x6760] =	vst v4  }
0x1df: {  	v55 =	vshll.u32 v16, $0x10;
	v63 =	vadd.f32 v60, v53;
	v5 =	vmax.f32 v52, $0.0e+00;
	[tilespmem:s5+$0x67B0] =	vst v1  }
0x1e0: {  	v4 =	vadd.f32 v55, v41;
	v3 =	vmax.f32 v3, $0.0e+00;
	[tilespmem:s5+$0x6730] =	vst v5  }
0x1e1: {  	v5 =	vadd.f32 v58, v47;
	[tilespmem:s5+$0x67D0] =	vst v3;
	v3 =	vmax.f32 v63, $0.0e+00  }
0x1e2: {  	s10 =	sadd.s32 $0x1, s10;
	v4 =	vmax.f32 v4, $0.0e+00;
	[tilespmem:s5+$0x67A0] =	vst v3  }
0x1e3: {  	p0 =	sne.s32 s10, $0x7D;
	[tilespmem:s5+$0x6780] =	vst v4;
	v62 =	vmax.f32 v5, $0.0e+00  }
.Ltmp3:
0x1e4: {  	[tilespmem:s5+$0x6790] =	vst v62;
	(pc) =	sbr.rel @p0 .LBB2_4-.Ltmp3, $4  }
0x1e5: {  	_ =	swait.ge [sflag:s29], $0x28  }
0x1e6: {  	[sflag:s29] =	ssyncset.done $0x0  }
0x1e7: {  	[sflag:s29] =	ssyncadd.s32 $0xFFFFFFD8  }
0x1e8: {  	[spmem:s4] =	stream.indirect.scatter.add.f32 [tilespmem:s30], [sflag:$0xA], $0x80, s19, s17, $0xb8;
	[tilespmem:$0x1BA00] =	vst v63  }
0x1e9: {  	s5 =	simm.s32 $0x9  }
0x1ea: {  	_ =	swait.ge [sflag:s5], $0x1400  }
0x1eb: {  	[sflag:s5] =	ssyncset.done $0x0  }
0x1ec: {  	[sflag:s5] =	ssyncadd.s32 $0xFFFFEC00  }
0x1ed: {  	_ =	swait.ge [sflag:s0], $0x1400  }
0x1ee: {  	[sflag:s0] =	ssyncset.done $0x0  }
0x1ef: {  	[sflag:s0] =	ssyncadd.s32 $0xFFFFEC00  }
0x1f0: {  	s14 =	stileid.u32;
	[bflag:$0x0] =	sbarrier.arrive $0xFFFF  }
0x1f1: {  	s5 =	sshll.u32 s14, $0x6;
	s10 =	rddreg [dreg:$0xb]  }
0x1f2: {  	s5 =	sor.u32 $0x1C0B, s5;
	s14 =	rddreg [dreg:$0xc];
	s6 =	sshrl.u32 s10, $0x3  }
0x1f3: {  	[hbm:s14], [sflag:s5] =	dma.local [spmem:s6], $0x2800  }
0x1f4: {  	_ =	swait.ge [sflag:s12], $0x2800  }
0x1f5: {  	s16 =	rddreg [dreg:$0x1d]  }
0x1f6: {  	s31 =	rddreg [dreg:$0xd];
	s6 =	sadd.s32 $0x1, s16  }
0x1f7: {  	p0 =	sne.s32 s6, s31  }
.Ltmp4:
0x1f8: {  	_ = 	snop;
	(pc) =	sbr.rel @p0 .LBB2_1-.Ltmp4, $3  }
0x1f9: {  	_ =	sdelay $0x1  }
0x1fa: {  	[sflag:s12] =	ssyncset.done $0x0  }
0x1fb: {  	[sflag:s12] =	ssyncadd.s32 $0xFFFFD800  }
0x1fc: {  	_ =	sfence.sel $0x180000  }
0x1fd: {  	[bflag:$0x0] =	sbarrier.arrive $0xFFFF  }
0x1fe: {  	_ =	strace $0x90000047  }
0x1ff: {  	s0 =	stileid.u32;
	[bflag:$0x2] =	sbarrier.arrive $0xFFFF  }
0x200: {  	p0 =	sne.s32 s0, $0x0;
	s0 =	rddreg [dreg:$0x5]  }
0x201: {  	s0 =	sadd.s32 @!p0 $0x100000, s0  }
0x202: {  	[sflag:s0] =	ssyncadd.tile.s32 @!p0 $0x1;
	_ =	shalt  }
.Lfunc_end2:
_tile_overlayer_lowered:
.L_overlay_start_2:
0x203: {  	(tag) =	ssettag $0x2  }
0x204: {  	s0 =	rddreg [dreg:$0x0];
	s2 =	stileid.u32  }
0x205: {  	s1 =	rddreg [dreg:$0x1];
	p0 =	sne.s32 s2, $0x0  }
0x206: {  	s3 =	rddreg [dreg:$0x2];
	[bflag:$0x3] =	sbarrier.arrive $0xFFFF;
	s2 =	simm.s32 @!p0 $0x1C0B  }
0x207: {  	[timem:s3], [sflag:s2] =	dma.local @!p0 [hbm:s0], s1  }
0x208: {  	s0 =	simm.s32 @!p0 $0xB  }
0x209: {  	_ =	swait.ge @!p0 [sflag:s0], s1  }
0x20a: {  	s1 =	ssub.s32 @!p0 $0x0, s1;
	[sflag:s0] =	ssyncset.done @!p0 $0x0  }
0x20b: {  	[sflag:s0] =	ssyncadd.s32 @!p0 s1  }
0x20c: {  	[bflag:$0x3] =	sbarrier.arrive $0xFFFF  }
0x20d: {  	_ =	shalt  }

</sc_bundles>
